<compile_context>
chip_gen: v7x
topology: tpu7x:2x2x1
jax: 0.10.2.dev20260603
libtpu: 0.0.44.dev20260713+nightly
codegen_flags: <defaults>
</compile_context>

<pallas_src>
import jax
import jax.numpy as jnp
from jax import lax
from jax.experimental import pallas as pl
from jax.experimental.pallas import tpu as pltpu
from jax.experimental.pallas import tpu_sc as plsc

_N_ATOMS = 100000
_EMB = 128
_N_ELEM = 94
_INFO = plsc.get_sparse_core_info()
_NW = _INFO.num_cores * _INFO.num_subcores
_CHUNK = 128
_SLAB = 3128
_SLAB_LAST = _N_ATOMS - (_NW - 1) * _SLAB
_NBUF = 4
_LAG = 2

_SIZES_MAIN = [_CHUNK] * 24 + [56]
_SIZES_LAST = [_CHUNK] * 23 + [88]
_OFFS = [i * _CHUNK for i in range(25)]


def _pipeline(base, sizes, idx_v, w_hbm, w_v, out_hbm, bufs, gsem, psem,
              ssem, barrier):
    nch = len(sizes)

    def gather(j):
        src, sem = (w_hbm, psem) if j < _LAG else (w_v, gsem)
        n = sizes[j]
        pltpu.async_copy(src.at[idx_v.at[pl.ds(_OFFS[j], n)]],
                         bufs[j % _NBUF].at[pl.ds(0, n)], sem)

    def gather_wait(j):
        src, sem = (w_hbm, psem) if j < _LAG else (w_v, gsem)
        n = sizes[j]
        pltpu.make_async_copy(src.at[idx_v.at[pl.ds(_OFFS[j], n)]],
                              bufs[j % _NBUF].at[pl.ds(0, n)], sem).wait()

    def scatter(j, wait):
        n = sizes[j]
        src = bufs[j % _NBUF].at[pl.ds(0, n)]
        dst = out_hbm.at[pl.ds(pl.multiple_of(base + _OFFS[j], 8), n)]
        if wait:
            pltpu.make_async_copy(src, dst, ssem).wait()
        else:
            pltpu.async_copy(src, dst, ssem)

    for j in range(_LAG):
        gather(j)
    barrier()
    for j in range(nch):
        gather_wait(j)
        scatter(j, wait=False)
        if j >= _LAG:
            scatter(j - _LAG, wait=True)
        if j + _LAG < nch:
            gather(j + _LAG)
    for j in range(nch - _LAG, nch):
        scatter(j, wait=True)


def _body(z_hbm, w_hbm, out_hbm, idx_v, w_v, b0, b1, b2, b3, gsem, psem,
          ssem):
    bufs = (b0, b1, b2, b3)
    wid = lax.axis_index("s") * _INFO.num_cores + lax.axis_index("c")
    base = pl.multiple_of(wid * _SLAB, 8)

    @pl.when(lax.axis_index("s") == 0)
    def _():
        pltpu.sync_copy(w_hbm, w_v)

    def barrier():
        plsc.subcore_barrier()

    @pl.when(wid < _NW - 1)
    def _():
        pltpu.sync_copy(z_hbm.at[pl.ds(base, _SLAB)], idx_v)
        _pipeline(base, _SIZES_MAIN, idx_v, w_hbm, w_v, out_hbm, bufs,
                  gsem, psem, ssem, barrier)

    @pl.when(wid == _NW - 1)
    def _():
        pltpu.sync_copy(z_hbm.at[pl.ds(base, _SLAB_LAST)],
                        idx_v.at[pl.ds(0, _SLAB_LAST)])
        _pipeline(base, _SIZES_LAST, idx_v, w_hbm, w_v, out_hbm, bufs,
                  gsem, psem, ssem, barrier)


@jax.jit
def kernel(Z, W):
    w95 = jnp.concatenate([jnp.zeros((1, _EMB), jnp.float32), W])
    mesh = plsc.VectorSubcoreMesh(core_axis_name="c", subcore_axis_name="s")
    return pl.kernel(
        _body,
        out_type=jax.ShapeDtypeStruct((_N_ATOMS, _EMB), jnp.float32),
        mesh=mesh,
        scratch_types=[
            pltpu.VMEM((_SLAB,), jnp.int32),
            pltpu.VMEM_SHARED((_N_ELEM + 1, _EMB), jnp.float32),
            pltpu.VMEM((_CHUNK, _EMB), jnp.float32),
            pltpu.VMEM((_CHUNK, _EMB), jnp.float32),
            pltpu.VMEM((_CHUNK, _EMB), jnp.float32),
            pltpu.VMEM((_CHUNK, _EMB), jnp.float32),
            pltpu.SemaphoreType.DMA,
            pltpu.SemaphoreType.DMA,
            pltpu.SemaphoreType.DMA,
        ],
    )(Z, w95)

# --- scband reference (transcript-rebuilt; emitter-appended) ---
"""Pipeline reference for scband-atom-embedding-48309792146056 (READ-ONLY COPY).

The authoritative reference and input builder live on the scoring server;
editing this copy changes nothing except your own understanding.
"""

import jax, jax.numpy as jnp
import numpy as np

NUM_ATOMS = 100000
EMB_SIZE = 128
NUM_ELEMENTS = 94

def setup_inputs(seed: int = 0) -> dict:
    key = jax.random.key(seed)
    kZ, kW = jax.random.split(key)
    # Atomic numbers are 1-indexed (Z in [1, 94]); module indexes table with Z-1.
    Z = jax.random.randint(kZ, (NUM_ATOMS,), 1, NUM_ELEMENTS + 1, dtype=jnp.int32)
    # torch.nn.init.uniform_(weight, a=-sqrt(3), b=sqrt(3))
    W = jax.random.uniform(kW, (NUM_ELEMENTS, EMB_SIZE), dtype=jnp.float32,
                           minval=-np.sqrt(3), maxval=np.sqrt(3))
    return {"Z": Z, "W": W}

def reference(Z, W):
    # AtomEmbedding.forward: embedding lookup at (Z - 1)
    return jnp.take(W, Z - 1, axis=0)

if __name__ == "__main__":
    import jax
    _d = setup_inputs()
    print(jax.jit(kernel)(*tuple(_d.values())))

</pallas_src>

<mosaic_0001>
#map = affine_map<(d0, d1) -> (0)>
#map1 = affine_map<(d0, d1) -> (0, 0)>
module attributes {stable_mosaic.version = 14 : i64} {
  func.func @_body(%arg0: i32, %arg1: i32, %arg2: memref<100000xi32, #tpu.memory_space<hbm>>, %arg3: memref<95x128xf32, #tpu.memory_space<hbm>>, %arg4: memref<100000x128xf32, #tpu.memory_space<hbm>>, %arg5: memref<3128xi32, #tpu.memory_space<vmem>>, %arg6: memref<95x128xf32, #tpu.memory_space<vmem_shared>>, %arg7: memref<128x128xf32, #tpu.memory_space<vmem>>, %arg8: memref<128x128xf32, #tpu.memory_space<vmem>>, %arg9: memref<128x128xf32, #tpu.memory_space<vmem>>, %arg10: memref<128x128xf32, #tpu.memory_space<vmem>>, %arg11: memref<!tpu.dma_semaphore, #tpu.memory_space<semaphore_mem>>, %arg12: memref<!tpu.dma_semaphore, #tpu.memory_space<semaphore_mem>>, %arg13: memref<!tpu.dma_semaphore, #tpu.memory_space<semaphore_mem>>) attributes {dimension_semantics = [#tpu.dimension_semantics<core_parallel>, #tpu.dimension_semantics<subcore_parallel>], iteration_bounds = array<i64: 2, 16>, scalar_prefetch = 0 : i64, scratch_operands = 9 : i64, tpu.core_type = #tpu.core_type<sc_vector_subcore>, window_params = [{transform_indices = #map}, {transform_indices = #map1}, {transform_indices = #map1}]} {
    %mul3A = arith.constant 2 : i32
    %mul3A_0 = arith.muli %arg1, %mul3A : i32
    %add3A = arith.addi %mul3A_0, %arg0 : i32
    %mul3A_1 = arith.constant 3128 : i32
    %mul3A_2 = arith.muli %add3A, %mul3A_1 : i32
    %multiple_of3A = tpu.assume_multiple %mul3A_2, 8 : i32
    %eq3A = arith.constant 0 : i32
    %eq3A_3 = arith.cmpi eq, %arg1, %eq3A : i32
    %convert_element_type3A = arith.extui %eq3A_3 : i1 to i32
    %cond3A = arith.constant 0 : i32
    %cond3A_4 = arith.cmpi ne, %convert_element_type3A, %cond3A : i32
    scf.if %cond3A_4 {
      "tpu.region"() ({
        %run_scoped3A = tpu.sem_alloc : memref<!tpu.dma_semaphore, #tpu.memory_space<semaphore_mem>>
        tpu.enqueue_dma source(%arg3 : memref<95x128xf32, #tpu.memory_space<hbm>>) target(%arg6 : memref<95x128xf32, #tpu.memory_space<vmem_shared>>) target_semaphore(%run_scoped3A : memref<!tpu.dma_semaphore, #tpu.memory_space<semaphore_mem>>)
        tpu.wait_dma2 semaphore(%run_scoped3A : memref<!tpu.dma_semaphore, #tpu.memory_space<semaphore_mem>>) src(%arg3 : memref<95x128xf32, #tpu.memory_space<hbm>>) dst(%arg6 : memref<95x128xf32, #tpu.memory_space<vmem_shared>>)
        tpu.yield
      }) : () -> ()
    } else {
    }
    %lt3A = arith.constant 31 : i32
    %lt3A_5 = arith.cmpi slt, %add3A, %lt3A : i32
    %convert_element_type3A_6 = arith.extui %lt3A_5 : i1 to i32
    %cond3A_7 = arith.constant 0 : i32
    %cond3A_8 = arith.cmpi ne, %convert_element_type3A_6, %cond3A_7 : i32
    scf.if %cond3A_8 {
      "tpu.region"() ({
        %run_scoped3A = tpu.sem_alloc : memref<!tpu.dma_semaphore, #tpu.memory_space<semaphore_mem>>
        %dma_start3A_1062 = tpu.memref_slice %arg2[%multiple_of3A] : memref<100000xi32, #tpu.memory_space<hbm>> -> memref<3128xi32, #tpu.memory_space<hbm>>
        %dma_start3A_1063 = tpu.memref_slice %arg2[%multiple_of3A] : memref<100000xi32, #tpu.memory_space<hbm>> -> memref<3128xi32, #tpu.memory_space<hbm>>
        tpu.enqueue_dma source(%dma_start3A_1063 : memref<3128xi32, #tpu.memory_space<hbm>>) target(%arg5 : memref<3128xi32, #tpu.memory_space<vmem>>) target_semaphore(%run_scoped3A : memref<!tpu.dma_semaphore, #tpu.memory_space<semaphore_mem>>)
        %dma_wait3A_1064 = tpu.memref_slice %arg2[%multiple_of3A] : memref<100000xi32, #tpu.memory_space<hbm>> -> memref<3128xi32, #tpu.memory_space<hbm>>
        %dma_wait3A_1065 = tpu.memref_slice %arg2[%multiple_of3A] : memref<100000xi32, #tpu.memory_space<hbm>> -> memref<3128xi32, #tpu.memory_space<hbm>>
        tpu.wait_dma2 semaphore(%run_scoped3A : memref<!tpu.dma_semaphore, #tpu.memory_space<semaphore_mem>>) src(%dma_wait3A_1065 : memref<3128xi32, #tpu.memory_space<hbm>>) dst(%arg5 : memref<3128xi32, #tpu.memory_space<vmem>>)
        tpu.yield
      }) : () -> ()
      %dma_start3A = arith.constant 0 : i32
      %dma_start3A_14 = arith.constant 0 : i32
      %dma_start3A_15 = tpu.memref_slice %arg7[%dma_start3A, %dma_start3A_14] : memref<128x128xf32, #tpu.memory_space<vmem>> -> memref<128x128xf32, #tpu.memory_space<vmem>>
      %dma_start3A_16 = arith.constant 0 : i32
      %dma_start3A_17 = tpu.memref_slice %arg5[%dma_start3A_16] : memref<3128xi32, #tpu.memory_space<vmem>> -> memref<128xi32, #tpu.memory_space<vmem>>
      %dma_start3A_18 = arith.constant 0 : i32
      %dma_start3A_19 = arith.constant 0 : i32
      %dma_start3A_20 = tpu.memref_slice %arg3[%dma_start3A_18, %dma_start3A_19] : memref<95x128xf32, #tpu.memory_space<hbm>> -> memref<95x128xf32, #tpu.memory_space<hbm>>
      tpu.enqueue_indirect_dma source(%dma_start3A_20 : memref<95x128xf32, #tpu.memory_space<hbm>>) target(%dma_start3A_15 : memref<128x128xf32, #tpu.memory_space<vmem>>) offsets(%dma_start3A_17 : memref<128xi32, #tpu.memory_space<vmem>>) semaphore(%arg12 : memref<!tpu.dma_semaphore, #tpu.memory_space<semaphore_mem>>)
      %dma_start3A_21 = arith.constant 0 : i32
      %dma_start3A_22 = arith.constant 0 : i32
      %dma_start3A_23 = tpu.memref_slice %arg8[%dma_start3A_21, %dma_start3A_22] : memref<128x128xf32, #tpu.memory_space<vmem>> -> memref<128x128xf32, #tpu.memory_space<vmem>>
      %dma_start3A_24 = arith.constant 128 : i32
      %dma_start3A_25 = tpu.memref_slice %arg5[%dma_start3A_24] : memref<3128xi32, #tpu.memory_space<vmem>> -> memref<128xi32, #tpu.memory_space<vmem>>
      %dma_start3A_26 = arith.constant 0 : i32
      %dma_start3A_27 = arith.constant 0 : i32
      %dma_start3A_28 = tpu.memref_slice %arg3[%dma_start3A_26, %dma_start3A_27] : memref<95x128xf32, #tpu.memory_space<hbm>> -> memref<95x128xf32, #tpu.memory_space<hbm>>
      tpu.enqueue_indirect_dma source(%dma_start3A_28 : memref<95x128xf32, #tpu.memory_space<hbm>>) target(%dma_start3A_23 : memref<128x128xf32, #tpu.memory_space<vmem>>) offsets(%dma_start3A_25 : memref<128xi32, #tpu.memory_space<vmem>>) semaphore(%arg12 : memref<!tpu.dma_semaphore, #tpu.memory_space<semaphore_mem>>)
      %barrier3A = arith.constant 0 : index
      tpu.barrier barrier_id(%barrier3A)
      %dma_wait3A = arith.constant 0 : i32
      %dma_wait3A_29 = arith.constant 0 : i32
      %dma_wait3A_30 = tpu.memref_slice %arg7[%dma_wait3A, %dma_wait3A_29] : memref<128x128xf32, #tpu.memory_space<vmem>> -> memref<128x128xf32, #tpu.memory_space<vmem>>
      %dma_wait3A_31 = arith.constant 0 : i32
      %dma_wait3A_32 = tpu.memref_slice %arg5[%dma_wait3A_31] : memref<3128xi32, #tpu.memory_space<vmem>> -> memref<128xi32, #tpu.memory_space<vmem>>
      %dma_wait3A_33 = arith.constant 0 : i32
      %dma_wait3A_34 = arith.constant 0 : i32
      %dma_wait3A_35 = tpu.memref_slice %arg3[%dma_wait3A_33, %dma_wait3A_34] : memref<95x128xf32, #tpu.memory_space<hbm>> -> memref<95x128xf32, #tpu.memory_space<hbm>>
      tpu.wait_indirect_dma semaphore(%arg12 : memref<!tpu.dma_semaphore, #tpu.memory_space<semaphore_mem>>) src(%dma_wait3A_35 : memref<95x128xf32, #tpu.memory_space<hbm>>) dst(%dma_wait3A_30 : memref<128x128xf32, #tpu.memory_space<vmem>>)
      %add3A_36 = arith.constant 0 : i32
      %add3A_37 = arith.addi %multiple_of3A, %add3A_36 : i32
      %multiple_of3A_38 = tpu.assume_multiple %add3A_37, 8 : i32
      %dma_start3A_39 = arith.constant 0 : i32
      %dma_start3A_40 = arith.constant 0 : i32
      %dma_start3A_41 = tpu.memref_slice %arg7[%dma_start3A_39, %dma_start3A_40] : memref<128x128xf32, #tpu.memory_space<vmem>> -> memref<128x128xf32, #tpu.memory_space<vmem>>
      %dma_start3A_42 = arith.constant 0 : i32
      %dma_start3A_43 = tpu.memref_slice %arg4[%multiple_of3A_38, %dma_start3A_42] : memref<100000x128xf32, #tpu.memory_space<hbm>> -> memref<128x128xf32, #tpu.memory_space<hbm>>
      %dma_start3A_44 = arith.constant 0 : i32
      %dma_start3A_45 = tpu.memref_slice %arg4[%multiple_of3A_38, %dma_start3A_44] : memref<100000x128xf32, #tpu.memory_space<hbm>> -> memref<128x128xf32, #tpu.memory_space<hbm>>
      %dma_start3A_46 = arith.constant 0 : i32
      %dma_start3A_47 = arith.constant 0 : i32
      %dma_start3A_48 = tpu.memref_slice %arg7[%dma_start3A_46, %dma_start3A_47] : memref<128x128xf32, #tpu.memory_space<vmem>> -> memref<128x128xf32, #tpu.memory_space<vmem>>
      tpu.enqueue_dma source(%dma_start3A_48 : memref<128x128xf32, #tpu.memory_space<vmem>>) target(%dma_start3A_45 : memref<128x128xf32, #tpu.memory_space<hbm>>) target_semaphore(%arg13 : memref<!tpu.dma_semaphore, #tpu.memory_space<semaphore_mem>>)
      %dma_start3A_49 = arith.constant 0 : i32
      %dma_start3A_50 = arith.constant 0 : i32
      %dma_start3A_51 = tpu.memref_slice %arg9[%dma_start3A_49, %dma_start3A_50] : memref<128x128xf32, #tpu.memory_space<vmem>> -> memref<128x128xf32, #tpu.memory_space<vmem>>
      %dma_start3A_52 = arith.constant 256 : i32
      %dma_start3A_53 = tpu.memref_slice %arg5[%dma_start3A_52] : memref<3128xi32, #tpu.memory_space<vmem>> -> memref<128xi32, #tpu.memory_space<vmem>>
      %dma_start3A_54 = arith.constant 0 : i32
      %dma_start3A_55 = arith.constant 0 : i32
      %dma_start3A_56 = tpu.memref_slice %arg6[%dma_start3A_54, %dma_start3A_55] : memref<95x128xf32, #tpu.memory_space<vmem_shared>> -> memref<95x128xf32, #tpu.memory_space<vmem_shared>>
      tpu.enqueue_indirect_dma source(%dma_start3A_56 : memref<95x128xf32, #tpu.memory_space<vmem_shared>>) target(%dma_start3A_51 : memref<128x128xf32, #tpu.memory_space<vmem>>) offsets(%dma_start3A_53 : memref<128xi32, #tpu.memory_space<vmem>>) semaphore(%arg11 : memref<!tpu.dma_semaphore, #tpu.memory_space<semaphore_mem>>)
      %dma_wait3A_57 = arith.constant 0 : i32
      %dma_wait3A_58 = arith.constant 0 : i32
      %dma_wait3A_59 = tpu.memref_slice %arg8[%dma_wait3A_57, %dma_wait3A_58] : memref<128x128xf32, #tpu.memory_space<vmem>> -> memref<128x128xf32, #tpu.memory_space<vmem>>
      %dma_wait3A_60 = arith.constant 128 : i32
      %dma_wait3A_61 = tpu.memref_slice %arg5[%dma_wait3A_60] : memref<3128xi32, #tpu.memory_space<vmem>> -> memref<128xi32, #tpu.memory_space<vmem>>
      %dma_wait3A_62 = arith.constant 0 : i32
      %dma_wait3A_63 = arith.constant 0 : i32
      %dma_wait3A_64 = tpu.memref_slice %arg3[%dma_wait3A_62, %dma_wait3A_63] : memref<95x128xf32, #tpu.memory_space<hbm>> -> memref<95x128xf32, #tpu.memory_space<hbm>>
      tpu.wait_indirect_dma semaphore(%arg12 : memref<!tpu.dma_semaphore, #tpu.memory_space<semaphore_mem>>) src(%dma_wait3A_64 : memref<95x128xf32, #tpu.memory_space<hbm>>) dst(%dma_wait3A_59 : memref<128x128xf32, #tpu.memory_space<vmem>>)
      %add3A_65 = arith.constant 128 : i32
      %add3A_66 = arith.addi %multiple_of3A, %add3A_65 : i32
      %multiple_of3A_67 = tpu.assume_multiple %add3A_66, 8 : i32
      %dma_start3A_68 = arith.constant 0 : i32
      %dma_start3A_69 = arith.constant 0 : i32
      %dma_start3A_70 = tpu.memref_slice %arg8[%dma_start3A_68, %dma_start3A_69] : memref<128x128xf32, #tpu.memory_space<vmem>> -> memref<128x128xf32, #tpu.memory_space<vmem>>
      %dma_start3A_71 = arith.constant 0 : i32
      %dma_start3A_72 = tpu.memref_slice %arg4[%multiple_of3A_67, %dma_start3A_71] : memref<100000x128xf32, #tpu.memory_space<hbm>> -> memref<128x128xf32, #tpu.memory_space<hbm>>
      %dma_start3A_73 = arith.constant 0 : i32
      %dma_start3A_74 = tpu.memref_slice %arg4[%multiple_of3A_67, %dma_start3A_73] : memref<100000x128xf32, #tpu.memory_space<hbm>> -> memref<128x128xf32, #tpu.memory_space<hbm>>
      %dma_start3A_75 = arith.constant 0 : i32
      %dma_start3A_76 = arith.constant 0 : i32
      %dma_start3A_77 = tpu.memref_slice %arg8[%dma_start3A_75, %dma_start3A_76] : memref<128x128xf32, #tpu.memory_space<vmem>> -> memref<128x128xf32, #tpu.memory_space<vmem>>
      tpu.enqueue_dma source(%dma_start3A_77 : memref<128x128xf32, #tpu.memory_space<vmem>>) target(%dma_start3A_74 : memref<128x128xf32, #tpu.memory_space<hbm>>) target_semaphore(%arg13 : memref<!tpu.dma_semaphore, #tpu.memory_space<semaphore_mem>>)
      %dma_start3A_78 = arith.constant 0 : i32
      %dma_start3A_79 = arith.constant 0 : i32
      %dma_start3A_80 = tpu.memref_slice %arg10[%dma_start3A_78, %dma_start3A_79] : memref<128x128xf32, #tpu.memory_space<vmem>> -> memref<128x128xf32, #tpu.memory_space<vmem>>
      %dma_start3A_81 = arith.constant 384 : i32
      %dma_start3A_82 = tpu.memref_slice %arg5[%dma_start3A_81] : memref<3128xi32, #tpu.memory_space<vmem>> -> memref<128xi32, #tpu.memory_space<vmem>>
      %dma_start3A_83 = arith.constant 0 : i32
      %dma_start3A_84 = arith.constant 0 : i32
      %dma_start3A_85 = tpu.memref_slice %arg6[%dma_start3A_83, %dma_start3A_84] : memref<95x128xf32, #tpu.memory_space<vmem_shared>> -> memref<95x128xf32, #tpu.memory_space<vmem_shared>>
      tpu.enqueue_indirect_dma source(%dma_start3A_85 : memref<95x128xf32, #tpu.memory_space<vmem_shared>>) target(%dma_start3A_80 : memref<128x128xf32, #tpu.memory_space<vmem>>) offsets(%dma_start3A_82 : memref<128xi32, #tpu.memory_space<vmem>>) semaphore(%arg11 : memref<!tpu.dma_semaphore, #tpu.memory_space<semaphore_mem>>)
      %dma_wait3A_86 = arith.constant 0 : i32
      %dma_wait3A_87 = arith.constant 0 : i32
      %dma_wait3A_88 = tpu.memref_slice %arg9[%dma_wait3A_86, %dma_wait3A_87] : memref<128x128xf32, #tpu.memory_space<vmem>> -> memref<128x128xf32, #tpu.memory_space<vmem>>
      %dma_wait3A_89 = arith.constant 256 : i32
      %dma_wait3A_90 = tpu.memref_slice %arg5[%dma_wait3A_89] : memref<3128xi32, #tpu.memory_space<vmem>> -> memref<128xi32, #tpu.memory_space<vmem>>
      %dma_wait3A_91 = arith.constant 0 : i32
      %dma_wait3A_92 = arith.constant 0 : i32
      %dma_wait3A_93 = tpu.memref_slice %arg6[%dma_wait3A_91, %dma_wait3A_92] : memref<95x128xf32, #tpu.memory_space<vmem_shared>> -> memref<95x128xf32, #tpu.memory_space<vmem_shared>>
      tpu.wait_indirect_dma semaphore(%arg11 : memref<!tpu.dma_semaphore, #tpu.memory_space<semaphore_mem>>) src(%dma_wait3A_93 : memref<95x128xf32, #tpu.memory_space<vmem_shared>>) dst(%dma_wait3A_88 : memref<128x128xf32, #tpu.memory_space<vmem>>)
      %add3A_94 = arith.constant 256 : i32
      %add3A_95 = arith.addi %multiple_of3A, %add3A_94 : i32
      %multiple_of3A_96 = tpu.assume_multiple %add3A_95, 8 : i32
      %dma_start3A_97 = arith.constant 0 : i32
      %dma_start3A_98 = arith.constant 0 : i32
      %dma_start3A_99 = tpu.memref_slice %arg9[%dma_start3A_97, %dma_start3A_98] : memref<128x128xf32, #tpu.memory_space<vmem>> -> memref<128x128xf32, #tpu.memory_space<vmem>>
      %dma_start3A_100 = arith.constant 0 : i32
      %dma_start3A_101 = tpu.memref_slice %arg4[%multiple_of3A_96, %dma_start3A_100] : memref<100000x128xf32, #tpu.memory_space<hbm>> -> memref<128x128xf32, #tpu.memory_space<hbm>>
      %dma_start3A_102 = arith.constant 0 : i32
      %dma_start3A_103 = tpu.memref_slice %arg4[%multiple_of3A_96, %dma_start3A_102] : memref<100000x128xf32, #tpu.memory_space<hbm>> -> memref<128x128xf32, #tpu.memory_space<hbm>>
      %dma_start3A_104 = arith.constant 0 : i32
      %dma_start3A_105 = arith.constant 0 : i32
      %dma_start3A_106 = tpu.memref_slice %arg9[%dma_start3A_104, %dma_start3A_105] : memref<128x128xf32, #tpu.memory_space<vmem>> -> memref<128x128xf32, #tpu.memory_space<vmem>>
      tpu.enqueue_dma source(%dma_start3A_106 : memref<128x128xf32, #tpu.memory_space<vmem>>) target(%dma_start3A_103 : memref<128x128xf32, #tpu.memory_space<hbm>>) target_semaphore(%arg13 : memref<!tpu.dma_semaphore, #tpu.memory_space<semaphore_mem>>)
      %add3A_107 = arith.constant 0 : i32
      %add3A_108 = arith.addi %multiple_of3A, %add3A_107 : i32
      %multiple_of3A_109 = tpu.assume_multiple %add3A_108, 8 : i32
      %dma_wait3A_110 = arith.constant 0 : i32
      %dma_wait3A_111 = arith.constant 0 : i32
      %dma_wait3A_112 = tpu.memref_slice %arg7[%dma_wait3A_110, %dma_wait3A_111] : memref<128x128xf32, #tpu.memory_space<vmem>> -> memref<128x128xf32, #tpu.memory_space<vmem>>
      %dma_wait3A_113 = arith.constant 0 : i32
      %dma_wait3A_114 = tpu.memref_slice %arg4[%multiple_of3A_109, %dma_wait3A_113] : memref<100000x128xf32, #tpu.memory_space<hbm>> -> memref<128x128xf32, #tpu.memory_space<hbm>>
      %dma_wait3A_115 = arith.constant 0 : i32
      %dma_wait3A_116 = tpu.memref_slice %arg4[%multiple_of3A_109, %dma_wait3A_115] : memref<100000x128xf32, #tpu.memory_space<hbm>> -> memref<128x128xf32, #tpu.memory_space<hbm>>
      %dma_wait3A_117 = arith.constant 0 : i32
      %dma_wait3A_118 = arith.constant 0 : i32
      %dma_wait3A_119 = tpu.memref_slice %arg7[%dma_wait3A_117, %dma_wait3A_118] : memref<128x128xf32, #tpu.memory_space<vmem>> -> memref<128x128xf32, #tpu.memory_space<vmem>>
      tpu.wait_dma2 semaphore(%arg13 : memref<!tpu.dma_semaphore, #tpu.memory_space<semaphore_mem>>) src(%dma_wait3A_119 : memref<128x128xf32, #tpu.memory_space<vmem>>) dst(%dma_wait3A_116 : memref<128x128xf32, #tpu.memory_space<hbm>>)
      %dma_start3A_120 = arith.constant 0 : i32
      %dma_start3A_121 = arith.constant 0 : i32
      %dma_start3A_122 = tpu.memref_slice %arg7[%dma_start3A_120, %dma_start3A_121] : memref<128x128xf32, #tpu.memory_space<vmem>> -> memref<128x128xf32, #tpu.memory_space<vmem>>
      %dma_start3A_123 = arith.constant 512 : i32
      %dma_start3A_124 = tpu.memref_slice %arg5[%dma_start3A_123] : memref<3128xi32, #tpu.memory_space<vmem>> -> memref<128xi32, #tpu.memory_space<vmem>>
      %dma_start3A_125 = arith.constant 0 : i32
      %dma_start3A_126 = arith.constant 0 : i32
      %dma_start3A_127 = tpu.memref_slice %arg6[%dma_start3A_125, %dma_start3A_126] : memref<95x128xf32, #tpu.memory_space<vmem_shared>> -> memref<95x128xf32, #tpu.memory_space<vmem_shared>>
      tpu.enqueue_indirect_dma source(%dma_start3A_127 : memref<95x128xf32, #tpu.memory_space<vmem_shared>>) target(%dma_start3A_122 : memref<128x128xf32, #tpu.memory_space<vmem>>) offsets(%dma_start3A_124 : memref<128xi32, #tpu.memory_space<vmem>>) semaphore(%arg11 : memref<!tpu.dma_semaphore, #tpu.memory_space<semaphore_mem>>)
      %dma_wait3A_128 = arith.constant 0 : i32
      %dma_wait3A_129 = arith.constant 0 : i32
      %dma_wait3A_130 = tpu.memref_slice %arg10[%dma_wait3A_128, %dma_wait3A_129] : memref<128x128xf32, #tpu.memory_space<vmem>> -> memref<128x128xf32, #tpu.memory_space<vmem>>
      %dma_wait3A_131 = arith.constant 384 : i32
      %dma_wait3A_132 = tpu.memref_slice %arg5[%dma_wait3A_131] : memref<3128xi32, #tpu.memory_space<vmem>> -> memref<128xi32, #tpu.memory_space<vmem>>
      %dma_wait3A_133 = arith.constant 0 : i32
      %dma_wait3A_134 = arith.constant 0 : i32
      %dma_wait3A_135 = tpu.memref_slice %arg6[%dma_wait3A_133, %dma_wait3A_134] : memref<95x128xf32, #tpu.memory_space<vmem_shared>> -> memref<95x128xf32, #tpu.memory_space<vmem_shared>>
      tpu.wait_indirect_dma semaphore(%arg11 : memref<!tpu.dma_semaphore, #tpu.memory_space<semaphore_mem>>) src(%dma_wait3A_135 : memref<95x128xf32, #tpu.memory_space<vmem_shared>>) dst(%dma_wait3A_130 : memref<128x128xf32, #tpu.memory_space<vmem>>)
      %add3A_136 = arith.constant 384 : i32
      %add3A_137 = arith.addi %multiple_of3A, %add3A_136 : i32
      %multiple_of3A_138 = tpu.assume_multiple %add3A_137, 8 : i32
      %dma_start3A_139 = arith.constant 0 : i32
      %dma_start3A_140 = arith.constant 0 : i32
      %dma_start3A_141 = tpu.memref_slice %arg10[%dma_start3A_139, %dma_start3A_140] : memref<128x128xf32, #tpu.memory_space<vmem>> -> memref<128x128xf32, #tpu.memory_space<vmem>>
      %dma_start3A_142 = arith.constant 0 : i32
      %dma_start3A_143 = tpu.memref_slice %arg4[%multiple_of3A_138, %dma_start3A_142] : memref<100000x128xf32, #tpu.memory_space<hbm>> -> memref<128x128xf32, #tpu.memory_space<hbm>>
      %dma_start3A_144 = arith.constant 0 : i32
      %dma_start3A_145 = tpu.memref_slice %arg4[%multiple_of3A_138, %dma_start3A_144] : memref<100000x128xf32, #tpu.memory_space<hbm>> -> memref<128x128xf32, #tpu.memory_space<hbm>>
      %dma_start3A_146 = arith.constant 0 : i32
      %dma_start3A_147 = arith.constant 0 : i32
      %dma_start3A_148 = tpu.memref_slice %arg10[%dma_start3A_146, %dma_start3A_147] : memref<128x128xf32, #tpu.memory_space<vmem>> -> memref<128x128xf32, #tpu.memory_space<vmem>>
      tpu.enqueue_dma source(%dma_start3A_148 : memref<128x128xf32, #tpu.memory_space<vmem>>) target(%dma_start3A_145 : memref<128x128xf32, #tpu.memory_space<hbm>>) target_semaphore(%arg13 : memref<!tpu.dma_semaphore, #tpu.memory_space<semaphore_mem>>)
      %add3A_149 = arith.constant 128 : i32
      %add3A_150 = arith.addi %multiple_of3A, %add3A_149 : i32
      %multiple_of3A_151 = tpu.assume_multiple %add3A_150, 8 : i32
      %dma_wait3A_152 = arith.constant 0 : i32
      %dma_wait3A_153 = arith.constant 0 : i32
      %dma_wait3A_154 = tpu.memref_slice %arg8[%dma_wait3A_152, %dma_wait3A_153] : memref<128x128xf32, #tpu.memory_space<vmem>> -> memref<128x128xf32, #tpu.memory_space<vmem>>
      %dma_wait3A_155 = arith.constant 0 : i32
      %dma_wait3A_156 = tpu.memref_slice %arg4[%multiple_of3A_151, %dma_wait3A_155] : memref<100000x128xf32, #tpu.memory_space<hbm>> -> memref<128x128xf32, #tpu.memory_space<hbm>>
      %dma_wait3A_157 = arith.constant 0 : i32
      %dma_wait3A_158 = tpu.memref_slice %arg4[%multiple_of3A_151, %dma_wait3A_157] : memref<100000x128xf32, #tpu.memory_space<hbm>> -> memref<128x128xf32, #tpu.memory_space<hbm>>
      %dma_wait3A_159 = arith.constant 0 : i32
      %dma_wait3A_160 = arith.constant 0 : i32
      %dma_wait3A_161 = tpu.memref_slice %arg8[%dma_wait3A_159, %dma_wait3A_160] : memref<128x128xf32, #tpu.memory_space<vmem>> -> memref<128x128xf32, #tpu.memory_space<vmem>>
      tpu.wait_dma2 semaphore(%arg13 : memref<!tpu.dma_semaphore, #tpu.memory_space<semaphore_mem>>) src(%dma_wait3A_161 : memref<128x128xf32, #tpu.memory_space<vmem>>) dst(%dma_wait3A_158 : memref<128x128xf32, #tpu.memory_space<hbm>>)
      %dma_start3A_162 = arith.constant 0 : i32
      %dma_start3A_163 = arith.constant 0 : i32
      %dma_start3A_164 = tpu.memref_slice %arg8[%dma_start3A_162, %dma_start3A_163] : memref<128x128xf32, #tpu.memory_space<vmem>> -> memref<128x128xf32, #tpu.memory_space<vmem>>
      %dma_start3A_165 = arith.constant 640 : i32
      %dma_start3A_166 = tpu.memref_slice %arg5[%dma_start3A_165] : memref<3128xi32, #tpu.memory_space<vmem>> -> memref<128xi32, #tpu.memory_space<vmem>>
      %dma_start3A_167 = arith.constant 0 : i32
      %dma_start3A_168 = arith.constant 0 : i32
      %dma_start3A_169 = tpu.memref_slice %arg6[%dma_start3A_167, %dma_start3A_168] : memref<95x128xf32, #tpu.memory_space<vmem_shared>> -> memref<95x128xf32, #tpu.memory_space<vmem_shared>>
      tpu.enqueue_indirect_dma source(%dma_start3A_169 : memref<95x128xf32, #tpu.memory_space<vmem_shared>>) target(%dma_start3A_164 : memref<128x128xf32, #tpu.memory_space<vmem>>) offsets(%dma_start3A_166 : memref<128xi32, #tpu.memory_space<vmem>>) semaphore(%arg11 : memref<!tpu.dma_semaphore, #tpu.memory_space<semaphore_mem>>)
      %dma_wait3A_170 = arith.constant 0 : i32
      %dma_wait3A_171 = arith.constant 0 : i32
      %dma_wait3A_172 = tpu.memref_slice %arg7[%dma_wait3A_170, %dma_wait3A_171] : memref<128x128xf32, #tpu.memory_space<vmem>> -> memref<128x128xf32, #tpu.memory_space<vmem>>
      %dma_wait3A_173 = arith.constant 512 : i32
      %dma_wait3A_174 = tpu.memref_slice %arg5[%dma_wait3A_173] : memref<3128xi32, #tpu.memory_space<vmem>> -> memref<128xi32, #tpu.memory_space<vmem>>
      %dma_wait3A_175 = arith.constant 0 : i32
      %dma_wait3A_176 = arith.constant 0 : i32
      %dma_wait3A_177 = tpu.memref_slice %arg6[%dma_wait3A_175, %dma_wait3A_176] : memref<95x128xf32, #tpu.memory_space<vmem_shared>> -> memref<95x128xf32, #tpu.memory_space<vmem_shared>>
      tpu.wait_indirect_dma semaphore(%arg11 : memref<!tpu.dma_semaphore, #tpu.memory_space<semaphore_mem>>) src(%dma_wait3A_177 : memref<95x128xf32, #tpu.memory_space<vmem_shared>>) dst(%dma_wait3A_172 : memref<128x128xf32, #tpu.memory_space<vmem>>)
      %add3A_178 = arith.constant 512 : i32
      %add3A_179 = arith.addi %multiple_of3A, %add3A_178 : i32
      %multiple_of3A_180 = tpu.assume_multiple %add3A_179, 8 : i32
      %dma_start3A_181 = arith.constant 0 : i32
      %dma_start3A_182 = arith.constant 0 : i32
      %dma_start3A_183 = tpu.memref_slice %arg7[%dma_start3A_181, %dma_start3A_182] : memref<128x128xf32, #tpu.memory_space<vmem>> -> memref<128x128xf32, #tpu.memory_space<vmem>>
      %dma_start3A_184 = arith.constant 0 : i32
      %dma_start3A_185 = tpu.memref_slice %arg4[%multiple_of3A_180, %dma_start3A_184] : memref<100000x128xf32, #tpu.memory_space<hbm>> -> memref<128x128xf32, #tpu.memory_space<hbm>>
      %dma_start3A_186 = arith.constant 0 : i32
      %dma_start3A_187 = tpu.memref_slice %arg4[%multiple_of3A_180, %dma_start3A_186] : memref<100000x128xf32, #tpu.memory_space<hbm>> -> memref<128x128xf32, #tpu.memory_space<hbm>>
      %dma_start3A_188 = arith.constant 0 : i32
      %dma_start3A_189 = arith.constant 0 : i32
      %dma_start3A_190 = tpu.memref_slice %arg7[%dma_start3A_188, %dma_start3A_189] : memref<128x128xf32, #tpu.memory_space<vmem>> -> memref<128x128xf32, #tpu.memory_space<vmem>>
      tpu.enqueue_dma source(%dma_start3A_190 : memref<128x128xf32, #tpu.memory_space<vmem>>) target(%dma_start3A_187 : memref<128x128xf32, #tpu.memory_space<hbm>>) target_semaphore(%arg13 : memref<!tpu.dma_semaphore, #tpu.memory_space<semaphore_mem>>)
      %add3A_191 = arith.constant 256 : i32
      %add3A_192 = arith.addi %multiple_of3A, %add3A_191 : i32
      %multiple_of3A_193 = tpu.assume_multiple %add3A_192, 8 : i32
      %dma_wait3A_194 = arith.constant 0 : i32
      %dma_wait3A_195 = arith.constant 0 : i32
      %dma_wait3A_196 = tpu.memref_slice %arg9[%dma_wait3A_194, %dma_wait3A_195] : memref<128x128xf32, #tpu.memory_space<vmem>> -> memref<128x128xf32, #tpu.memory_space<vmem>>
      %dma_wait3A_197 = arith.constant 0 : i32
      %dma_wait3A_198 = tpu.memref_slice %arg4[%multiple_of3A_193, %dma_wait3A_197] : memref<100000x128xf32, #tpu.memory_space<hbm>> -> memref<128x128xf32, #tpu.memory_space<hbm>>
      %dma_wait3A_199 = arith.constant 0 : i32
      %dma_wait3A_200 = tpu.memref_slice %arg4[%multiple_of3A_193, %dma_wait3A_199] : memref<100000x128xf32, #tpu.memory_space<hbm>> -> memref<128x128xf32, #tpu.memory_space<hbm>>
      %dma_wait3A_201 = arith.constant 0 : i32
      %dma_wait3A_202 = arith.constant 0 : i32
      %dma_wait3A_203 = tpu.memref_slice %arg9[%dma_wait3A_201, %dma_wait3A_202] : memref<128x128xf32, #tpu.memory_space<vmem>> -> memref<128x128xf32, #tpu.memory_space<vmem>>
      tpu.wait_dma2 semaphore(%arg13 : memref<!tpu.dma_semaphore, #tpu.memory_space<semaphore_mem>>) src(%dma_wait3A_203 : memref<128x128xf32, #tpu.memory_space<vmem>>) dst(%dma_wait3A_200 : memref<128x128xf32, #tpu.memory_space<hbm>>)
      %dma_start3A_204 = arith.constant 0 : i32
      %dma_start3A_205 = arith.constant 0 : i32
      %dma_start3A_206 = tpu.memref_slice %arg9[%dma_start3A_204, %dma_start3A_205] : memref<128x128xf32, #tpu.memory_space<vmem>> -> memref<128x128xf32, #tpu.memory_space<vmem>>
      %dma_start3A_207 = arith.constant 768 : i32
      %dma_start3A_208 = tpu.memref_slice %arg5[%dma_start3A_207] : memref<3128xi32, #tpu.memory_space<vmem>> -> memref<128xi32, #tpu.memory_space<vmem>>
      %dma_start3A_209 = arith.constant 0 : i32
      %dma_start3A_210 = arith.constant 0 : i32
      %dma_start3A_211 = tpu.memref_slice %arg6[%dma_start3A_209, %dma_start3A_210] : memref<95x128xf32, #tpu.memory_space<vmem_shared>> -> memref<95x128xf32, #tpu.memory_space<vmem_shared>>
      tpu.enqueue_indirect_dma source(%dma_start3A_211 : memref<95x128xf32, #tpu.memory_space<vmem_shared>>) target(%dma_start3A_206 : memref<128x128xf32, #tpu.memory_space<vmem>>) offsets(%dma_start3A_208 : memref<128xi32, #tpu.memory_space<vmem>>) semaphore(%arg11 : memref<!tpu.dma_semaphore, #tpu.memory_space<semaphore_mem>>)
      %dma_wait3A_212 = arith.constant 0 : i32
      %dma_wait3A_213 = arith.constant 0 : i32
      %dma_wait3A_214 = tpu.memref_slice %arg8[%dma_wait3A_212, %dma_wait3A_213] : memref<128x128xf32, #tpu.memory_space<vmem>> -> memref<128x128xf32, #tpu.memory_space<vmem>>
      %dma_wait3A_215 = arith.constant 640 : i32
      %dma_wait3A_216 = tpu.memref_slice %arg5[%dma_wait3A_215] : memref<3128xi32, #tpu.memory_space<vmem>> -> memref<128xi32, #tpu.memory_space<vmem>>
      %dma_wait3A_217 = arith.constant 0 : i32
      %dma_wait3A_218 = arith.constant 0 : i32
      %dma_wait3A_219 = tpu.memref_slice %arg6[%dma_wait3A_217, %dma_wait3A_218] : memref<95x128xf32, #tpu.memory_space<vmem_shared>> -> memref<95x128xf32, #tpu.memory_space<vmem_shared>>
      tpu.wait_indirect_dma semaphore(%arg11 : memref<!tpu.dma_semaphore, #tpu.memory_space<semaphore_mem>>) src(%dma_wait3A_219 : memref<95x128xf32, #tpu.memory_space<vmem_shared>>) dst(%dma_wait3A_214 : memref<128x128xf32, #tpu.memory_space<vmem>>)
      %add3A_220 = arith.constant 640 : i32
      %add3A_221 = arith.addi %multiple_of3A, %add3A_220 : i32
      %multiple_of3A_222 = tpu.assume_multiple %add3A_221, 8 : i32
      %dma_start3A_223 = arith.constant 0 : i32
      %dma_start3A_224 = arith.constant 0 : i32
      %dma_start3A_225 = tpu.memref_slice %arg8[%dma_start3A_223, %dma_start3A_224] : memref<128x128xf32, #tpu.memory_space<vmem>> -> memref<128x128xf32, #tpu.memory_space<vmem>>
      %dma_start3A_226 = arith.constant 0 : i32
      %dma_start3A_227 = tpu.memref_slice %arg4[%multiple_of3A_222, %dma_start3A_226] : memref<100000x128xf32, #tpu.memory_space<hbm>> -> memref<128x128xf32, #tpu.memory_space<hbm>>
      %dma_start3A_228 = arith.constant 0 : i32
      %dma_start3A_229 = tpu.memref_slice %arg4[%multiple_of3A_222, %dma_start3A_228] : memref<100000x128xf32, #tpu.memory_space<hbm>> -> memref<128x128xf32, #tpu.memory_space<hbm>>
      %dma_start3A_230 = arith.constant 0 : i32
      %dma_start3A_231 = arith.constant 0 : i32
      %dma_start3A_232 = tpu.memref_slice %arg8[%dma_start3A_230, %dma_start3A_231] : memref<128x128xf32, #tpu.memory_space<vmem>> -> memref<128x128xf32, #tpu.memory_space<vmem>>
      tpu.enqueue_dma source(%dma_start3A_232 : memref<128x128xf32, #tpu.memory_space<vmem>>) target(%dma_start3A_229 : memref<128x128xf32, #tpu.memory_space<hbm>>) target_semaphore(%arg13 : memref<!tpu.dma_semaphore, #tpu.memory_space<semaphore_mem>>)
      %add3A_233 = arith.constant 384 : i32
      %add3A_234 = arith.addi %multiple_of3A, %add3A_233 : i32
      %multiple_of3A_235 = tpu.assume_multiple %add3A_234, 8 : i32
      %dma_wait3A_236 = arith.constant 0 : i32
      %dma_wait3A_237 = arith.constant 0 : i32
      %dma_wait3A_238 = tpu.memref_slice %arg10[%dma_wait3A_236, %dma_wait3A_237] : memref<128x128xf32, #tpu.memory_space<vmem>> -> memref<128x128xf32, #tpu.memory_space<vmem>>
      %dma_wait3A_239 = arith.constant 0 : i32
      %dma_wait3A_240 = tpu.memref_slice %arg4[%multiple_of3A_235, %dma_wait3A_239] : memref<100000x128xf32, #tpu.memory_space<hbm>> -> memref<128x128xf32, #tpu.memory_space<hbm>>
      %dma_wait3A_241 = arith.constant 0 : i32
      %dma_wait3A_242 = tpu.memref_slice %arg4[%multiple_of3A_235, %dma_wait3A_241] : memref<100000x128xf32, #tpu.memory_space<hbm>> -> memref<128x128xf32, #tpu.memory_space<hbm>>
      %dma_wait3A_243 = arith.constant 0 : i32
      %dma_wait3A_244 = arith.constant 0 : i32
      %dma_wait3A_245 = tpu.memref_slice %arg10[%dma_wait3A_243, %dma_wait3A_244] : memref<128x128xf32, #tpu.memory_space<vmem>> -> memref<128x128xf32, #tpu.memory_space<vmem>>
      tpu.wait_dma2 semaphore(%arg13 : memref<!tpu.dma_semaphore, #tpu.memory_space<semaphore_mem>>) src(%dma_wait3A_245 : memref<128x128xf32, #tpu.memory_space<vmem>>) dst(%dma_wait3A_242 : memref<128x128xf32, #tpu.memory_space<hbm>>)
      %dma_start3A_246 = arith.constant 0 : i32
      %dma_start3A_247 = arith.constant 0 : i32
      %dma_start3A_248 = tpu.memref_slice %arg10[%dma_start3A_246, %dma_start3A_247] : memref<128x128xf32, #tpu.memory_space<vmem>> -> memref<128x128xf32, #tpu.memory_space<vmem>>
      %dma_start3A_249 = arith.constant 896 : i32
      %dma_start3A_250 = tpu.memref_slice %arg5[%dma_start3A_249] : memref<3128xi32, #tpu.memory_space<vmem>> -> memref<128xi32, #tpu.memory_space<vmem>>
      %dma_start3A_251 = arith.constant 0 : i32
      %dma_start3A_252 = arith.constant 0 : i32
      %dma_start3A_253 = tpu.memref_slice %arg6[%dma_start3A_251, %dma_start3A_252] : memref<95x128xf32, #tpu.memory_space<vmem_shared>> -> memref<95x128xf32, #tpu.memory_space<vmem_shared>>
      tpu.enqueue_indirect_dma source(%dma_start3A_253 : memref<95x128xf32, #tpu.memory_space<vmem_shared>>) target(%dma_start3A_248 : memref<128x128xf32, #tpu.memory_space<vmem>>) offsets(%dma_start3A_250 : memref<128xi32, #tpu.memory_space<vmem>>) semaphore(%arg11 : memref<!tpu.dma_semaphore, #tpu.memory_space<semaphore_mem>>)
      %dma_wait3A_254 = arith.constant 0 : i32
      %dma_wait3A_255 = arith.constant 0 : i32
      %dma_wait3A_256 = tpu.memref_slice %arg9[%dma_wait3A_254, %dma_wait3A_255] : memref<128x128xf32, #tpu.memory_space<vmem>> -> memref<128x128xf32, #tpu.memory_space<vmem>>
      %dma_wait3A_257 = arith.constant 768 : i32
      %dma_wait3A_258 = tpu.memref_slice %arg5[%dma_wait3A_257] : memref<3128xi32, #tpu.memory_space<vmem>> -> memref<128xi32, #tpu.memory_space<vmem>>
      %dma_wait3A_259 = arith.constant 0 : i32
      %dma_wait3A_260 = arith.constant 0 : i32
      %dma_wait3A_261 = tpu.memref_slice %arg6[%dma_wait3A_259, %dma_wait3A_260] : memref<95x128xf32, #tpu.memory_space<vmem_shared>> -> memref<95x128xf32, #tpu.memory_space<vmem_shared>>
      tpu.wait_indirect_dma semaphore(%arg11 : memref<!tpu.dma_semaphore, #tpu.memory_space<semaphore_mem>>) src(%dma_wait3A_261 : memref<95x128xf32, #tpu.memory_space<vmem_shared>>) dst(%dma_wait3A_256 : memref<128x128xf32, #tpu.memory_space<vmem>>)
      %add3A_262 = arith.constant 768 : i32
      %add3A_263 = arith.addi %multiple_of3A, %add3A_262 : i32
      %multiple_of3A_264 = tpu.assume_multiple %add3A_263, 8 : i32
      %dma_start3A_265 = arith.constant 0 : i32
      %dma_start3A_266 = arith.constant 0 : i32
      %dma_start3A_267 = tpu.memref_slice %arg9[%dma_start3A_265, %dma_start3A_266] : memref<128x128xf32, #tpu.memory_space<vmem>> -> memref<128x128xf32, #tpu.memory_space<vmem>>
      %dma_start3A_268 = arith.constant 0 : i32
      %dma_start3A_269 = tpu.memref_slice %arg4[%multiple_of3A_264, %dma_start3A_268] : memref<100000x128xf32, #tpu.memory_space<hbm>> -> memref<128x128xf32, #tpu.memory_space<hbm>>
      %dma_start3A_270 = arith.constant 0 : i32
      %dma_start3A_271 = tpu.memref_slice %arg4[%multiple_of3A_264, %dma_start3A_270] : memref<100000x128xf32, #tpu.memory_space<hbm>> -> memref<128x128xf32, #tpu.memory_space<hbm>>
      %dma_start3A_272 = arith.constant 0 : i32
      %dma_start3A_273 = arith.constant 0 : i32
      %dma_start3A_274 = tpu.memref_slice %arg9[%dma_start3A_272, %dma_start3A_273] : memref<128x128xf32, #tpu.memory_space<vmem>> -> memref<128x128xf32, #tpu.memory_space<vmem>>
      tpu.enqueue_dma source(%dma_start3A_274 : memref<128x128xf32, #tpu.memory_space<vmem>>) target(%dma_start3A_271 : memref<128x128xf32, #tpu.memory_space<hbm>>) target_semaphore(%arg13 : memref<!tpu.dma_semaphore, #tpu.memory_space<semaphore_mem>>)
      %add3A_275 = arith.constant 512 : i32
      %add3A_276 = arith.addi %multiple_of3A, %add3A_275 : i32
      %multiple_of3A_277 = tpu.assume_multiple %add3A_276, 8 : i32
      %dma_wait3A_278 = arith.constant 0 : i32
      %dma_wait3A_279 = arith.constant 0 : i32
      %dma_wait3A_280 = tpu.memref_slice %arg7[%dma_wait3A_278, %dma_wait3A_279] : memref<128x128xf32, #tpu.memory_space<vmem>> -> memref<128x128xf32, #tpu.memory_space<vmem>>
      %dma_wait3A_281 = arith.constant 0 : i32
      %dma_wait3A_282 = tpu.memref_slice %arg4[%multiple_of3A_277, %dma_wait3A_281] : memref<100000x128xf32, #tpu.memory_space<hbm>> -> memref<128x128xf32, #tpu.memory_space<hbm>>
      %dma_wait3A_283 = arith.constant 0 : i32
      %dma_wait3A_284 = tpu.memref_slice %arg4[%multiple_of3A_277, %dma_wait3A_283] : memref<100000x128xf32, #tpu.memory_space<hbm>> -> memref<128x128xf32, #tpu.memory_space<hbm>>
      %dma_wait3A_285 = arith.constant 0 : i32
      %dma_wait3A_286 = arith.constant 0 : i32
      %dma_wait3A_287 = tpu.memref_slice %arg7[%dma_wait3A_285, %dma_wait3A_286] : memref<128x128xf32, #tpu.memory_space<vmem>> -> memref<128x128xf32, #tpu.memory_space<vmem>>
      tpu.wait_dma2 semaphore(%arg13 : memref<!tpu.dma_semaphore, #tpu.memory_space<semaphore_mem>>) src(%dma_wait3A_287 : memref<128x128xf32, #tpu.memory_space<vmem>>) dst(%dma_wait3A_284 : memref<128x128xf32, #tpu.memory_space<hbm>>)
      %dma_start3A_288 = arith.constant 0 : i32
      %dma_start3A_289 = arith.constant 0 : i32
      %dma_start3A_290 = tpu.memref_slice %arg7[%dma_start3A_288, %dma_start3A_289] : memref<128x128xf32, #tpu.memory_space<vmem>> -> memref<128x128xf32, #tpu.memory_space<vmem>>
      %dma_start3A_291 = arith.constant 1024 : i32
      %dma_start3A_292 = tpu.memref_slice %arg5[%dma_start3A_291] : memref<3128xi32, #tpu.memory_space<vmem>> -> memref<128xi32, #tpu.memory_space<vmem>>
      %dma_start3A_293 = arith.constant 0 : i32
      %dma_start3A_294 = arith.constant 0 : i32
      %dma_start3A_295 = tpu.memref_slice %arg6[%dma_start3A_293, %dma_start3A_294] : memref<95x128xf32, #tpu.memory_space<vmem_shared>> -> memref<95x128xf32, #tpu.memory_space<vmem_shared>>
      tpu.enqueue_indirect_dma source(%dma_start3A_295 : memref<95x128xf32, #tpu.memory_space<vmem_shared>>) target(%dma_start3A_290 : memref<128x128xf32, #tpu.memory_space<vmem>>) offsets(%dma_start3A_292 : memref<128xi32, #tpu.memory_space<vmem>>) semaphore(%arg11 : memref<!tpu.dma_semaphore, #tpu.memory_space<semaphore_mem>>)
      %dma_wait3A_296 = arith.constant 0 : i32
      %dma_wait3A_297 = arith.constant 0 : i32
      %dma_wait3A_298 = tpu.memref_slice %arg10[%dma_wait3A_296, %dma_wait3A_297] : memref<128x128xf32, #tpu.memory_space<vmem>> -> memref<128x128xf32, #tpu.memory_space<vmem>>
      %dma_wait3A_299 = arith.constant 896 : i32
      %dma_wait3A_300 = tpu.memref_slice %arg5[%dma_wait3A_299] : memref<3128xi32, #tpu.memory_space<vmem>> -> memref<128xi32, #tpu.memory_space<vmem>>
      %dma_wait3A_301 = arith.constant 0 : i32
      %dma_wait3A_302 = arith.constant 0 : i32
      %dma_wait3A_303 = tpu.memref_slice %arg6[%dma_wait3A_301, %dma_wait3A_302] : memref<95x128xf32, #tpu.memory_space<vmem_shared>> -> memref<95x128xf32, #tpu.memory_space<vmem_shared>>
      tpu.wait_indirect_dma semaphore(%arg11 : memref<!tpu.dma_semaphore, #tpu.memory_space<semaphore_mem>>) src(%dma_wait3A_303 : memref<95x128xf32, #tpu.memory_space<vmem_shared>>) dst(%dma_wait3A_298 : memref<128x128xf32, #tpu.memory_space<vmem>>)
      %add3A_304 = arith.constant 896 : i32
      %add3A_305 = arith.addi %multiple_of3A, %add3A_304 : i32
      %multiple_of3A_306 = tpu.assume_multiple %add3A_305, 8 : i32
      %dma_start3A_307 = arith.constant 0 : i32
      %dma_start3A_308 = arith.constant 0 : i32
      %dma_start3A_309 = tpu.memref_slice %arg10[%dma_start3A_307, %dma_start3A_308] : memref<128x128xf32, #tpu.memory_space<vmem>> -> memref<128x128xf32, #tpu.memory_space<vmem>>
      %dma_start3A_310 = arith.constant 0 : i32
      %dma_start3A_311 = tpu.memref_slice %arg4[%multiple_of3A_306, %dma_start3A_310] : memref<100000x128xf32, #tpu.memory_space<hbm>> -> memref<128x128xf32, #tpu.memory_space<hbm>>
      %dma_start3A_312 = arith.constant 0 : i32
      %dma_start3A_313 = tpu.memref_slice %arg4[%multiple_of3A_306, %dma_start3A_312] : memref<100000x128xf32, #tpu.memory_space<hbm>> -> memref<128x128xf32, #tpu.memory_space<hbm>>
      %dma_start3A_314 = arith.constant 0 : i32
      %dma_start3A_315 = arith.constant 0 : i32
      %dma_start3A_316 = tpu.memref_slice %arg10[%dma_start3A_314, %dma_start3A_315] : memref<128x128xf32, #tpu.memory_space<vmem>> -> memref<128x128xf32, #tpu.memory_space<vmem>>
      tpu.enqueue_dma source(%dma_start3A_316 : memref<128x128xf32, #tpu.memory_space<vmem>>) target(%dma_start3A_313 : memref<128x128xf32, #tpu.memory_space<hbm>>) target_semaphore(%arg13 : memref<!tpu.dma_semaphore, #tpu.memory_space<semaphore_mem>>)
      %add3A_317 = arith.constant 640 : i32
      %add3A_318 = arith.addi %multiple_of3A, %add3A_317 : i32
      %multiple_of3A_319 = tpu.assume_multiple %add3A_318, 8 : i32
      %dma_wait3A_320 = arith.constant 0 : i32
      %dma_wait3A_321 = arith.constant 0 : i32
      %dma_wait3A_322 = tpu.memref_slice %arg8[%dma_wait3A_320, %dma_wait3A_321] : memref<128x128xf32, #tpu.memory_space<vmem>> -> memref<128x128xf32, #tpu.memory_space<vmem>>
      %dma_wait3A_323 = arith.constant 0 : i32
      %dma_wait3A_324 = tpu.memref_slice %arg4[%multiple_of3A_319, %dma_wait3A_323] : memref<100000x128xf32, #tpu.memory_space<hbm>> -> memref<128x128xf32, #tpu.memory_space<hbm>>
      %dma_wait3A_325 = arith.constant 0 : i32
      %dma_wait3A_326 = tpu.memref_slice %arg4[%multiple_of3A_319, %dma_wait3A_325] : memref<100000x128xf32, #tpu.memory_space<hbm>> -> memref<128x128xf32, #tpu.memory_space<hbm>>
      %dma_wait3A_327 = arith.constant 0 : i32
      %dma_wait3A_328 = arith.constant 0 : i32
      %dma_wait3A_329 = tpu.memref_slice %arg8[%dma_wait3A_327, %dma_wait3A_328] : memref<128x128xf32, #tpu.memory_space<vmem>> -> memref<128x128xf32, #tpu.memory_space<vmem>>
      tpu.wait_dma2 semaphore(%arg13 : memref<!tpu.dma_semaphore, #tpu.memory_space<semaphore_mem>>) src(%dma_wait3A_329 : memref<128x128xf32, #tpu.memory_space<vmem>>) dst(%dma_wait3A_326 : memref<128x128xf32, #tpu.memory_space<hbm>>)
      %dma_start3A_330 = arith.constant 0 : i32
      %dma_start3A_331 = arith.constant 0 : i32
      %dma_start3A_332 = tpu.memref_slice %arg8[%dma_start3A_330, %dma_start3A_331] : memref<128x128xf32, #tpu.memory_space<vmem>> -> memref<128x128xf32, #tpu.memory_space<vmem>>
      %dma_start3A_333 = arith.constant 1152 : i32
      %dma_start3A_334 = tpu.memref_slice %arg5[%dma_start3A_333] : memref<3128xi32, #tpu.memory_space<vmem>> -> memref<128xi32, #tpu.memory_space<vmem>>
      %dma_start3A_335 = arith.constant 0 : i32
      %dma_start3A_336 = arith.constant 0 : i32
      %dma_start3A_337 = tpu.memref_slice %arg6[%dma_start3A_335, %dma_start3A_336] : memref<95x128xf32, #tpu.memory_space<vmem_shared>> -> memref<95x128xf32, #tpu.memory_space<vmem_shared>>
      tpu.enqueue_indirect_dma source(%dma_start3A_337 : memref<95x128xf32, #tpu.memory_space<vmem_shared>>) target(%dma_start3A_332 : memref<128x128xf32, #tpu.memory_space<vmem>>) offsets(%dma_start3A_334 : memref<128xi32, #tpu.memory_space<vmem>>) semaphore(%arg11 : memref<!tpu.dma_semaphore, #tpu.memory_space<semaphore_mem>>)
      %dma_wait3A_338 = arith.constant 0 : i32
      %dma_wait3A_339 = arith.constant 0 : i32
      %dma_wait3A_340 = tpu.memref_slice %arg7[%dma_wait3A_338, %dma_wait3A_339] : memref<128x128xf32, #tpu.memory_space<vmem>> -> memref<128x128xf32, #tpu.memory_space<vmem>>
      %dma_wait3A_341 = arith.constant 1024 : i32
      %dma_wait3A_342 = tpu.memref_slice %arg5[%dma_wait3A_341] : memref<3128xi32, #tpu.memory_space<vmem>> -> memref<128xi32, #tpu.memory_space<vmem>>
      %dma_wait3A_343 = arith.constant 0 : i32
      %dma_wait3A_344 = arith.constant 0 : i32
      %dma_wait3A_345 = tpu.memref_slice %arg6[%dma_wait3A_343, %dma_wait3A_344] : memref<95x128xf32, #tpu.memory_space<vmem_shared>> -> memref<95x128xf32, #tpu.memory_space<vmem_shared>>
      tpu.wait_indirect_dma semaphore(%arg11 : memref<!tpu.dma_semaphore, #tpu.memory_space<semaphore_mem>>) src(%dma_wait3A_345 : memref<95x128xf32, #tpu.memory_space<vmem_shared>>) dst(%dma_wait3A_340 : memref<128x128xf32, #tpu.memory_space<vmem>>)
      %add3A_346 = arith.constant 1024 : i32
      %add3A_347 = arith.addi %multiple_of3A, %add3A_346 : i32
      %multiple_of3A_348 = tpu.assume_multiple %add3A_347, 8 : i32
      %dma_start3A_349 = arith.constant 0 : i32
      %dma_start3A_350 = arith.constant 0 : i32
      %dma_start3A_351 = tpu.memref_slice %arg7[%dma_start3A_349, %dma_start3A_350] : memref<128x128xf32, #tpu.memory_space<vmem>> -> memref<128x128xf32, #tpu.memory_space<vmem>>
      %dma_start3A_352 = arith.constant 0 : i32
      %dma_start3A_353 = tpu.memref_slice %arg4[%multiple_of3A_348, %dma_start3A_352] : memref<100000x128xf32, #tpu.memory_space<hbm>> -> memref<128x128xf32, #tpu.memory_space<hbm>>
      %dma_start3A_354 = arith.constant 0 : i32
      %dma_start3A_355 = tpu.memref_slice %arg4[%multiple_of3A_348, %dma_start3A_354] : memref<100000x128xf32, #tpu.memory_space<hbm>> -> memref<128x128xf32, #tpu.memory_space<hbm>>
      %dma_start3A_356 = arith.constant 0 : i32
      %dma_start3A_357 = arith.constant 0 : i32
      %dma_start3A_358 = tpu.memref_slice %arg7[%dma_start3A_356, %dma_start3A_357] : memref<128x128xf32, #tpu.memory_space<vmem>> -> memref<128x128xf32, #tpu.memory_space<vmem>>
      tpu.enqueue_dma source(%dma_start3A_358 : memref<128x128xf32, #tpu.memory_space<vmem>>) target(%dma_start3A_355 : memref<128x128xf32, #tpu.memory_space<hbm>>) target_semaphore(%arg13 : memref<!tpu.dma_semaphore, #tpu.memory_space<semaphore_mem>>)
      %add3A_359 = arith.constant 768 : i32
      %add3A_360 = arith.addi %multiple_of3A, %add3A_359 : i32
      %multiple_of3A_361 = tpu.assume_multiple %add3A_360, 8 : i32
      %dma_wait3A_362 = arith.constant 0 : i32
      %dma_wait3A_363 = arith.constant 0 : i32
      %dma_wait3A_364 = tpu.memref_slice %arg9[%dma_wait3A_362, %dma_wait3A_363] : memref<128x128xf32, #tpu.memory_space<vmem>> -> memref<128x128xf32, #tpu.memory_space<vmem>>
      %dma_wait3A_365 = arith.constant 0 : i32
      %dma_wait3A_366 = tpu.memref_slice %arg4[%multiple_of3A_361, %dma_wait3A_365] : memref<100000x128xf32, #tpu.memory_space<hbm>> -> memref<128x128xf32, #tpu.memory_space<hbm>>
      %dma_wait3A_367 = arith.constant 0 : i32
      %dma_wait3A_368 = tpu.memref_slice %arg4[%multiple_of3A_361, %dma_wait3A_367] : memref<100000x128xf32, #tpu.memory_space<hbm>> -> memref<128x128xf32, #tpu.memory_space<hbm>>
      %dma_wait3A_369 = arith.constant 0 : i32
      %dma_wait3A_370 = arith.constant 0 : i32
      %dma_wait3A_371 = tpu.memref_slice %arg9[%dma_wait3A_369, %dma_wait3A_370] : memref<128x128xf32, #tpu.memory_space<vmem>> -> memref<128x128xf32, #tpu.memory_space<vmem>>
      tpu.wait_dma2 semaphore(%arg13 : memref<!tpu.dma_semaphore, #tpu.memory_space<semaphore_mem>>) src(%dma_wait3A_371 : memref<128x128xf32, #tpu.memory_space<vmem>>) dst(%dma_wait3A_368 : memref<128x128xf32, #tpu.memory_space<hbm>>)
      %dma_start3A_372 = arith.constant 0 : i32
      %dma_start3A_373 = arith.constant 0 : i32
      %dma_start3A_374 = tpu.memref_slice %arg9[%dma_start3A_372, %dma_start3A_373] : memref<128x128xf32, #tpu.memory_space<vmem>> -> memref<128x128xf32, #tpu.memory_space<vmem>>
      %dma_start3A_375 = arith.constant 1280 : i32
      %dma_start3A_376 = tpu.memref_slice %arg5[%dma_start3A_375] : memref<3128xi32, #tpu.memory_space<vmem>> -> memref<128xi32, #tpu.memory_space<vmem>>
      %dma_start3A_377 = arith.constant 0 : i32
      %dma_start3A_378 = arith.constant 0 : i32
      %dma_start3A_379 = tpu.memref_slice %arg6[%dma_start3A_377, %dma_start3A_378] : memref<95x128xf32, #tpu.memory_space<vmem_shared>> -> memref<95x128xf32, #tpu.memory_space<vmem_shared>>
      tpu.enqueue_indirect_dma source(%dma_start3A_379 : memref<95x128xf32, #tpu.memory_space<vmem_shared>>) target(%dma_start3A_374 : memref<128x128xf32, #tpu.memory_space<vmem>>) offsets(%dma_start3A_376 : memref<128xi32, #tpu.memory_space<vmem>>) semaphore(%arg11 : memref<!tpu.dma_semaphore, #tpu.memory_space<semaphore_mem>>)
      %dma_wait3A_380 = arith.constant 0 : i32
      %dma_wait3A_381 = arith.constant 0 : i32
      %dma_wait3A_382 = tpu.memref_slice %arg8[%dma_wait3A_380, %dma_wait3A_381] : memref<128x128xf32, #tpu.memory_space<vmem>> -> memref<128x128xf32, #tpu.memory_space<vmem>>
      %dma_wait3A_383 = arith.constant 1152 : i32
      %dma_wait3A_384 = tpu.memref_slice %arg5[%dma_wait3A_383] : memref<3128xi32, #tpu.memory_space<vmem>> -> memref<128xi32, #tpu.memory_space<vmem>>
      %dma_wait3A_385 = arith.constant 0 : i32
      %dma_wait3A_386 = arith.constant 0 : i32
      %dma_wait3A_387 = tpu.memref_slice %arg6[%dma_wait3A_385, %dma_wait3A_386] : memref<95x128xf32, #tpu.memory_space<vmem_shared>> -> memref<95x128xf32, #tpu.memory_space<vmem_shared>>
      tpu.wait_indirect_dma semaphore(%arg11 : memref<!tpu.dma_semaphore, #tpu.memory_space<semaphore_mem>>) src(%dma_wait3A_387 : memref<95x128xf32, #tpu.memory_space<vmem_shared>>) dst(%dma_wait3A_382 : memref<128x128xf32, #tpu.memory_space<vmem>>)
      %add3A_388 = arith.constant 1152 : i32
      %add3A_389 = arith.addi %multiple_of3A, %add3A_388 : i32
      %multiple_of3A_390 = tpu.assume_multiple %add3A_389, 8 : i32
      %dma_start3A_391 = arith.constant 0 : i32
      %dma_start3A_392 = arith.constant 0 : i32
      %dma_start3A_393 = tpu.memref_slice %arg8[%dma_start3A_391, %dma_start3A_392] : memref<128x128xf32, #tpu.memory_space<vmem>> -> memref<128x128xf32, #tpu.memory_space<vmem>>
      %dma_start3A_394 = arith.constant 0 : i32
      %dma_start3A_395 = tpu.memref_slice %arg4[%multiple_of3A_390, %dma_start3A_394] : memref<100000x128xf32, #tpu.memory_space<hbm>> -> memref<128x128xf32, #tpu.memory_space<hbm>>
      %dma_start3A_396 = arith.constant 0 : i32
      %dma_start3A_397 = tpu.memref_slice %arg4[%multiple_of3A_390, %dma_start3A_396] : memref<100000x128xf32, #tpu.memory_space<hbm>> -> memref<128x128xf32, #tpu.memory_space<hbm>>
      %dma_start3A_398 = arith.constant 0 : i32
      %dma_start3A_399 = arith.constant 0 : i32
      %dma_start3A_400 = tpu.memref_slice %arg8[%dma_start3A_398, %dma_start3A_399] : memref<128x128xf32, #tpu.memory_space<vmem>> -> memref<128x128xf32, #tpu.memory_space<vmem>>
      tpu.enqueue_dma source(%dma_start3A_400 : memref<128x128xf32, #tpu.memory_space<vmem>>) target(%dma_start3A_397 : memref<128x128xf32, #tpu.memory_space<hbm>>) target_semaphore(%arg13 : memref<!tpu.dma_semaphore, #tpu.memory_space<semaphore_mem>>)
      %add3A_401 = arith.constant 896 : i32
      %add3A_402 = arith.addi %multiple_of3A, %add3A_401 : i32
      %multiple_of3A_403 = tpu.assume_multiple %add3A_402, 8 : i32
      %dma_wait3A_404 = arith.constant 0 : i32
      %dma_wait3A_405 = arith.constant 0 : i32
      %dma_wait3A_406 = tpu.memref_slice %arg10[%dma_wait3A_404, %dma_wait3A_405] : memref<128x128xf32, #tpu.memory_space<vmem>> -> memref<128x128xf32, #tpu.memory_space<vmem>>
      %dma_wait3A_407 = arith.constant 0 : i32
      %dma_wait3A_408 = tpu.memref_slice %arg4[%multiple_of3A_403, %dma_wait3A_407] : memref<100000x128xf32, #tpu.memory_space<hbm>> -> memref<128x128xf32, #tpu.memory_space<hbm>>
      %dma_wait3A_409 = arith.constant 0 : i32
      %dma_wait3A_410 = tpu.memref_slice %arg4[%multiple_of3A_403, %dma_wait3A_409] : memref<100000x128xf32, #tpu.memory_space<hbm>> -> memref<128x128xf32, #tpu.memory_space<hbm>>
      %dma_wait3A_411 = arith.constant 0 : i32
      %dma_wait3A_412 = arith.constant 0 : i32
      %dma_wait3A_413 = tpu.memref_slice %arg10[%dma_wait3A_411, %dma_wait3A_412] : memref<128x128xf32, #tpu.memory_space<vmem>> -> memref<128x128xf32, #tpu.memory_space<vmem>>
      tpu.wait_dma2 semaphore(%arg13 : memref<!tpu.dma_semaphore, #tpu.memory_space<semaphore_mem>>) src(%dma_wait3A_413 : memref<128x128xf32, #tpu.memory_space<vmem>>) dst(%dma_wait3A_410 : memref<128x128xf32, #tpu.memory_space<hbm>>)
      %dma_start3A_414 = arith.constant 0 : i32
      %dma_start3A_415 = arith.constant 0 : i32
      %dma_start3A_416 = tpu.memref_slice %arg10[%dma_start3A_414, %dma_start3A_415] : memref<128x128xf32, #tpu.memory_space<vmem>> -> memref<128x128xf32, #tpu.memory_space<vmem>>
      %dma_start3A_417 = arith.constant 1408 : i32
      %dma_start3A_418 = tpu.memref_slice %arg5[%dma_start3A_417] : memref<3128xi32, #tpu.memory_space<vmem>> -> memref<128xi32, #tpu.memory_space<vmem>>
      %dma_start3A_419 = arith.constant 0 : i32
      %dma_start3A_420 = arith.constant 0 : i32
      %dma_start3A_421 = tpu.memref_slice %arg6[%dma_start3A_419, %dma_start3A_420] : memref<95x128xf32, #tpu.memory_space<vmem_shared>> -> memref<95x128xf32, #tpu.memory_space<vmem_shared>>
      tpu.enqueue_indirect_dma source(%dma_start3A_421 : memref<95x128xf32, #tpu.memory_space<vmem_shared>>) target(%dma_start3A_416 : memref<128x128xf32, #tpu.memory_space<vmem>>) offsets(%dma_start3A_418 : memref<128xi32, #tpu.memory_space<vmem>>) semaphore(%arg11 : memref<!tpu.dma_semaphore, #tpu.memory_space<semaphore_mem>>)
      %dma_wait3A_422 = arith.constant 0 : i32
      %dma_wait3A_423 = arith.constant 0 : i32
      %dma_wait3A_424 = tpu.memref_slice %arg9[%dma_wait3A_422, %dma_wait3A_423] : memref<128x128xf32, #tpu.memory_space<vmem>> -> memref<128x128xf32, #tpu.memory_space<vmem>>
      %dma_wait3A_425 = arith.constant 1280 : i32
      %dma_wait3A_426 = tpu.memref_slice %arg5[%dma_wait3A_425] : memref<3128xi32, #tpu.memory_space<vmem>> -> memref<128xi32, #tpu.memory_space<vmem>>
      %dma_wait3A_427 = arith.constant 0 : i32
      %dma_wait3A_428 = arith.constant 0 : i32
      %dma_wait3A_429 = tpu.memref_slice %arg6[%dma_wait3A_427, %dma_wait3A_428] : memref<95x128xf32, #tpu.memory_space<vmem_shared>> -> memref<95x128xf32, #tpu.memory_space<vmem_shared>>
      tpu.wait_indirect_dma semaphore(%arg11 : memref<!tpu.dma_semaphore, #tpu.memory_space<semaphore_mem>>) src(%dma_wait3A_429 : memref<95x128xf32, #tpu.memory_space<vmem_shared>>) dst(%dma_wait3A_424 : memref<128x128xf32, #tpu.memory_space<vmem>>)
      %add3A_430 = arith.constant 1280 : i32
      %add3A_431 = arith.addi %multiple_of3A, %add3A_430 : i32
      %multiple_of3A_432 = tpu.assume_multiple %add3A_431, 8 : i32
      %dma_start3A_433 = arith.constant 0 : i32
      %dma_start3A_434 = arith.constant 0 : i32
      %dma_start3A_435 = tpu.memref_slice %arg9[%dma_start3A_433, %dma_start3A_434] : memref<128x128xf32, #tpu.memory_space<vmem>> -> memref<128x128xf32, #tpu.memory_space<vmem>>
      %dma_start3A_436 = arith.constant 0 : i32
      %dma_start3A_437 = tpu.memref_slice %arg4[%multiple_of3A_432, %dma_start3A_436] : memref<100000x128xf32, #tpu.memory_space<hbm>> -> memref<128x128xf32, #tpu.memory_space<hbm>>
      %dma_start3A_438 = arith.constant 0 : i32
      %dma_start3A_439 = tpu.memref_slice %arg4[%multiple_of3A_432, %dma_start3A_438] : memref<100000x128xf32, #tpu.memory_space<hbm>> -> memref<128x128xf32, #tpu.memory_space<hbm>>
      %dma_start3A_440 = arith.constant 0 : i32
      %dma_start3A_441 = arith.constant 0 : i32
      %dma_start3A_442 = tpu.memref_slice %arg9[%dma_start3A_440, %dma_start3A_441] : memref<128x128xf32, #tpu.memory_space<vmem>> -> memref<128x128xf32, #tpu.memory_space<vmem>>
      tpu.enqueue_dma source(%dma_start3A_442 : memref<128x128xf32, #tpu.memory_space<vmem>>) target(%dma_start3A_439 : memref<128x128xf32, #tpu.memory_space<hbm>>) target_semaphore(%arg13 : memref<!tpu.dma_semaphore, #tpu.memory_space<semaphore_mem>>)
      %add3A_443 = arith.constant 1024 : i32
      %add3A_444 = arith.addi %multiple_of3A, %add3A_443 : i32
      %multiple_of3A_445 = tpu.assume_multiple %add3A_444, 8 : i32
      %dma_wait3A_446 = arith.constant 0 : i32
      %dma_wait3A_447 = arith.constant 0 : i32
      %dma_wait3A_448 = tpu.memref_slice %arg7[%dma_wait3A_446, %dma_wait3A_447] : memref<128x128xf32, #tpu.memory_space<vmem>> -> memref<128x128xf32, #tpu.memory_space<vmem>>
      %dma_wait3A_449 = arith.constant 0 : i32
      %dma_wait3A_450 = tpu.memref_slice %arg4[%multiple_of3A_445, %dma_wait3A_449] : memref<100000x128xf32, #tpu.memory_space<hbm>> -> memref<128x128xf32, #tpu.memory_space<hbm>>
      %dma_wait3A_451 = arith.constant 0 : i32
      %dma_wait3A_452 = tpu.memref_slice %arg4[%multiple_of3A_445, %dma_wait3A_451] : memref<100000x128xf32, #tpu.memory_space<hbm>> -> memref<128x128xf32, #tpu.memory_space<hbm>>
      %dma_wait3A_453 = arith.constant 0 : i32
      %dma_wait3A_454 = arith.constant 0 : i32
      %dma_wait3A_455 = tpu.memref_slice %arg7[%dma_wait3A_453, %dma_wait3A_454] : memref<128x128xf32, #tpu.memory_space<vmem>> -> memref<128x128xf32, #tpu.memory_space<vmem>>
      tpu.wait_dma2 semaphore(%arg13 : memref<!tpu.dma_semaphore, #tpu.memory_space<semaphore_mem>>) src(%dma_wait3A_455 : memref<128x128xf32, #tpu.memory_space<vmem>>) dst(%dma_wait3A_452 : memref<128x128xf32, #tpu.memory_space<hbm>>)
      %dma_start3A_456 = arith.constant 0 : i32
      %dma_start3A_457 = arith.constant 0 : i32
      %dma_start3A_458 = tpu.memref_slice %arg7[%dma_start3A_456, %dma_start3A_457] : memref<128x128xf32, #tpu.memory_space<vmem>> -> memref<128x128xf32, #tpu.memory_space<vmem>>
      %dma_start3A_459 = arith.constant 1536 : i32
      %dma_start3A_460 = tpu.memref_slice %arg5[%dma_start3A_459] : memref<3128xi32, #tpu.memory_space<vmem>> -> memref<128xi32, #tpu.memory_space<vmem>>
      %dma_start3A_461 = arith.constant 0 : i32
      %dma_start3A_462 = arith.constant 0 : i32
      %dma_start3A_463 = tpu.memref_slice %arg6[%dma_start3A_461, %dma_start3A_462] : memref<95x128xf32, #tpu.memory_space<vmem_shared>> -> memref<95x128xf32, #tpu.memory_space<vmem_shared>>
      tpu.enqueue_indirect_dma source(%dma_start3A_463 : memref<95x128xf32, #tpu.memory_space<vmem_shared>>) target(%dma_start3A_458 : memref<128x128xf32, #tpu.memory_space<vmem>>) offsets(%dma_start3A_460 : memref<128xi32, #tpu.memory_space<vmem>>) semaphore(%arg11 : memref<!tpu.dma_semaphore, #tpu.memory_space<semaphore_mem>>)
      %dma_wait3A_464 = arith.constant 0 : i32
      %dma_wait3A_465 = arith.constant 0 : i32
      %dma_wait3A_466 = tpu.memref_slice %arg10[%dma_wait3A_464, %dma_wait3A_465] : memref<128x128xf32, #tpu.memory_space<vmem>> -> memref<128x128xf32, #tpu.memory_space<vmem>>
      %dma_wait3A_467 = arith.constant 1408 : i32
      %dma_wait3A_468 = tpu.memref_slice %arg5[%dma_wait3A_467] : memref<3128xi32, #tpu.memory_space<vmem>> -> memref<128xi32, #tpu.memory_space<vmem>>
      %dma_wait3A_469 = arith.constant 0 : i32
      %dma_wait3A_470 = arith.constant 0 : i32
      %dma_wait3A_471 = tpu.memref_slice %arg6[%dma_wait3A_469, %dma_wait3A_470] : memref<95x128xf32, #tpu.memory_space<vmem_shared>> -> memref<95x128xf32, #tpu.memory_space<vmem_shared>>
      tpu.wait_indirect_dma semaphore(%arg11 : memref<!tpu.dma_semaphore, #tpu.memory_space<semaphore_mem>>) src(%dma_wait3A_471 : memref<95x128xf32, #tpu.memory_space<vmem_shared>>) dst(%dma_wait3A_466 : memref<128x128xf32, #tpu.memory_space<vmem>>)
      %add3A_472 = arith.constant 1408 : i32
      %add3A_473 = arith.addi %multiple_of3A, %add3A_472 : i32
      %multiple_of3A_474 = tpu.assume_multiple %add3A_473, 8 : i32
      %dma_start3A_475 = arith.constant 0 : i32
      %dma_start3A_476 = arith.constant 0 : i32
      %dma_start3A_477 = tpu.memref_slice %arg10[%dma_start3A_475, %dma_start3A_476] : memref<128x128xf32, #tpu.memory_space<vmem>> -> memref<128x128xf32, #tpu.memory_space<vmem>>
      %dma_start3A_478 = arith.constant 0 : i32
      %dma_start3A_479 = tpu.memref_slice %arg4[%multiple_of3A_474, %dma_start3A_478] : memref<100000x128xf32, #tpu.memory_space<hbm>> -> memref<128x128xf32, #tpu.memory_space<hbm>>
      %dma_start3A_480 = arith.constant 0 : i32
      %dma_start3A_481 = tpu.memref_slice %arg4[%multiple_of3A_474, %dma_start3A_480] : memref<100000x128xf32, #tpu.memory_space<hbm>> -> memref<128x128xf32, #tpu.memory_space<hbm>>
      %dma_start3A_482 = arith.constant 0 : i32
      %dma_start3A_483 = arith.constant 0 : i32
      %dma_start3A_484 = tpu.memref_slice %arg10[%dma_start3A_482, %dma_start3A_483] : memref<128x128xf32, #tpu.memory_space<vmem>> -> memref<128x128xf32, #tpu.memory_space<vmem>>
      tpu.enqueue_dma source(%dma_start3A_484 : memref<128x128xf32, #tpu.memory_space<vmem>>) target(%dma_start3A_481 : memref<128x128xf32, #tpu.memory_space<hbm>>) target_semaphore(%arg13 : memref<!tpu.dma_semaphore, #tpu.memory_space<semaphore_mem>>)
      %add3A_485 = arith.constant 1152 : i32
      %add3A_486 = arith.addi %multiple_of3A, %add3A_485 : i32
      %multiple_of3A_487 = tpu.assume_multiple %add3A_486, 8 : i32
      %dma_wait3A_488 = arith.constant 0 : i32
      %dma_wait3A_489 = arith.constant 0 : i32
      %dma_wait3A_490 = tpu.memref_slice %arg8[%dma_wait3A_488, %dma_wait3A_489] : memref<128x128xf32, #tpu.memory_space<vmem>> -> memref<128x128xf32, #tpu.memory_space<vmem>>
      %dma_wait3A_491 = arith.constant 0 : i32
      %dma_wait3A_492 = tpu.memref_slice %arg4[%multiple_of3A_487, %dma_wait3A_491] : memref<100000x128xf32, #tpu.memory_space<hbm>> -> memref<128x128xf32, #tpu.memory_space<hbm>>
      %dma_wait3A_493 = arith.constant 0 : i32
      %dma_wait3A_494 = tpu.memref_slice %arg4[%multiple_of3A_487, %dma_wait3A_493] : memref<100000x128xf32, #tpu.memory_space<hbm>> -> memref<128x128xf32, #tpu.memory_space<hbm>>
      %dma_wait3A_495 = arith.constant 0 : i32
      %dma_wait3A_496 = arith.constant 0 : i32
      %dma_wait3A_497 = tpu.memref_slice %arg8[%dma_wait3A_495, %dma_wait3A_496] : memref<128x128xf32, #tpu.memory_space<vmem>> -> memref<128x128xf32, #tpu.memory_space<vmem>>
      tpu.wait_dma2 semaphore(%arg13 : memref<!tpu.dma_semaphore, #tpu.memory_space<semaphore_mem>>) src(%dma_wait3A_497 : memref<128x128xf32, #tpu.memory_space<vmem>>) dst(%dma_wait3A_494 : memref<128x128xf32, #tpu.memory_space<hbm>>)
      %dma_start3A_498 = arith.constant 0 : i32
      %dma_start3A_499 = arith.constant 0 : i32
      %dma_start3A_500 = tpu.memref_slice %arg8[%dma_start3A_498, %dma_start3A_499] : memref<128x128xf32, #tpu.memory_space<vmem>> -> memref<128x128xf32, #tpu.memory_space<vmem>>
      %dma_start3A_501 = arith.constant 1664 : i32
      %dma_start3A_502 = tpu.memref_slice %arg5[%dma_start3A_501] : memref<3128xi32, #tpu.memory_space<vmem>> -> memref<128xi32, #tpu.memory_space<vmem>>
      %dma_start3A_503 = arith.constant 0 : i32
      %dma_start3A_504 = arith.constant 0 : i32
      %dma_start3A_505 = tpu.memref_slice %arg6[%dma_start3A_503, %dma_start3A_504] : memref<95x128xf32, #tpu.memory_space<vmem_shared>> -> memref<95x128xf32, #tpu.memory_space<vmem_shared>>
      tpu.enqueue_indirect_dma source(%dma_start3A_505 : memref<95x128xf32, #tpu.memory_space<vmem_shared>>) target(%dma_start3A_500 : memref<128x128xf32, #tpu.memory_space<vmem>>) offsets(%dma_start3A_502 : memref<128xi32, #tpu.memory_space<vmem>>) semaphore(%arg11 : memref<!tpu.dma_semaphore, #tpu.memory_space<semaphore_mem>>)
      %dma_wait3A_506 = arith.constant 0 : i32
      %dma_wait3A_507 = arith.constant 0 : i32
      %dma_wait3A_508 = tpu.memref_slice %arg7[%dma_wait3A_506, %dma_wait3A_507] : memref<128x128xf32, #tpu.memory_space<vmem>> -> memref<128x128xf32, #tpu.memory_space<vmem>>
      %dma_wait3A_509 = arith.constant 1536 : i32
      %dma_wait3A_510 = tpu.memref_slice %arg5[%dma_wait3A_509] : memref<3128xi32, #tpu.memory_space<vmem>> -> memref<128xi32, #tpu.memory_space<vmem>>
      %dma_wait3A_511 = arith.constant 0 : i32
      %dma_wait3A_512 = arith.constant 0 : i32
      %dma_wait3A_513 = tpu.memref_slice %arg6[%dma_wait3A_511, %dma_wait3A_512] : memref<95x128xf32, #tpu.memory_space<vmem_shared>> -> memref<95x128xf32, #tpu.memory_space<vmem_shared>>
      tpu.wait_indirect_dma semaphore(%arg11 : memref<!tpu.dma_semaphore, #tpu.memory_space<semaphore_mem>>) src(%dma_wait3A_513 : memref<95x128xf32, #tpu.memory_space<vmem_shared>>) dst(%dma_wait3A_508 : memref<128x128xf32, #tpu.memory_space<vmem>>)
      %add3A_514 = arith.constant 1536 : i32
      %add3A_515 = arith.addi %multiple_of3A, %add3A_514 : i32
      %multiple_of3A_516 = tpu.assume_multiple %add3A_515, 8 : i32
      %dma_start3A_517 = arith.constant 0 : i32
      %dma_start3A_518 = arith.constant 0 : i32
      %dma_start3A_519 = tpu.memref_slice %arg7[%dma_start3A_517, %dma_start3A_518] : memref<128x128xf32, #tpu.memory_space<vmem>> -> memref<128x128xf32, #tpu.memory_space<vmem>>
      %dma_start3A_520 = arith.constant 0 : i32
      %dma_start3A_521 = tpu.memref_slice %arg4[%multiple_of3A_516, %dma_start3A_520] : memref<100000x128xf32, #tpu.memory_space<hbm>> -> memref<128x128xf32, #tpu.memory_space<hbm>>
      %dma_start3A_522 = arith.constant 0 : i32
      %dma_start3A_523 = tpu.memref_slice %arg4[%multiple_of3A_516, %dma_start3A_522] : memref<100000x128xf32, #tpu.memory_space<hbm>> -> memref<128x128xf32, #tpu.memory_space<hbm>>
      %dma_start3A_524 = arith.constant 0 : i32
      %dma_start3A_525 = arith.constant 0 : i32
      %dma_start3A_526 = tpu.memref_slice %arg7[%dma_start3A_524, %dma_start3A_525] : memref<128x128xf32, #tpu.memory_space<vmem>> -> memref<128x128xf32, #tpu.memory_space<vmem>>
      tpu.enqueue_dma source(%dma_start3A_526 : memref<128x128xf32, #tpu.memory_space<vmem>>) target(%dma_start3A_523 : memref<128x128xf32, #tpu.memory_space<hbm>>) target_semaphore(%arg13 : memref<!tpu.dma_semaphore, #tpu.memory_space<semaphore_mem>>)
      %add3A_527 = arith.constant 1280 : i32
      %add3A_528 = arith.addi %multiple_of3A, %add3A_527 : i32
      %multiple_of3A_529 = tpu.assume_multiple %add3A_528, 8 : i32
      %dma_wait3A_530 = arith.constant 0 : i32
      %dma_wait3A_531 = arith.constant 0 : i32
      %dma_wait3A_532 = tpu.memref_slice %arg9[%dma_wait3A_530, %dma_wait3A_531] : memref<128x128xf32, #tpu.memory_space<vmem>> -> memref<128x128xf32, #tpu.memory_space<vmem>>
      %dma_wait3A_533 = arith.constant 0 : i32
      %dma_wait3A_534 = tpu.memref_slice %arg4[%multiple_of3A_529, %dma_wait3A_533] : memref<100000x128xf32, #tpu.memory_space<hbm>> -> memref<128x128xf32, #tpu.memory_space<hbm>>
      %dma_wait3A_535 = arith.constant 0 : i32
      %dma_wait3A_536 = tpu.memref_slice %arg4[%multiple_of3A_529, %dma_wait3A_535] : memref<100000x128xf32, #tpu.memory_space<hbm>> -> memref<128x128xf32, #tpu.memory_space<hbm>>
      %dma_wait3A_537 = arith.constant 0 : i32
      %dma_wait3A_538 = arith.constant 0 : i32
      %dma_wait3A_539 = tpu.memref_slice %arg9[%dma_wait3A_537, %dma_wait3A_538] : memref<128x128xf32, #tpu.memory_space<vmem>> -> memref<128x128xf32, #tpu.memory_space<vmem>>
      tpu.wait_dma2 semaphore(%arg13 : memref<!tpu.dma_semaphore, #tpu.memory_space<semaphore_mem>>) src(%dma_wait3A_539 : memref<128x128xf32, #tpu.memory_space<vmem>>) dst(%dma_wait3A_536 : memref<128x128xf32, #tpu.memory_space<hbm>>)
      %dma_start3A_540 = arith.constant 0 : i32
      %dma_start3A_541 = arith.constant 0 : i32
      %dma_start3A_542 = tpu.memref_slice %arg9[%dma_start3A_540, %dma_start3A_541] : memref<128x128xf32, #tpu.memory_space<vmem>> -> memref<128x128xf32, #tpu.memory_space<vmem>>
      %dma_start3A_543 = arith.constant 1792 : i32
      %dma_start3A_544 = tpu.memref_slice %arg5[%dma_start3A_543] : memref<3128xi32, #tpu.memory_space<vmem>> -> memref<128xi32, #tpu.memory_space<vmem>>
      %dma_start3A_545 = arith.constant 0 : i32
      %dma_start3A_546 = arith.constant 0 : i32
      %dma_start3A_547 = tpu.memref_slice %arg6[%dma_start3A_545, %dma_start3A_546] : memref<95x128xf32, #tpu.memory_space<vmem_shared>> -> memref<95x128xf32, #tpu.memory_space<vmem_shared>>
      tpu.enqueue_indirect_dma source(%dma_start3A_547 : memref<95x128xf32, #tpu.memory_space<vmem_shared>>) target(%dma_start3A_542 : memref<128x128xf32, #tpu.memory_space<vmem>>) offsets(%dma_start3A_544 : memref<128xi32, #tpu.memory_space<vmem>>) semaphore(%arg11 : memref<!tpu.dma_semaphore, #tpu.memory_space<semaphore_mem>>)
      %dma_wait3A_548 = arith.constant 0 : i32
      %dma_wait3A_549 = arith.constant 0 : i32
      %dma_wait3A_550 = tpu.memref_slice %arg8[%dma_wait3A_548, %dma_wait3A_549] : memref<128x128xf32, #tpu.memory_space<vmem>> -> memref<128x128xf32, #tpu.memory_space<vmem>>
      %dma_wait3A_551 = arith.constant 1664 : i32
      %dma_wait3A_552 = tpu.memref_slice %arg5[%dma_wait3A_551] : memref<3128xi32, #tpu.memory_space<vmem>> -> memref<128xi32, #tpu.memory_space<vmem>>
      %dma_wait3A_553 = arith.constant 0 : i32
      %dma_wait3A_554 = arith.constant 0 : i32
      %dma_wait3A_555 = tpu.memref_slice %arg6[%dma_wait3A_553, %dma_wait3A_554] : memref<95x128xf32, #tpu.memory_space<vmem_shared>> -> memref<95x128xf32, #tpu.memory_space<vmem_shared>>
      tpu.wait_indirect_dma semaphore(%arg11 : memref<!tpu.dma_semaphore, #tpu.memory_space<semaphore_mem>>) src(%dma_wait3A_555 : memref<95x128xf32, #tpu.memory_space<vmem_shared>>) dst(%dma_wait3A_550 : memref<128x128xf32, #tpu.memory_space<vmem>>)
      %add3A_556 = arith.constant 1664 : i32
      %add3A_557 = arith.addi %multiple_of3A, %add3A_556 : i32
      %multiple_of3A_558 = tpu.assume_multiple %add3A_557, 8 : i32
      %dma_start3A_559 = arith.constant 0 : i32
      %dma_start3A_560 = arith.constant 0 : i32
      %dma_start3A_561 = tpu.memref_slice %arg8[%dma_start3A_559, %dma_start3A_560] : memref<128x128xf32, #tpu.memory_space<vmem>> -> memref<128x128xf32, #tpu.memory_space<vmem>>
      %dma_start3A_562 = arith.constant 0 : i32
      %dma_start3A_563 = tpu.memref_slice %arg4[%multiple_of3A_558, %dma_start3A_562] : memref<100000x128xf32, #tpu.memory_space<hbm>> -> memref<128x128xf32, #tpu.memory_space<hbm>>
      %dma_start3A_564 = arith.constant 0 : i32
      %dma_start3A_565 = tpu.memref_slice %arg4[%multiple_of3A_558, %dma_start3A_564] : memref<100000x128xf32, #tpu.memory_space<hbm>> -> memref<128x128xf32, #tpu.memory_space<hbm>>
      %dma_start3A_566 = arith.constant 0 : i32
      %dma_start3A_567 = arith.constant 0 : i32
      %dma_start3A_568 = tpu.memref_slice %arg8[%dma_start3A_566, %dma_start3A_567] : memref<128x128xf32, #tpu.memory_space<vmem>> -> memref<128x128xf32, #tpu.memory_space<vmem>>
      tpu.enqueue_dma source(%dma_start3A_568 : memref<128x128xf32, #tpu.memory_space<vmem>>) target(%dma_start3A_565 : memref<128x128xf32, #tpu.memory_space<hbm>>) target_semaphore(%arg13 : memref<!tpu.dma_semaphore, #tpu.memory_space<semaphore_mem>>)
      %add3A_569 = arith.constant 1408 : i32
      %add3A_570 = arith.addi %multiple_of3A, %add3A_569 : i32
      %multiple_of3A_571 = tpu.assume_multiple %add3A_570, 8 : i32
      %dma_wait3A_572 = arith.constant 0 : i32
      %dma_wait3A_573 = arith.constant 0 : i32
      %dma_wait3A_574 = tpu.memref_slice %arg10[%dma_wait3A_572, %dma_wait3A_573] : memref<128x128xf32, #tpu.memory_space<vmem>> -> memref<128x128xf32, #tpu.memory_space<vmem>>
      %dma_wait3A_575 = arith.constant 0 : i32
      %dma_wait3A_576 = tpu.memref_slice %arg4[%multiple_of3A_571, %dma_wait3A_575] : memref<100000x128xf32, #tpu.memory_space<hbm>> -> memref<128x128xf32, #tpu.memory_space<hbm>>
      %dma_wait3A_577 = arith.constant 0 : i32
      %dma_wait3A_578 = tpu.memref_slice %arg4[%multiple_of3A_571, %dma_wait3A_577] : memref<100000x128xf32, #tpu.memory_space<hbm>> -> memref<128x128xf32, #tpu.memory_space<hbm>>
      %dma_wait3A_579 = arith.constant 0 : i32
      %dma_wait3A_580 = arith.constant 0 : i32
      %dma_wait3A_581 = tpu.memref_slice %arg10[%dma_wait3A_579, %dma_wait3A_580] : memref<128x128xf32, #tpu.memory_space<vmem>> -> memref<128x128xf32, #tpu.memory_space<vmem>>
      tpu.wait_dma2 semaphore(%arg13 : memref<!tpu.dma_semaphore, #tpu.memory_space<semaphore_mem>>) src(%dma_wait3A_581 : memref<128x128xf32, #tpu.memory_space<vmem>>) dst(%dma_wait3A_578 : memref<128x128xf32, #tpu.memory_space<hbm>>)
      %dma_start3A_582 = arith.constant 0 : i32
      %dma_start3A_583 = arith.constant 0 : i32
      %dma_start3A_584 = tpu.memref_slice %arg10[%dma_start3A_582, %dma_start3A_583] : memref<128x128xf32, #tpu.memory_space<vmem>> -> memref<128x128xf32, #tpu.memory_space<vmem>>
      %dma_start3A_585 = arith.constant 1920 : i32
      %dma_start3A_586 = tpu.memref_slice %arg5[%dma_start3A_585] : memref<3128xi32, #tpu.memory_space<vmem>> -> memref<128xi32, #tpu.memory_space<vmem>>
      %dma_start3A_587 = arith.constant 0 : i32
      %dma_start3A_588 = arith.constant 0 : i32
      %dma_start3A_589 = tpu.memref_slice %arg6[%dma_start3A_587, %dma_start3A_588] : memref<95x128xf32, #tpu.memory_space<vmem_shared>> -> memref<95x128xf32, #tpu.memory_space<vmem_shared>>
      tpu.enqueue_indirect_dma source(%dma_start3A_589 : memref<95x128xf32, #tpu.memory_space<vmem_shared>>) target(%dma_start3A_584 : memref<128x128xf32, #tpu.memory_space<vmem>>) offsets(%dma_start3A_586 : memref<128xi32, #tpu.memory_space<vmem>>) semaphore(%arg11 : memref<!tpu.dma_semaphore, #tpu.memory_space<semaphore_mem>>)
      %dma_wait3A_590 = arith.constant 0 : i32
      %dma_wait3A_591 = arith.constant 0 : i32
      %dma_wait3A_592 = tpu.memref_slice %arg9[%dma_wait3A_590, %dma_wait3A_591] : memref<128x128xf32, #tpu.memory_space<vmem>> -> memref<128x128xf32, #tpu.memory_space<vmem>>
      %dma_wait3A_593 = arith.constant 1792 : i32
      %dma_wait3A_594 = tpu.memref_slice %arg5[%dma_wait3A_593] : memref<3128xi32, #tpu.memory_space<vmem>> -> memref<128xi32, #tpu.memory_space<vmem>>
      %dma_wait3A_595 = arith.constant 0 : i32
      %dma_wait3A_596 = arith.constant 0 : i32
      %dma_wait3A_597 = tpu.memref_slice %arg6[%dma_wait3A_595, %dma_wait3A_596] : memref<95x128xf32, #tpu.memory_space<vmem_shared>> -> memref<95x128xf32, #tpu.memory_space<vmem_shared>>
      tpu.wait_indirect_dma semaphore(%arg11 : memref<!tpu.dma_semaphore, #tpu.memory_space<semaphore_mem>>) src(%dma_wait3A_597 : memref<95x128xf32, #tpu.memory_space<vmem_shared>>) dst(%dma_wait3A_592 : memref<128x128xf32, #tpu.memory_space<vmem>>)
      %add3A_598 = arith.constant 1792 : i32
      %add3A_599 = arith.addi %multiple_of3A, %add3A_598 : i32
      %multiple_of3A_600 = tpu.assume_multiple %add3A_599, 8 : i32
      %dma_start3A_601 = arith.constant 0 : i32
      %dma_start3A_602 = arith.constant 0 : i32
      %dma_start3A_603 = tpu.memref_slice %arg9[%dma_start3A_601, %dma_start3A_602] : memref<128x128xf32, #tpu.memory_space<vmem>> -> memref<128x128xf32, #tpu.memory_space<vmem>>
      %dma_start3A_604 = arith.constant 0 : i32
      %dma_start3A_605 = tpu.memref_slice %arg4[%multiple_of3A_600, %dma_start3A_604] : memref<100000x128xf32, #tpu.memory_space<hbm>> -> memref<128x128xf32, #tpu.memory_space<hbm>>
      %dma_start3A_606 = arith.constant 0 : i32
      %dma_start3A_607 = tpu.memref_slice %arg4[%multiple_of3A_600, %dma_start3A_606] : memref<100000x128xf32, #tpu.memory_space<hbm>> -> memref<128x128xf32, #tpu.memory_space<hbm>>
      %dma_start3A_608 = arith.constant 0 : i32
      %dma_start3A_609 = arith.constant 0 : i32
      %dma_start3A_610 = tpu.memref_slice %arg9[%dma_start3A_608, %dma_start3A_609] : memref<128x128xf32, #tpu.memory_space<vmem>> -> memref<128x128xf32, #tpu.memory_space<vmem>>
      tpu.enqueue_dma source(%dma_start3A_610 : memref<128x128xf32, #tpu.memory_space<vmem>>) target(%dma_start3A_607 : memref<128x128xf32, #tpu.memory_space<hbm>>) target_semaphore(%arg13 : memref<!tpu.dma_semaphore, #tpu.memory_space<semaphore_mem>>)
      %add3A_611 = arith.constant 1536 : i32
      %add3A_612 = arith.addi %multiple_of3A, %add3A_611 : i32
      %multiple_of3A_613 = tpu.assume_multiple %add3A_612, 8 : i32
      %dma_wait3A_614 = arith.constant 0 : i32
      %dma_wait3A_615 = arith.constant 0 : i32
      %dma_wait3A_616 = tpu.memref_slice %arg7[%dma_wait3A_614, %dma_wait3A_615] : memref<128x128xf32, #tpu.memory_space<vmem>> -> memref<128x128xf32, #tpu.memory_space<vmem>>
      %dma_wait3A_617 = arith.constant 0 : i32
      %dma_wait3A_618 = tpu.memref_slice %arg4[%multiple_of3A_613, %dma_wait3A_617] : memref<100000x128xf32, #tpu.memory_space<hbm>> -> memref<128x128xf32, #tpu.memory_space<hbm>>
      %dma_wait3A_619 = arith.constant 0 : i32
      %dma_wait3A_620 = tpu.memref_slice %arg4[%multiple_of3A_613, %dma_wait3A_619] : memref<100000x128xf32, #tpu.memory_space<hbm>> -> memref<128x128xf32, #tpu.memory_space<hbm>>
      %dma_wait3A_621 = arith.constant 0 : i32
      %dma_wait3A_622 = arith.constant 0 : i32
      %dma_wait3A_623 = tpu.memref_slice %arg7[%dma_wait3A_621, %dma_wait3A_622] : memref<128x128xf32, #tpu.memory_space<vmem>> -> memref<128x128xf32, #tpu.memory_space<vmem>>
      tpu.wait_dma2 semaphore(%arg13 : memref<!tpu.dma_semaphore, #tpu.memory_space<semaphore_mem>>) src(%dma_wait3A_623 : memref<128x128xf32, #tpu.memory_space<vmem>>) dst(%dma_wait3A_620 : memref<128x128xf32, #tpu.memory_space<hbm>>)
      %dma_start3A_624 = arith.constant 0 : i32
      %dma_start3A_625 = arith.constant 0 : i32
      %dma_start3A_626 = tpu.memref_slice %arg7[%dma_start3A_624, %dma_start3A_625] : memref<128x128xf32, #tpu.memory_space<vmem>> -> memref<128x128xf32, #tpu.memory_space<vmem>>
      %dma_start3A_627 = arith.constant 2048 : i32
      %dma_start3A_628 = tpu.memref_slice %arg5[%dma_start3A_627] : memref<3128xi32, #tpu.memory_space<vmem>> -> memref<128xi32, #tpu.memory_space<vmem>>
      %dma_start3A_629 = arith.constant 0 : i32
      %dma_start3A_630 = arith.constant 0 : i32
      %dma_start3A_631 = tpu.memref_slice %arg6[%dma_start3A_629, %dma_start3A_630] : memref<95x128xf32, #tpu.memory_space<vmem_shared>> -> memref<95x128xf32, #tpu.memory_space<vmem_shared>>
      tpu.enqueue_indirect_dma source(%dma_start3A_631 : memref<95x128xf32, #tpu.memory_space<vmem_shared>>) target(%dma_start3A_626 : memref<128x128xf32, #tpu.memory_space<vmem>>) offsets(%dma_start3A_628 : memref<128xi32, #tpu.memory_space<vmem>>) semaphore(%arg11 : memref<!tpu.dma_semaphore, #tpu.memory_space<semaphore_mem>>)
      %dma_wait3A_632 = arith.constant 0 : i32
      %dma_wait3A_633 = arith.constant 0 : i32
      %dma_wait3A_634 = tpu.memref_slice %arg10[%dma_wait3A_632, %dma_wait3A_633] : memref<128x128xf32, #tpu.memory_space<vmem>> -> memref<128x128xf32, #tpu.memory_space<vmem>>
      %dma_wait3A_635 = arith.constant 1920 : i32
      %dma_wait3A_636 = tpu.memref_slice %arg5[%dma_wait3A_635] : memref<3128xi32, #tpu.memory_space<vmem>> -> memref<128xi32, #tpu.memory_space<vmem>>
      %dma_wait3A_637 = arith.constant 0 : i32
      %dma_wait3A_638 = arith.constant 0 : i32
      %dma_wait3A_639 = tpu.memref_slice %arg6[%dma_wait3A_637, %dma_wait3A_638] : memref<95x128xf32, #tpu.memory_space<vmem_shared>> -> memref<95x128xf32, #tpu.memory_space<vmem_shared>>
      tpu.wait_indirect_dma semaphore(%arg11 : memref<!tpu.dma_semaphore, #tpu.memory_space<semaphore_mem>>) src(%dma_wait3A_639 : memref<95x128xf32, #tpu.memory_space<vmem_shared>>) dst(%dma_wait3A_634 : memref<128x128xf32, #tpu.memory_space<vmem>>)
      %add3A_640 = arith.constant 1920 : i32
      %add3A_641 = arith.addi %multiple_of3A, %add3A_640 : i32
      %multiple_of3A_642 = tpu.assume_multiple %add3A_641, 8 : i32
      %dma_start3A_643 = arith.constant 0 : i32
      %dma_start3A_644 = arith.constant 0 : i32
      %dma_start3A_645 = tpu.memref_slice %arg10[%dma_start3A_643, %dma_start3A_644] : memref<128x128xf32, #tpu.memory_space<vmem>> -> memref<128x128xf32, #tpu.memory_space<vmem>>
      %dma_start3A_646 = arith.constant 0 : i32
      %dma_start3A_647 = tpu.memref_slice %arg4[%multiple_of3A_642, %dma_start3A_646] : memref<100000x128xf32, #tpu.memory_space<hbm>> -> memref<128x128xf32, #tpu.memory_space<hbm>>
      %dma_start3A_648 = arith.constant 0 : i32
      %dma_start3A_649 = tpu.memref_slice %arg4[%multiple_of3A_642, %dma_start3A_648] : memref<100000x128xf32, #tpu.memory_space<hbm>> -> memref<128x128xf32, #tpu.memory_space<hbm>>
      %dma_start3A_650 = arith.constant 0 : i32
      %dma_start3A_651 = arith.constant 0 : i32
      %dma_start3A_652 = tpu.memref_slice %arg10[%dma_start3A_650, %dma_start3A_651] : memref<128x128xf32, #tpu.memory_space<vmem>> -> memref<128x128xf32, #tpu.memory_space<vmem>>
      tpu.enqueue_dma source(%dma_start3A_652 : memref<128x128xf32, #tpu.memory_space<vmem>>) target(%dma_start3A_649 : memref<128x128xf32, #tpu.memory_space<hbm>>) target_semaphore(%arg13 : memref<!tpu.dma_semaphore, #tpu.memory_space<semaphore_mem>>)
      %add3A_653 = arith.constant 1664 : i32
      %add3A_654 = arith.addi %multiple_of3A, %add3A_653 : i32
      %multiple_of3A_655 = tpu.assume_multiple %add3A_654, 8 : i32
      %dma_wait3A_656 = arith.constant 0 : i32
      %dma_wait3A_657 = arith.constant 0 : i32
      %dma_wait3A_658 = tpu.memref_slice %arg8[%dma_wait3A_656, %dma_wait3A_657] : memref<128x128xf32, #tpu.memory_space<vmem>> -> memref<128x128xf32, #tpu.memory_space<vmem>>
      %dma_wait3A_659 = arith.constant 0 : i32
      %dma_wait3A_660 = tpu.memref_slice %arg4[%multiple_of3A_655, %dma_wait3A_659] : memref<100000x128xf32, #tpu.memory_space<hbm>> -> memref<128x128xf32, #tpu.memory_space<hbm>>
      %dma_wait3A_661 = arith.constant 0 : i32
      %dma_wait3A_662 = tpu.memref_slice %arg4[%multiple_of3A_655, %dma_wait3A_661] : memref<100000x128xf32, #tpu.memory_space<hbm>> -> memref<128x128xf32, #tpu.memory_space<hbm>>
      %dma_wait3A_663 = arith.constant 0 : i32
      %dma_wait3A_664 = arith.constant 0 : i32
      %dma_wait3A_665 = tpu.memref_slice %arg8[%dma_wait3A_663, %dma_wait3A_664] : memref<128x128xf32, #tpu.memory_space<vmem>> -> memref<128x128xf32, #tpu.memory_space<vmem>>
      tpu.wait_dma2 semaphore(%arg13 : memref<!tpu.dma_semaphore, #tpu.memory_space<semaphore_mem>>) src(%dma_wait3A_665 : memref<128x128xf32, #tpu.memory_space<vmem>>) dst(%dma_wait3A_662 : memref<128x128xf32, #tpu.memory_space<hbm>>)
      %dma_start3A_666 = arith.constant 0 : i32
      %dma_start3A_667 = arith.constant 0 : i32
      %dma_start3A_668 = tpu.memref_slice %arg8[%dma_start3A_666, %dma_start3A_667] : memref<128x128xf32, #tpu.memory_space<vmem>> -> memref<128x128xf32, #tpu.memory_space<vmem>>
      %dma_start3A_669 = arith.constant 2176 : i32
      %dma_start3A_670 = tpu.memref_slice %arg5[%dma_start3A_669] : memref<3128xi32, #tpu.memory_space<vmem>> -> memref<128xi32, #tpu.memory_space<vmem>>
      %dma_start3A_671 = arith.constant 0 : i32
      %dma_start3A_672 = arith.constant 0 : i32
      %dma_start3A_673 = tpu.memref_slice %arg6[%dma_start3A_671, %dma_start3A_672] : memref<95x128xf32, #tpu.memory_space<vmem_shared>> -> memref<95x128xf32, #tpu.memory_space<vmem_shared>>
      tpu.enqueue_indirect_dma source(%dma_start3A_673 : memref<95x128xf32, #tpu.memory_space<vmem_shared>>) target(%dma_start3A_668 : memref<128x128xf32, #tpu.memory_space<vmem>>) offsets(%dma_start3A_670 : memref<128xi32, #tpu.memory_space<vmem>>) semaphore(%arg11 : memref<!tpu.dma_semaphore, #tpu.memory_space<semaphore_mem>>)
      %dma_wait3A_674 = arith.constant 0 : i32
      %dma_wait3A_675 = arith.constant 0 : i32
      %dma_wait3A_676 = tpu.memref_slice %arg7[%dma_wait3A_674, %dma_wait3A_675] : memref<128x128xf32, #tpu.memory_space<vmem>> -> memref<128x128xf32, #tpu.memory_space<vmem>>
      %dma_wait3A_677 = arith.constant 2048 : i32
      %dma_wait3A_678 = tpu.memref_slice %arg5[%dma_wait3A_677] : memref<3128xi32, #tpu.memory_space<vmem>> -> memref<128xi32, #tpu.memory_space<vmem>>
      %dma_wait3A_679 = arith.constant 0 : i32
      %dma_wait3A_680 = arith.constant 0 : i32
      %dma_wait3A_681 = tpu.memref_slice %arg6[%dma_wait3A_679, %dma_wait3A_680] : memref<95x128xf32, #tpu.memory_space<vmem_shared>> -> memref<95x128xf32, #tpu.memory_space<vmem_shared>>
      tpu.wait_indirect_dma semaphore(%arg11 : memref<!tpu.dma_semaphore, #tpu.memory_space<semaphore_mem>>) src(%dma_wait3A_681 : memref<95x128xf32, #tpu.memory_space<vmem_shared>>) dst(%dma_wait3A_676 : memref<128x128xf32, #tpu.memory_space<vmem>>)
      %add3A_682 = arith.constant 2048 : i32
      %add3A_683 = arith.addi %multiple_of3A, %add3A_682 : i32
      %multiple_of3A_684 = tpu.assume_multiple %add3A_683, 8 : i32
      %dma_start3A_685 = arith.constant 0 : i32
      %dma_start3A_686 = arith.constant 0 : i32
      %dma_start3A_687 = tpu.memref_slice %arg7[%dma_start3A_685, %dma_start3A_686] : memref<128x128xf32, #tpu.memory_space<vmem>> -> memref<128x128xf32, #tpu.memory_space<vmem>>
      %dma_start3A_688 = arith.constant 0 : i32
      %dma_start3A_689 = tpu.memref_slice %arg4[%multiple_of3A_684, %dma_start3A_688] : memref<100000x128xf32, #tpu.memory_space<hbm>> -> memref<128x128xf32, #tpu.memory_space<hbm>>
      %dma_start3A_690 = arith.constant 0 : i32
      %dma_start3A_691 = tpu.memref_slice %arg4[%multiple_of3A_684, %dma_start3A_690] : memref<100000x128xf32, #tpu.memory_space<hbm>> -> memref<128x128xf32, #tpu.memory_space<hbm>>
      %dma_start3A_692 = arith.constant 0 : i32
      %dma_start3A_693 = arith.constant 0 : i32
      %dma_start3A_694 = tpu.memref_slice %arg7[%dma_start3A_692, %dma_start3A_693] : memref<128x128xf32, #tpu.memory_space<vmem>> -> memref<128x128xf32, #tpu.memory_space<vmem>>
      tpu.enqueue_dma source(%dma_start3A_694 : memref<128x128xf32, #tpu.memory_space<vmem>>) target(%dma_start3A_691 : memref<128x128xf32, #tpu.memory_space<hbm>>) target_semaphore(%arg13 : memref<!tpu.dma_semaphore, #tpu.memory_space<semaphore_mem>>)
      %add3A_695 = arith.constant 1792 : i32
      %add3A_696 = arith.addi %multiple_of3A, %add3A_695 : i32
      %multiple_of3A_697 = tpu.assume_multiple %add3A_696, 8 : i32
      %dma_wait3A_698 = arith.constant 0 : i32
      %dma_wait3A_699 = arith.constant 0 : i32
      %dma_wait3A_700 = tpu.memref_slice %arg9[%dma_wait3A_698, %dma_wait3A_699] : memref<128x128xf32, #tpu.memory_space<vmem>> -> memref<128x128xf32, #tpu.memory_space<vmem>>
      %dma_wait3A_701 = arith.constant 0 : i32
      %dma_wait3A_702 = tpu.memref_slice %arg4[%multiple_of3A_697, %dma_wait3A_701] : memref<100000x128xf32, #tpu.memory_space<hbm>> -> memref<128x128xf32, #tpu.memory_space<hbm>>
      %dma_wait3A_703 = arith.constant 0 : i32
      %dma_wait3A_704 = tpu.memref_slice %arg4[%multiple_of3A_697, %dma_wait3A_703] : memref<100000x128xf32, #tpu.memory_space<hbm>> -> memref<128x128xf32, #tpu.memory_space<hbm>>
      %dma_wait3A_705 = arith.constant 0 : i32
      %dma_wait3A_706 = arith.constant 0 : i32
      %dma_wait3A_707 = tpu.memref_slice %arg9[%dma_wait3A_705, %dma_wait3A_706] : memref<128x128xf32, #tpu.memory_space<vmem>> -> memref<128x128xf32, #tpu.memory_space<vmem>>
      tpu.wait_dma2 semaphore(%arg13 : memref<!tpu.dma_semaphore, #tpu.memory_space<semaphore_mem>>) src(%dma_wait3A_707 : memref<128x128xf32, #tpu.memory_space<vmem>>) dst(%dma_wait3A_704 : memref<128x128xf32, #tpu.memory_space<hbm>>)
      %dma_start3A_708 = arith.constant 0 : i32
      %dma_start3A_709 = arith.constant 0 : i32
      %dma_start3A_710 = tpu.memref_slice %arg9[%dma_start3A_708, %dma_start3A_709] : memref<128x128xf32, #tpu.memory_space<vmem>> -> memref<128x128xf32, #tpu.memory_space<vmem>>
      %dma_start3A_711 = arith.constant 2304 : i32
      %dma_start3A_712 = tpu.memref_slice %arg5[%dma_start3A_711] : memref<3128xi32, #tpu.memory_space<vmem>> -> memref<128xi32, #tpu.memory_space<vmem>>
      %dma_start3A_713 = arith.constant 0 : i32
      %dma_start3A_714 = arith.constant 0 : i32
      %dma_start3A_715 = tpu.memref_slice %arg6[%dma_start3A_713, %dma_start3A_714] : memref<95x128xf32, #tpu.memory_space<vmem_shared>> -> memref<95x128xf32, #tpu.memory_space<vmem_shared>>
      tpu.enqueue_indirect_dma source(%dma_start3A_715 : memref<95x128xf32, #tpu.memory_space<vmem_shared>>) target(%dma_start3A_710 : memref<128x128xf32, #tpu.memory_space<vmem>>) offsets(%dma_start3A_712 : memref<128xi32, #tpu.memory_space<vmem>>) semaphore(%arg11 : memref<!tpu.dma_semaphore, #tpu.memory_space<semaphore_mem>>)
      %dma_wait3A_716 = arith.constant 0 : i32
      %dma_wait3A_717 = arith.constant 0 : i32
      %dma_wait3A_718 = tpu.memref_slice %arg8[%dma_wait3A_716, %dma_wait3A_717] : memref<128x128xf32, #tpu.memory_space<vmem>> -> memref<128x128xf32, #tpu.memory_space<vmem>>
      %dma_wait3A_719 = arith.constant 2176 : i32
      %dma_wait3A_720 = tpu.memref_slice %arg5[%dma_wait3A_719] : memref<3128xi32, #tpu.memory_space<vmem>> -> memref<128xi32, #tpu.memory_space<vmem>>
      %dma_wait3A_721 = arith.constant 0 : i32
      %dma_wait3A_722 = arith.constant 0 : i32
      %dma_wait3A_723 = tpu.memref_slice %arg6[%dma_wait3A_721, %dma_wait3A_722] : memref<95x128xf32, #tpu.memory_space<vmem_shared>> -> memref<95x128xf32, #tpu.memory_space<vmem_shared>>
      tpu.wait_indirect_dma semaphore(%arg11 : memref<!tpu.dma_semaphore, #tpu.memory_space<semaphore_mem>>) src(%dma_wait3A_723 : memref<95x128xf32, #tpu.memory_space<vmem_shared>>) dst(%dma_wait3A_718 : memref<128x128xf32, #tpu.memory_space<vmem>>)
      %add3A_724 = arith.constant 2176 : i32
      %add3A_725 = arith.addi %multiple_of3A, %add3A_724 : i32
      %multiple_of3A_726 = tpu.assume_multiple %add3A_725, 8 : i32
      %dma_start3A_727 = arith.constant 0 : i32
      %dma_start3A_728 = arith.constant 0 : i32
      %dma_start3A_729 = tpu.memref_slice %arg8[%dma_start3A_727, %dma_start3A_728] : memref<128x128xf32, #tpu.memory_space<vmem>> -> memref<128x128xf32, #tpu.memory_space<vmem>>
      %dma_start3A_730 = arith.constant 0 : i32
      %dma_start3A_731 = tpu.memref_slice %arg4[%multiple_of3A_726, %dma_start3A_730] : memref<100000x128xf32, #tpu.memory_space<hbm>> -> memref<128x128xf32, #tpu.memory_space<hbm>>
      %dma_start3A_732 = arith.constant 0 : i32
      %dma_start3A_733 = tpu.memref_slice %arg4[%multiple_of3A_726, %dma_start3A_732] : memref<100000x128xf32, #tpu.memory_space<hbm>> -> memref<128x128xf32, #tpu.memory_space<hbm>>
      %dma_start3A_734 = arith.constant 0 : i32
      %dma_start3A_735 = arith.constant 0 : i32
      %dma_start3A_736 = tpu.memref_slice %arg8[%dma_start3A_734, %dma_start3A_735] : memref<128x128xf32, #tpu.memory_space<vmem>> -> memref<128x128xf32, #tpu.memory_space<vmem>>
      tpu.enqueue_dma source(%dma_start3A_736 : memref<128x128xf32, #tpu.memory_space<vmem>>) target(%dma_start3A_733 : memref<128x128xf32, #tpu.memory_space<hbm>>) target_semaphore(%arg13 : memref<!tpu.dma_semaphore, #tpu.memory_space<semaphore_mem>>)
      %add3A_737 = arith.constant 1920 : i32
      %add3A_738 = arith.addi %multiple_of3A, %add3A_737 : i32
      %multiple_of3A_739 = tpu.assume_multiple %add3A_738, 8 : i32
      %dma_wait3A_740 = arith.constant 0 : i32
      %dma_wait3A_741 = arith.constant 0 : i32
      %dma_wait3A_742 = tpu.memref_slice %arg10[%dma_wait3A_740, %dma_wait3A_741] : memref<128x128xf32, #tpu.memory_space<vmem>> -> memref<128x128xf32, #tpu.memory_space<vmem>>
      %dma_wait3A_743 = arith.constant 0 : i32
      %dma_wait3A_744 = tpu.memref_slice %arg4[%multiple_of3A_739, %dma_wait3A_743] : memref<100000x128xf32, #tpu.memory_space<hbm>> -> memref<128x128xf32, #tpu.memory_space<hbm>>
      %dma_wait3A_745 = arith.constant 0 : i32
      %dma_wait3A_746 = tpu.memref_slice %arg4[%multiple_of3A_739, %dma_wait3A_745] : memref<100000x128xf32, #tpu.memory_space<hbm>> -> memref<128x128xf32, #tpu.memory_space<hbm>>
      %dma_wait3A_747 = arith.constant 0 : i32
      %dma_wait3A_748 = arith.constant 0 : i32
      %dma_wait3A_749 = tpu.memref_slice %arg10[%dma_wait3A_747, %dma_wait3A_748] : memref<128x128xf32, #tpu.memory_space<vmem>> -> memref<128x128xf32, #tpu.memory_space<vmem>>
      tpu.wait_dma2 semaphore(%arg13 : memref<!tpu.dma_semaphore, #tpu.memory_space<semaphore_mem>>) src(%dma_wait3A_749 : memref<128x128xf32, #tpu.memory_space<vmem>>) dst(%dma_wait3A_746 : memref<128x128xf32, #tpu.memory_space<hbm>>)
      %dma_start3A_750 = arith.constant 0 : i32
      %dma_start3A_751 = arith.constant 0 : i32
      %dma_start3A_752 = tpu.memref_slice %arg10[%dma_start3A_750, %dma_start3A_751] : memref<128x128xf32, #tpu.memory_space<vmem>> -> memref<128x128xf32, #tpu.memory_space<vmem>>
      %dma_start3A_753 = arith.constant 2432 : i32
      %dma_start3A_754 = tpu.memref_slice %arg5[%dma_start3A_753] : memref<3128xi32, #tpu.memory_space<vmem>> -> memref<128xi32, #tpu.memory_space<vmem>>
      %dma_start3A_755 = arith.constant 0 : i32
      %dma_start3A_756 = arith.constant 0 : i32
      %dma_start3A_757 = tpu.memref_slice %arg6[%dma_start3A_755, %dma_start3A_756] : memref<95x128xf32, #tpu.memory_space<vmem_shared>> -> memref<95x128xf32, #tpu.memory_space<vmem_shared>>
      tpu.enqueue_indirect_dma source(%dma_start3A_757 : memref<95x128xf32, #tpu.memory_space<vmem_shared>>) target(%dma_start3A_752 : memref<128x128xf32, #tpu.memory_space<vmem>>) offsets(%dma_start3A_754 : memref<128xi32, #tpu.memory_space<vmem>>) semaphore(%arg11 : memref<!tpu.dma_semaphore, #tpu.memory_space<semaphore_mem>>)
      %dma_wait3A_758 = arith.constant 0 : i32
      %dma_wait3A_759 = arith.constant 0 : i32
      %dma_wait3A_760 = tpu.memref_slice %arg9[%dma_wait3A_758, %dma_wait3A_759] : memref<128x128xf32, #tpu.memory_space<vmem>> -> memref<128x128xf32, #tpu.memory_space<vmem>>
      %dma_wait3A_761 = arith.constant 2304 : i32
      %dma_wait3A_762 = tpu.memref_slice %arg5[%dma_wait3A_761] : memref<3128xi32, #tpu.memory_space<vmem>> -> memref<128xi32, #tpu.memory_space<vmem>>
      %dma_wait3A_763 = arith.constant 0 : i32
      %dma_wait3A_764 = arith.constant 0 : i32
      %dma_wait3A_765 = tpu.memref_slice %arg6[%dma_wait3A_763, %dma_wait3A_764] : memref<95x128xf32, #tpu.memory_space<vmem_shared>> -> memref<95x128xf32, #tpu.memory_space<vmem_shared>>
      tpu.wait_indirect_dma semaphore(%arg11 : memref<!tpu.dma_semaphore, #tpu.memory_space<semaphore_mem>>) src(%dma_wait3A_765 : memref<95x128xf32, #tpu.memory_space<vmem_shared>>) dst(%dma_wait3A_760 : memref<128x128xf32, #tpu.memory_space<vmem>>)
      %add3A_766 = arith.constant 2304 : i32
      %add3A_767 = arith.addi %multiple_of3A, %add3A_766 : i32
      %multiple_of3A_768 = tpu.assume_multiple %add3A_767, 8 : i32
      %dma_start3A_769 = arith.constant 0 : i32
      %dma_start3A_770 = arith.constant 0 : i32
      %dma_start3A_771 = tpu.memref_slice %arg9[%dma_start3A_769, %dma_start3A_770] : memref<128x128xf32, #tpu.memory_space<vmem>> -> memref<128x128xf32, #tpu.memory_space<vmem>>
      %dma_start3A_772 = arith.constant 0 : i32
      %dma_start3A_773 = tpu.memref_slice %arg4[%multiple_of3A_768, %dma_start3A_772] : memref<100000x128xf32, #tpu.memory_space<hbm>> -> memref<128x128xf32, #tpu.memory_space<hbm>>
      %dma_start3A_774 = arith.constant 0 : i32
      %dma_start3A_775 = tpu.memref_slice %arg4[%multiple_of3A_768, %dma_start3A_774] : memref<100000x128xf32, #tpu.memory_space<hbm>> -> memref<128x128xf32, #tpu.memory_space<hbm>>
      %dma_start3A_776 = arith.constant 0 : i32
      %dma_start3A_777 = arith.constant 0 : i32
      %dma_start3A_778 = tpu.memref_slice %arg9[%dma_start3A_776, %dma_start3A_777] : memref<128x128xf32, #tpu.memory_space<vmem>> -> memref<128x128xf32, #tpu.memory_space<vmem>>
      tpu.enqueue_dma source(%dma_start3A_778 : memref<128x128xf32, #tpu.memory_space<vmem>>) target(%dma_start3A_775 : memref<128x128xf32, #tpu.memory_space<hbm>>) target_semaphore(%arg13 : memref<!tpu.dma_semaphore, #tpu.memory_space<semaphore_mem>>)
      %add3A_779 = arith.constant 2048 : i32
      %add3A_780 = arith.addi %multiple_of3A, %add3A_779 : i32
      %multiple_of3A_781 = tpu.assume_multiple %add3A_780, 8 : i32
      %dma_wait3A_782 = arith.constant 0 : i32
      %dma_wait3A_783 = arith.constant 0 : i32
      %dma_wait3A_784 = tpu.memref_slice %arg7[%dma_wait3A_782, %dma_wait3A_783] : memref<128x128xf32, #tpu.memory_space<vmem>> -> memref<128x128xf32, #tpu.memory_space<vmem>>
      %dma_wait3A_785 = arith.constant 0 : i32
      %dma_wait3A_786 = tpu.memref_slice %arg4[%multiple_of3A_781, %dma_wait3A_785] : memref<100000x128xf32, #tpu.memory_space<hbm>> -> memref<128x128xf32, #tpu.memory_space<hbm>>
      %dma_wait3A_787 = arith.constant 0 : i32
      %dma_wait3A_788 = tpu.memref_slice %arg4[%multiple_of3A_781, %dma_wait3A_787] : memref<100000x128xf32, #tpu.memory_space<hbm>> -> memref<128x128xf32, #tpu.memory_space<hbm>>
      %dma_wait3A_789 = arith.constant 0 : i32
      %dma_wait3A_790 = arith.constant 0 : i32
      %dma_wait3A_791 = tpu.memref_slice %arg7[%dma_wait3A_789, %dma_wait3A_790] : memref<128x128xf32, #tpu.memory_space<vmem>> -> memref<128x128xf32, #tpu.memory_space<vmem>>
      tpu.wait_dma2 semaphore(%arg13 : memref<!tpu.dma_semaphore, #tpu.memory_space<semaphore_mem>>) src(%dma_wait3A_791 : memref<128x128xf32, #tpu.memory_space<vmem>>) dst(%dma_wait3A_788 : memref<128x128xf32, #tpu.memory_space<hbm>>)
      %dma_start3A_792 = arith.constant 0 : i32
      %dma_start3A_793 = arith.constant 0 : i32
      %dma_start3A_794 = tpu.memref_slice %arg7[%dma_start3A_792, %dma_start3A_793] : memref<128x128xf32, #tpu.memory_space<vmem>> -> memref<128x128xf32, #tpu.memory_space<vmem>>
      %dma_start3A_795 = arith.constant 2560 : i32
      %dma_start3A_796 = tpu.memref_slice %arg5[%dma_start3A_795] : memref<3128xi32, #tpu.memory_space<vmem>> -> memref<128xi32, #tpu.memory_space<vmem>>
      %dma_start3A_797 = arith.constant 0 : i32
      %dma_start3A_798 = arith.constant 0 : i32
      %dma_start3A_799 = tpu.memref_slice %arg6[%dma_start3A_797, %dma_start3A_798] : memref<95x128xf32, #tpu.memory_space<vmem_shared>> -> memref<95x128xf32, #tpu.memory_space<vmem_shared>>
      tpu.enqueue_indirect_dma source(%dma_start3A_799 : memref<95x128xf32, #tpu.memory_space<vmem_shared>>) target(%dma_start3A_794 : memref<128x128xf32, #tpu.memory_space<vmem>>) offsets(%dma_start3A_796 : memref<128xi32, #tpu.memory_space<vmem>>) semaphore(%arg11 : memref<!tpu.dma_semaphore, #tpu.memory_space<semaphore_mem>>)
      %dma_wait3A_800 = arith.constant 0 : i32
      %dma_wait3A_801 = arith.constant 0 : i32
      %dma_wait3A_802 = tpu.memref_slice %arg10[%dma_wait3A_800, %dma_wait3A_801] : memref<128x128xf32, #tpu.memory_space<vmem>> -> memref<128x128xf32, #tpu.memory_space<vmem>>
      %dma_wait3A_803 = arith.constant 2432 : i32
      %dma_wait3A_804 = tpu.memref_slice %arg5[%dma_wait3A_803] : memref<3128xi32, #tpu.memory_space<vmem>> -> memref<128xi32, #tpu.memory_space<vmem>>
      %dma_wait3A_805 = arith.constant 0 : i32
      %dma_wait3A_806 = arith.constant 0 : i32
      %dma_wait3A_807 = tpu.memref_slice %arg6[%dma_wait3A_805, %dma_wait3A_806] : memref<95x128xf32, #tpu.memory_space<vmem_shared>> -> memref<95x128xf32, #tpu.memory_space<vmem_shared>>
      tpu.wait_indirect_dma semaphore(%arg11 : memref<!tpu.dma_semaphore, #tpu.memory_space<semaphore_mem>>) src(%dma_wait3A_807 : memref<95x128xf32, #tpu.memory_space<vmem_shared>>) dst(%dma_wait3A_802 : memref<128x128xf32, #tpu.memory_space<vmem>>)
      %add3A_808 = arith.constant 2432 : i32
      %add3A_809 = arith.addi %multiple_of3A, %add3A_808 : i32
      %multiple_of3A_810 = tpu.assume_multiple %add3A_809, 8 : i32
      %dma_start3A_811 = arith.constant 0 : i32
      %dma_start3A_812 = arith.constant 0 : i32
      %dma_start3A_813 = tpu.memref_slice %arg10[%dma_start3A_811, %dma_start3A_812] : memref<128x128xf32, #tpu.memory_space<vmem>> -> memref<128x128xf32, #tpu.memory_space<vmem>>
      %dma_start3A_814 = arith.constant 0 : i32
      %dma_start3A_815 = tpu.memref_slice %arg4[%multiple_of3A_810, %dma_start3A_814] : memref<100000x128xf32, #tpu.memory_space<hbm>> -> memref<128x128xf32, #tpu.memory_space<hbm>>
      %dma_start3A_816 = arith.constant 0 : i32
      %dma_start3A_817 = tpu.memref_slice %arg4[%multiple_of3A_810, %dma_start3A_816] : memref<100000x128xf32, #tpu.memory_space<hbm>> -> memref<128x128xf32, #tpu.memory_space<hbm>>
      %dma_start3A_818 = arith.constant 0 : i32
      %dma_start3A_819 = arith.constant 0 : i32
      %dma_start3A_820 = tpu.memref_slice %arg10[%dma_start3A_818, %dma_start3A_819] : memref<128x128xf32, #tpu.memory_space<vmem>> -> memref<128x128xf32, #tpu.memory_space<vmem>>
      tpu.enqueue_dma source(%dma_start3A_820 : memref<128x128xf32, #tpu.memory_space<vmem>>) target(%dma_start3A_817 : memref<128x128xf32, #tpu.memory_space<hbm>>) target_semaphore(%arg13 : memref<!tpu.dma_semaphore, #tpu.memory_space<semaphore_mem>>)
      %add3A_821 = arith.constant 2176 : i32
      %add3A_822 = arith.addi %multiple_of3A, %add3A_821 : i32
      %multiple_of3A_823 = tpu.assume_multiple %add3A_822, 8 : i32
      %dma_wait3A_824 = arith.constant 0 : i32
      %dma_wait3A_825 = arith.constant 0 : i32
      %dma_wait3A_826 = tpu.memref_slice %arg8[%dma_wait3A_824, %dma_wait3A_825] : memref<128x128xf32, #tpu.memory_space<vmem>> -> memref<128x128xf32, #tpu.memory_space<vmem>>
      %dma_wait3A_827 = arith.constant 0 : i32
      %dma_wait3A_828 = tpu.memref_slice %arg4[%multiple_of3A_823, %dma_wait3A_827] : memref<100000x128xf32, #tpu.memory_space<hbm>> -> memref<128x128xf32, #tpu.memory_space<hbm>>
      %dma_wait3A_829 = arith.constant 0 : i32
      %dma_wait3A_830 = tpu.memref_slice %arg4[%multiple_of3A_823, %dma_wait3A_829] : memref<100000x128xf32, #tpu.memory_space<hbm>> -> memref<128x128xf32, #tpu.memory_space<hbm>>
      %dma_wait3A_831 = arith.constant 0 : i32
      %dma_wait3A_832 = arith.constant 0 : i32
      %dma_wait3A_833 = tpu.memref_slice %arg8[%dma_wait3A_831, %dma_wait3A_832] : memref<128x128xf32, #tpu.memory_space<vmem>> -> memref<128x128xf32, #tpu.memory_space<vmem>>
      tpu.wait_dma2 semaphore(%arg13 : memref<!tpu.dma_semaphore, #tpu.memory_space<semaphore_mem>>) src(%dma_wait3A_833 : memref<128x128xf32, #tpu.memory_space<vmem>>) dst(%dma_wait3A_830 : memref<128x128xf32, #tpu.memory_space<hbm>>)
      %dma_start3A_834 = arith.constant 0 : i32
      %dma_start3A_835 = arith.constant 0 : i32
      %dma_start3A_836 = tpu.memref_slice %arg8[%dma_start3A_834, %dma_start3A_835] : memref<128x128xf32, #tpu.memory_space<vmem>> -> memref<128x128xf32, #tpu.memory_space<vmem>>
      %dma_start3A_837 = arith.constant 2688 : i32
      %dma_start3A_838 = tpu.memref_slice %arg5[%dma_start3A_837] : memref<3128xi32, #tpu.memory_space<vmem>> -> memref<128xi32, #tpu.memory_space<vmem>>
      %dma_start3A_839 = arith.constant 0 : i32
      %dma_start3A_840 = arith.constant 0 : i32
      %dma_start3A_841 = tpu.memref_slice %arg6[%dma_start3A_839, %dma_start3A_840] : memref<95x128xf32, #tpu.memory_space<vmem_shared>> -> memref<95x128xf32, #tpu.memory_space<vmem_shared>>
      tpu.enqueue_indirect_dma source(%dma_start3A_841 : memref<95x128xf32, #tpu.memory_space<vmem_shared>>) target(%dma_start3A_836 : memref<128x128xf32, #tpu.memory_space<vmem>>) offsets(%dma_start3A_838 : memref<128xi32, #tpu.memory_space<vmem>>) semaphore(%arg11 : memref<!tpu.dma_semaphore, #tpu.memory_space<semaphore_mem>>)
      %dma_wait3A_842 = arith.constant 0 : i32
      %dma_wait3A_843 = arith.constant 0 : i32
      %dma_wait3A_844 = tpu.memref_slice %arg7[%dma_wait3A_842, %dma_wait3A_843] : memref<128x128xf32, #tpu.memory_space<vmem>> -> memref<128x128xf32, #tpu.memory_space<vmem>>
      %dma_wait3A_845 = arith.constant 2560 : i32
      %dma_wait3A_846 = tpu.memref_slice %arg5[%dma_wait3A_845] : memref<3128xi32, #tpu.memory_space<vmem>> -> memref<128xi32, #tpu.memory_space<vmem>>
      %dma_wait3A_847 = arith.constant 0 : i32
      %dma_wait3A_848 = arith.constant 0 : i32
      %dma_wait3A_849 = tpu.memref_slice %arg6[%dma_wait3A_847, %dma_wait3A_848] : memref<95x128xf32, #tpu.memory_space<vmem_shared>> -> memref<95x128xf32, #tpu.memory_space<vmem_shared>>
      tpu.wait_indirect_dma semaphore(%arg11 : memref<!tpu.dma_semaphore, #tpu.memory_space<semaphore_mem>>) src(%dma_wait3A_849 : memref<95x128xf32, #tpu.memory_space<vmem_shared>>) dst(%dma_wait3A_844 : memref<128x128xf32, #tpu.memory_space<vmem>>)
      %add3A_850 = arith.constant 2560 : i32
      %add3A_851 = arith.addi %multiple_of3A, %add3A_850 : i32
      %multiple_of3A_852 = tpu.assume_multiple %add3A_851, 8 : i32
      %dma_start3A_853 = arith.constant 0 : i32
      %dma_start3A_854 = arith.constant 0 : i32
      %dma_start3A_855 = tpu.memref_slice %arg7[%dma_start3A_853, %dma_start3A_854] : memref<128x128xf32, #tpu.memory_space<vmem>> -> memref<128x128xf32, #tpu.memory_space<vmem>>
      %dma_start3A_856 = arith.constant 0 : i32
      %dma_start3A_857 = tpu.memref_slice %arg4[%multiple_of3A_852, %dma_start3A_856] : memref<100000x128xf32, #tpu.memory_space<hbm>> -> memref<128x128xf32, #tpu.memory_space<hbm>>
      %dma_start3A_858 = arith.constant 0 : i32
      %dma_start3A_859 = tpu.memref_slice %arg4[%multiple_of3A_852, %dma_start3A_858] : memref<100000x128xf32, #tpu.memory_space<hbm>> -> memref<128x128xf32, #tpu.memory_space<hbm>>
      %dma_start3A_860 = arith.constant 0 : i32
      %dma_start3A_861 = arith.constant 0 : i32
      %dma_start3A_862 = tpu.memref_slice %arg7[%dma_start3A_860, %dma_start3A_861] : memref<128x128xf32, #tpu.memory_space<vmem>> -> memref<128x128xf32, #tpu.memory_space<vmem>>
      tpu.enqueue_dma source(%dma_start3A_862 : memref<128x128xf32, #tpu.memory_space<vmem>>) target(%dma_start3A_859 : memref<128x128xf32, #tpu.memory_space<hbm>>) target_semaphore(%arg13 : memref<!tpu.dma_semaphore, #tpu.memory_space<semaphore_mem>>)
      %add3A_863 = arith.constant 2304 : i32
      %add3A_864 = arith.addi %multiple_of3A, %add3A_863 : i32
      %multiple_of3A_865 = tpu.assume_multiple %add3A_864, 8 : i32
      %dma_wait3A_866 = arith.constant 0 : i32
      %dma_wait3A_867 = arith.constant 0 : i32
      %dma_wait3A_868 = tpu.memref_slice %arg9[%dma_wait3A_866, %dma_wait3A_867] : memref<128x128xf32, #tpu.memory_space<vmem>> -> memref<128x128xf32, #tpu.memory_space<vmem>>
      %dma_wait3A_869 = arith.constant 0 : i32
      %dma_wait3A_870 = tpu.memref_slice %arg4[%multiple_of3A_865, %dma_wait3A_869] : memref<100000x128xf32, #tpu.memory_space<hbm>> -> memref<128x128xf32, #tpu.memory_space<hbm>>
      %dma_wait3A_871 = arith.constant 0 : i32
      %dma_wait3A_872 = tpu.memref_slice %arg4[%multiple_of3A_865, %dma_wait3A_871] : memref<100000x128xf32, #tpu.memory_space<hbm>> -> memref<128x128xf32, #tpu.memory_space<hbm>>
      %dma_wait3A_873 = arith.constant 0 : i32
      %dma_wait3A_874 = arith.constant 0 : i32
      %dma_wait3A_875 = tpu.memref_slice %arg9[%dma_wait3A_873, %dma_wait3A_874] : memref<128x128xf32, #tpu.memory_space<vmem>> -> memref<128x128xf32, #tpu.memory_space<vmem>>
      tpu.wait_dma2 semaphore(%arg13 : memref<!tpu.dma_semaphore, #tpu.memory_space<semaphore_mem>>) src(%dma_wait3A_875 : memref<128x128xf32, #tpu.memory_space<vmem>>) dst(%dma_wait3A_872 : memref<128x128xf32, #tpu.memory_space<hbm>>)
      %dma_start3A_876 = arith.constant 0 : i32
      %dma_start3A_877 = arith.constant 0 : i32
      %dma_start3A_878 = tpu.memref_slice %arg9[%dma_start3A_876, %dma_start3A_877] : memref<128x128xf32, #tpu.memory_space<vmem>> -> memref<128x128xf32, #tpu.memory_space<vmem>>
      %dma_start3A_879 = arith.constant 2816 : i32
      %dma_start3A_880 = tpu.memref_slice %arg5[%dma_start3A_879] : memref<3128xi32, #tpu.memory_space<vmem>> -> memref<128xi32, #tpu.memory_space<vmem>>
      %dma_start3A_881 = arith.constant 0 : i32
      %dma_start3A_882 = arith.constant 0 : i32
      %dma_start3A_883 = tpu.memref_slice %arg6[%dma_start3A_881, %dma_start3A_882] : memref<95x128xf32, #tpu.memory_space<vmem_shared>> -> memref<95x128xf32, #tpu.memory_space<vmem_shared>>
      tpu.enqueue_indirect_dma source(%dma_start3A_883 : memref<95x128xf32, #tpu.memory_space<vmem_shared>>) target(%dma_start3A_878 : memref<128x128xf32, #tpu.memory_space<vmem>>) offsets(%dma_start3A_880 : memref<128xi32, #tpu.memory_space<vmem>>) semaphore(%arg11 : memref<!tpu.dma_semaphore, #tpu.memory_space<semaphore_mem>>)
      %dma_wait3A_884 = arith.constant 0 : i32
      %dma_wait3A_885 = arith.constant 0 : i32
      %dma_wait3A_886 = tpu.memref_slice %arg8[%dma_wait3A_884, %dma_wait3A_885] : memref<128x128xf32, #tpu.memory_space<vmem>> -> memref<128x128xf32, #tpu.memory_space<vmem>>
      %dma_wait3A_887 = arith.constant 2688 : i32
      %dma_wait3A_888 = tpu.memref_slice %arg5[%dma_wait3A_887] : memref<3128xi32, #tpu.memory_space<vmem>> -> memref<128xi32, #tpu.memory_space<vmem>>
      %dma_wait3A_889 = arith.constant 0 : i32
      %dma_wait3A_890 = arith.constant 0 : i32
      %dma_wait3A_891 = tpu.memref_slice %arg6[%dma_wait3A_889, %dma_wait3A_890] : memref<95x128xf32, #tpu.memory_space<vmem_shared>> -> memref<95x128xf32, #tpu.memory_space<vmem_shared>>
      tpu.wait_indirect_dma semaphore(%arg11 : memref<!tpu.dma_semaphore, #tpu.memory_space<semaphore_mem>>) src(%dma_wait3A_891 : memref<95x128xf32, #tpu.memory_space<vmem_shared>>) dst(%dma_wait3A_886 : memref<128x128xf32, #tpu.memory_space<vmem>>)
      %add3A_892 = arith.constant 2688 : i32
      %add3A_893 = arith.addi %multiple_of3A, %add3A_892 : i32
      %multiple_of3A_894 = tpu.assume_multiple %add3A_893, 8 : i32
      %dma_start3A_895 = arith.constant 0 : i32
      %dma_start3A_896 = arith.constant 0 : i32
      %dma_start3A_897 = tpu.memref_slice %arg8[%dma_start3A_895, %dma_start3A_896] : memref<128x128xf32, #tpu.memory_space<vmem>> -> memref<128x128xf32, #tpu.memory_space<vmem>>
      %dma_start3A_898 = arith.constant 0 : i32
      %dma_start3A_899 = tpu.memref_slice %arg4[%multiple_of3A_894, %dma_start3A_898] : memref<100000x128xf32, #tpu.memory_space<hbm>> -> memref<128x128xf32, #tpu.memory_space<hbm>>
      %dma_start3A_900 = arith.constant 0 : i32
      %dma_start3A_901 = tpu.memref_slice %arg4[%multiple_of3A_894, %dma_start3A_900] : memref<100000x128xf32, #tpu.memory_space<hbm>> -> memref<128x128xf32, #tpu.memory_space<hbm>>
      %dma_start3A_902 = arith.constant 0 : i32
      %dma_start3A_903 = arith.constant 0 : i32
      %dma_start3A_904 = tpu.memref_slice %arg8[%dma_start3A_902, %dma_start3A_903] : memref<128x128xf32, #tpu.memory_space<vmem>> -> memref<128x128xf32, #tpu.memory_space<vmem>>
      tpu.enqueue_dma source(%dma_start3A_904 : memref<128x128xf32, #tpu.memory_space<vmem>>) target(%dma_start3A_901 : memref<128x128xf32, #tpu.memory_space<hbm>>) target_semaphore(%arg13 : memref<!tpu.dma_semaphore, #tpu.memory_space<semaphore_mem>>)
      %add3A_905 = arith.constant 2432 : i32
      %add3A_906 = arith.addi %multiple_of3A, %add3A_905 : i32
      %multiple_of3A_907 = tpu.assume_multiple %add3A_906, 8 : i32
      %dma_wait3A_908 = arith.constant 0 : i32
      %dma_wait3A_909 = arith.constant 0 : i32
      %dma_wait3A_910 = tpu.memref_slice %arg10[%dma_wait3A_908, %dma_wait3A_909] : memref<128x128xf32, #tpu.memory_space<vmem>> -> memref<128x128xf32, #tpu.memory_space<vmem>>
      %dma_wait3A_911 = arith.constant 0 : i32
      %dma_wait3A_912 = tpu.memref_slice %arg4[%multiple_of3A_907, %dma_wait3A_911] : memref<100000x128xf32, #tpu.memory_space<hbm>> -> memref<128x128xf32, #tpu.memory_space<hbm>>
      %dma_wait3A_913 = arith.constant 0 : i32
      %dma_wait3A_914 = tpu.memref_slice %arg4[%multiple_of3A_907, %dma_wait3A_913] : memref<100000x128xf32, #tpu.memory_space<hbm>> -> memref<128x128xf32, #tpu.memory_space<hbm>>
      %dma_wait3A_915 = arith.constant 0 : i32
      %dma_wait3A_916 = arith.constant 0 : i32
      %dma_wait3A_917 = tpu.memref_slice %arg10[%dma_wait3A_915, %dma_wait3A_916] : memref<128x128xf32, #tpu.memory_space<vmem>> -> memref<128x128xf32, #tpu.memory_space<vmem>>
      tpu.wait_dma2 semaphore(%arg13 : memref<!tpu.dma_semaphore, #tpu.memory_space<semaphore_mem>>) src(%dma_wait3A_917 : memref<128x128xf32, #tpu.memory_space<vmem>>) dst(%dma_wait3A_914 : memref<128x128xf32, #tpu.memory_space<hbm>>)
      %dma_start3A_918 = arith.constant 0 : i32
      %dma_start3A_919 = arith.constant 0 : i32
      %dma_start3A_920 = tpu.memref_slice %arg10[%dma_start3A_918, %dma_start3A_919] : memref<128x128xf32, #tpu.memory_space<vmem>> -> memref<128x128xf32, #tpu.memory_space<vmem>>
      %dma_start3A_921 = arith.constant 2944 : i32
      %dma_start3A_922 = tpu.memref_slice %arg5[%dma_start3A_921] : memref<3128xi32, #tpu.memory_space<vmem>> -> memref<128xi32, #tpu.memory_space<vmem>>
      %dma_start3A_923 = arith.constant 0 : i32
      %dma_start3A_924 = arith.constant 0 : i32
      %dma_start3A_925 = tpu.memref_slice %arg6[%dma_start3A_923, %dma_start3A_924] : memref<95x128xf32, #tpu.memory_space<vmem_shared>> -> memref<95x128xf32, #tpu.memory_space<vmem_shared>>
      tpu.enqueue_indirect_dma source(%dma_start3A_925 : memref<95x128xf32, #tpu.memory_space<vmem_shared>>) target(%dma_start3A_920 : memref<128x128xf32, #tpu.memory_space<vmem>>) offsets(%dma_start3A_922 : memref<128xi32, #tpu.memory_space<vmem>>) semaphore(%arg11 : memref<!tpu.dma_semaphore, #tpu.memory_space<semaphore_mem>>)
      %dma_wait3A_926 = arith.constant 0 : i32
      %dma_wait3A_927 = arith.constant 0 : i32
      %dma_wait3A_928 = tpu.memref_slice %arg9[%dma_wait3A_926, %dma_wait3A_927] : memref<128x128xf32, #tpu.memory_space<vmem>> -> memref<128x128xf32, #tpu.memory_space<vmem>>
      %dma_wait3A_929 = arith.constant 2816 : i32
      %dma_wait3A_930 = tpu.memref_slice %arg5[%dma_wait3A_929] : memref<3128xi32, #tpu.memory_space<vmem>> -> memref<128xi32, #tpu.memory_space<vmem>>
      %dma_wait3A_931 = arith.constant 0 : i32
      %dma_wait3A_932 = arith.constant 0 : i32
      %dma_wait3A_933 = tpu.memref_slice %arg6[%dma_wait3A_931, %dma_wait3A_932] : memref<95x128xf32, #tpu.memory_space<vmem_shared>> -> memref<95x128xf32, #tpu.memory_space<vmem_shared>>
      tpu.wait_indirect_dma semaphore(%arg11 : memref<!tpu.dma_semaphore, #tpu.memory_space<semaphore_mem>>) src(%dma_wait3A_933 : memref<95x128xf32, #tpu.memory_space<vmem_shared>>) dst(%dma_wait3A_928 : memref<128x128xf32, #tpu.memory_space<vmem>>)
      %add3A_934 = arith.constant 2816 : i32
      %add3A_935 = arith.addi %multiple_of3A, %add3A_934 : i32
      %multiple_of3A_936 = tpu.assume_multiple %add3A_935, 8 : i32
      %dma_start3A_937 = arith.constant 0 : i32
      %dma_start3A_938 = arith.constant 0 : i32
      %dma_start3A_939 = tpu.memref_slice %arg9[%dma_start3A_937, %dma_start3A_938] : memref<128x128xf32, #tpu.memory_space<vmem>> -> memref<128x128xf32, #tpu.memory_space<vmem>>
      %dma_start3A_940 = arith.constant 0 : i32
      %dma_start3A_941 = tpu.memref_slice %arg4[%multiple_of3A_936, %dma_start3A_940] : memref<100000x128xf32, #tpu.memory_space<hbm>> -> memref<128x128xf32, #tpu.memory_space<hbm>>
      %dma_start3A_942 = arith.constant 0 : i32
      %dma_start3A_943 = tpu.memref_slice %arg4[%multiple_of3A_936, %dma_start3A_942] : memref<100000x128xf32, #tpu.memory_space<hbm>> -> memref<128x128xf32, #tpu.memory_space<hbm>>
      %dma_start3A_944 = arith.constant 0 : i32
      %dma_start3A_945 = arith.constant 0 : i32
      %dma_start3A_946 = tpu.memref_slice %arg9[%dma_start3A_944, %dma_start3A_945] : memref<128x128xf32, #tpu.memory_space<vmem>> -> memref<128x128xf32, #tpu.memory_space<vmem>>
      tpu.enqueue_dma source(%dma_start3A_946 : memref<128x128xf32, #tpu.memory_space<vmem>>) target(%dma_start3A_943 : memref<128x128xf32, #tpu.memory_space<hbm>>) target_semaphore(%arg13 : memref<!tpu.dma_semaphore, #tpu.memory_space<semaphore_mem>>)
      %add3A_947 = arith.constant 2560 : i32
      %add3A_948 = arith.addi %multiple_of3A, %add3A_947 : i32
      %multiple_of3A_949 = tpu.assume_multiple %add3A_948, 8 : i32
      %dma_wait3A_950 = arith.constant 0 : i32
      %dma_wait3A_951 = arith.constant 0 : i32
      %dma_wait3A_952 = tpu.memref_slice %arg7[%dma_wait3A_950, %dma_wait3A_951] : memref<128x128xf32, #tpu.memory_space<vmem>> -> memref<128x128xf32, #tpu.memory_space<vmem>>
      %dma_wait3A_953 = arith.constant 0 : i32
      %dma_wait3A_954 = tpu.memref_slice %arg4[%multiple_of3A_949, %dma_wait3A_953] : memref<100000x128xf32, #tpu.memory_space<hbm>> -> memref<128x128xf32, #tpu.memory_space<hbm>>
      %dma_wait3A_955 = arith.constant 0 : i32
      %dma_wait3A_956 = tpu.memref_slice %arg4[%multiple_of3A_949, %dma_wait3A_955] : memref<100000x128xf32, #tpu.memory_space<hbm>> -> memref<128x128xf32, #tpu.memory_space<hbm>>
      %dma_wait3A_957 = arith.constant 0 : i32
      %dma_wait3A_958 = arith.constant 0 : i32
      %dma_wait3A_959 = tpu.memref_slice %arg7[%dma_wait3A_957, %dma_wait3A_958] : memref<128x128xf32, #tpu.memory_space<vmem>> -> memref<128x128xf32, #tpu.memory_space<vmem>>
      tpu.wait_dma2 semaphore(%arg13 : memref<!tpu.dma_semaphore, #tpu.memory_space<semaphore_mem>>) src(%dma_wait3A_959 : memref<128x128xf32, #tpu.memory_space<vmem>>) dst(%dma_wait3A_956 : memref<128x128xf32, #tpu.memory_space<hbm>>)
      %dma_start3A_960 = arith.constant 0 : i32
      %dma_start3A_961 = arith.constant 0 : i32
      %dma_start3A_962 = tpu.memref_slice %arg7[%dma_start3A_960, %dma_start3A_961] : memref<128x128xf32, #tpu.memory_space<vmem>> -> memref<56x128xf32, #tpu.memory_space<vmem>>
      %dma_start3A_963 = arith.constant 3072 : i32
      %dma_start3A_964 = tpu.memref_slice %arg5[%dma_start3A_963] : memref<3128xi32, #tpu.memory_space<vmem>> -> memref<56xi32, #tpu.memory_space<vmem>>
      %dma_start3A_965 = arith.constant 0 : i32
      %dma_start3A_966 = arith.constant 0 : i32
      %dma_start3A_967 = tpu.memref_slice %arg6[%dma_start3A_965, %dma_start3A_966] : memref<95x128xf32, #tpu.memory_space<vmem_shared>> -> memref<95x128xf32, #tpu.memory_space<vmem_shared>>
      tpu.enqueue_indirect_dma source(%dma_start3A_967 : memref<95x128xf32, #tpu.memory_space<vmem_shared>>) target(%dma_start3A_962 : memref<56x128xf32, #tpu.memory_space<vmem>>) offsets(%dma_start3A_964 : memref<56xi32, #tpu.memory_space<vmem>>) semaphore(%arg11 : memref<!tpu.dma_semaphore, #tpu.memory_space<semaphore_mem>>)
      %dma_wait3A_968 = arith.constant 0 : i32
      %dma_wait3A_969 = arith.constant 0 : i32
      %dma_wait3A_970 = tpu.memref_slice %arg10[%dma_wait3A_968, %dma_wait3A_969] : memref<128x128xf32, #tpu.memory_space<vmem>> -> memref<128x128xf32, #tpu.memory_space<vmem>>
      %dma_wait3A_971 = arith.constant 2944 : i32
      %dma_wait3A_972 = tpu.memref_slice %arg5[%dma_wait3A_971] : memref<3128xi32, #tpu.memory_space<vmem>> -> memref<128xi32, #tpu.memory_space<vmem>>
      %dma_wait3A_973 = arith.constant 0 : i32
      %dma_wait3A_974 = arith.constant 0 : i32
      %dma_wait3A_975 = tpu.memref_slice %arg6[%dma_wait3A_973, %dma_wait3A_974] : memref<95x128xf32, #tpu.memory_space<vmem_shared>> -> memref<95x128xf32, #tpu.memory_space<vmem_shared>>
      tpu.wait_indirect_dma semaphore(%arg11 : memref<!tpu.dma_semaphore, #tpu.memory_space<semaphore_mem>>) src(%dma_wait3A_975 : memref<95x128xf32, #tpu.memory_space<vmem_shared>>) dst(%dma_wait3A_970 : memref<128x128xf32, #tpu.memory_space<vmem>>)
      %add3A_976 = arith.constant 2944 : i32
      %add3A_977 = arith.addi %multiple_of3A, %add3A_976 : i32
      %multiple_of3A_978 = tpu.assume_multiple %add3A_977, 8 : i32
      %dma_start3A_979 = arith.constant 0 : i32
      %dma_start3A_980 = arith.constant 0 : i32
      %dma_start3A_981 = tpu.memref_slice %arg10[%dma_start3A_979, %dma_start3A_980] : memref<128x128xf32, #tpu.memory_space<vmem>> -> memref<128x128xf32, #tpu.memory_space<vmem>>
      %dma_start3A_982 = arith.constant 0 : i32
      %dma_start3A_983 = tpu.memref_slice %arg4[%multiple_of3A_978, %dma_start3A_982] : memref<100000x128xf32, #tpu.memory_space<hbm>> -> memref<128x128xf32, #tpu.memory_space<hbm>>
      %dma_start3A_984 = arith.constant 0 : i32
      %dma_start3A_985 = tpu.memref_slice %arg4[%multiple_of3A_978, %dma_start3A_984] : memref<100000x128xf32, #tpu.memory_space<hbm>> -> memref<128x128xf32, #tpu.memory_space<hbm>>
      %dma_start3A_986 = arith.constant 0 : i32
      %dma_start3A_987 = arith.constant 0 : i32
      %dma_start3A_988 = tpu.memref_slice %arg10[%dma_start3A_986, %dma_start3A_987] : memref<128x128xf32, #tpu.memory_space<vmem>> -> memref<128x128xf32, #tpu.memory_space<vmem>>
      tpu.enqueue_dma source(%dma_start3A_988 : memref<128x128xf32, #tpu.memory_space<vmem>>) target(%dma_start3A_985 : memref<128x128xf32, #tpu.memory_space<hbm>>) target_semaphore(%arg13 : memref<!tpu.dma_semaphore, #tpu.memory_space<semaphore_mem>>)
      %add3A_989 = arith.constant 2688 : i32
      %add3A_990 = arith.addi %multiple_of3A, %add3A_989 : i32
      %multiple_of3A_991 = tpu.assume_multiple %add3A_990, 8 : i32
      %dma_wait3A_992 = arith.constant 0 : i32
      %dma_wait3A_993 = arith.constant 0 : i32
      %dma_wait3A_994 = tpu.memref_slice %arg8[%dma_wait3A_992, %dma_wait3A_993] : memref<128x128xf32, #tpu.memory_space<vmem>> -> memref<128x128xf32, #tpu.memory_space<vmem>>
      %dma_wait3A_995 = arith.constant 0 : i32
      %dma_wait3A_996 = tpu.memref_slice %arg4[%multiple_of3A_991, %dma_wait3A_995] : memref<100000x128xf32, #tpu.memory_space<hbm>> -> memref<128x128xf32, #tpu.memory_space<hbm>>
      %dma_wait3A_997 = arith.constant 0 : i32
      %dma_wait3A_998 = tpu.memref_slice %arg4[%multiple_of3A_991, %dma_wait3A_997] : memref<100000x128xf32, #tpu.memory_space<hbm>> -> memref<128x128xf32, #tpu.memory_space<hbm>>
      %dma_wait3A_999 = arith.constant 0 : i32
      %dma_wait3A_1000 = arith.constant 0 : i32
      %dma_wait3A_1001 = tpu.memref_slice %arg8[%dma_wait3A_999, %dma_wait3A_1000] : memref<128x128xf32, #tpu.memory_space<vmem>> -> memref<128x128xf32, #tpu.memory_space<vmem>>
      tpu.wait_dma2 semaphore(%arg13 : memref<!tpu.dma_semaphore, #tpu.memory_space<semaphore_mem>>) src(%dma_wait3A_1001 : memref<128x128xf32, #tpu.memory_space<vmem>>) dst(%dma_wait3A_998 : memref<128x128xf32, #tpu.memory_space<hbm>>)
      %dma_wait3A_1002 = arith.constant 0 : i32
      %dma_wait3A_1003 = arith.constant 0 : i32
      %dma_wait3A_1004 = tpu.memref_slice %arg7[%dma_wait3A_1002, %dma_wait3A_1003] : memref<128x128xf32, #tpu.memory_space<vmem>> -> memref<56x128xf32, #tpu.memory_space<vmem>>
      %dma_wait3A_1005 = arith.constant 3072 : i32
      %dma_wait3A_1006 = tpu.memref_slice %arg5[%dma_wait3A_1005] : memref<3128xi32, #tpu.memory_space<vmem>> -> memref<56xi32, #tpu.memory_space<vmem>>
      %dma_wait3A_1007 = arith.constant 0 : i32
      %dma_wait3A_1008 = arith.constant 0 : i32
      %dma_wait3A_1009 = tpu.memref_slice %arg6[%dma_wait3A_1007, %dma_wait3A_1008] : memref<95x128xf32, #tpu.memory_space<vmem_shared>> -> memref<95x128xf32, #tpu.memory_space<vmem_shared>>
      tpu.wait_indirect_dma semaphore(%arg11 : memref<!tpu.dma_semaphore, #tpu.memory_space<semaphore_mem>>) src(%dma_wait3A_1009 : memref<95x128xf32, #tpu.memory_space<vmem_shared>>) dst(%dma_wait3A_1004 : memref<56x128xf32, #tpu.memory_space<vmem>>)
      %add3A_1010 = arith.constant 3072 : i32
      %add3A_1011 = arith.addi %multiple_of3A, %add3A_1010 : i32
      %multiple_of3A_1012 = tpu.assume_multiple %add3A_1011, 8 : i32
      %dma_start3A_1013 = arith.constant 0 : i32
      %dma_start3A_1014 = arith.constant 0 : i32
      %dma_start3A_1015 = tpu.memref_slice %arg7[%dma_start3A_1013, %dma_start3A_1014] : memref<128x128xf32, #tpu.memory_space<vmem>> -> memref<56x128xf32, #tpu.memory_space<vmem>>
      %dma_start3A_1016 = arith.constant 0 : i32
      %dma_start3A_1017 = tpu.memref_slice %arg4[%multiple_of3A_1012, %dma_start3A_1016] : memref<100000x128xf32, #tpu.memory_space<hbm>> -> memref<56x128xf32, #tpu.memory_space<hbm>>
      %dma_start3A_1018 = arith.constant 0 : i32
      %dma_start3A_1019 = tpu.memref_slice %arg4[%multiple_of3A_1012, %dma_start3A_1018] : memref<100000x128xf32, #tpu.memory_space<hbm>> -> memref<56x128xf32, #tpu.memory_space<hbm>>
      %dma_start3A_1020 = arith.constant 0 : i32
      %dma_start3A_1021 = arith.constant 0 : i32
      %dma_start3A_1022 = tpu.memref_slice %arg7[%dma_start3A_1020, %dma_start3A_1021] : memref<128x128xf32, #tpu.memory_space<vmem>> -> memref<56x128xf32, #tpu.memory_space<vmem>>
      tpu.enqueue_dma source(%dma_start3A_1022 : memref<56x128xf32, #tpu.memory_space<vmem>>) target(%dma_start3A_1019 : memref<56x128xf32, #tpu.memory_space<hbm>>) target_semaphore(%arg13 : memref<!tpu.dma_semaphore, #tpu.memory_space<semaphore_mem>>)
      %add3A_1023 = arith.constant 2816 : i32
      %add3A_1024 = arith.addi %multiple_of3A, %add3A_1023 : i32
      %multiple_of3A_1025 = tpu.assume_multiple %add3A_1024, 8 : i32
      %dma_wait3A_1026 = arith.constant 0 : i32
      %dma_wait3A_1027 = arith.constant 0 : i32
      %dma_wait3A_1028 = tpu.memref_slice %arg9[%dma_wait3A_1026, %dma_wait3A_1027] : memref<128x128xf32, #tpu.memory_space<vmem>> -> memref<128x128xf32, #tpu.memory_space<vmem>>
      %dma_wait3A_1029 = arith.constant 0 : i32
      %dma_wait3A_1030 = tpu.memref_slice %arg4[%multiple_of3A_1025, %dma_wait3A_1029] : memref<100000x128xf32, #tpu.memory_space<hbm>> -> memref<128x128xf32, #tpu.memory_space<hbm>>
      %dma_wait3A_1031 = arith.constant 0 : i32
      %dma_wait3A_1032 = tpu.memref_slice %arg4[%multiple_of3A_1025, %dma_wait3A_1031] : memref<100000x128xf32, #tpu.memory_space<hbm>> -> memref<128x128xf32, #tpu.memory_space<hbm>>
      %dma_wait3A_1033 = arith.constant 0 : i32
      %dma_wait3A_1034 = arith.constant 0 : i32
      %dma_wait3A_1035 = tpu.memref_slice %arg9[%dma_wait3A_1033, %dma_wait3A_1034] : memref<128x128xf32, #tpu.memory_space<vmem>> -> memref<128x128xf32, #tpu.memory_space<vmem>>
      tpu.wait_dma2 semaphore(%arg13 : memref<!tpu.dma_semaphore, #tpu.memory_space<semaphore_mem>>) src(%dma_wait3A_1035 : memref<128x128xf32, #tpu.memory_space<vmem>>) dst(%dma_wait3A_1032 : memref<128x128xf32, #tpu.memory_space<hbm>>)
      %add3A_1036 = arith.constant 2944 : i32
      %add3A_1037 = arith.addi %multiple_of3A, %add3A_1036 : i32
      %multiple_of3A_1038 = tpu.assume_multiple %add3A_1037, 8 : i32
      %dma_wait3A_1039 = arith.constant 0 : i32
      %dma_wait3A_1040 = arith.constant 0 : i32
      %dma_wait3A_1041 = tpu.memref_slice %arg10[%dma_wait3A_1039, %dma_wait3A_1040] : memref<128x128xf32, #tpu.memory_space<vmem>> -> memref<128x128xf32, #tpu.memory_space<vmem>>
      %dma_wait3A_1042 = arith.constant 0 : i32
      %dma_wait3A_1043 = tpu.memref_slice %arg4[%multiple_of3A_1038, %dma_wait3A_1042] : memref<100000x128xf32, #tpu.memory_space<hbm>> -> memref<128x128xf32, #tpu.memory_space<hbm>>
      %dma_wait3A_1044 = arith.constant 0 : i32
      %dma_wait3A_1045 = tpu.memref_slice %arg4[%multiple_of3A_1038, %dma_wait3A_1044] : memref<100000x128xf32, #tpu.memory_space<hbm>> -> memref<128x128xf32, #tpu.memory_space<hbm>>
      %dma_wait3A_1046 = arith.constant 0 : i32
      %dma_wait3A_1047 = arith.constant 0 : i32
      %dma_wait3A_1048 = tpu.memref_slice %arg10[%dma_wait3A_1046, %dma_wait3A_1047] : memref<128x128xf32, #tpu.memory_space<vmem>> -> memref<128x128xf32, #tpu.memory_space<vmem>>
      tpu.wait_dma2 semaphore(%arg13 : memref<!tpu.dma_semaphore, #tpu.memory_space<semaphore_mem>>) src(%dma_wait3A_1048 : memref<128x128xf32, #tpu.memory_space<vmem>>) dst(%dma_wait3A_1045 : memref<128x128xf32, #tpu.memory_space<hbm>>)
      %add3A_1049 = arith.constant 3072 : i32
      %add3A_1050 = arith.addi %multiple_of3A, %add3A_1049 : i32
      %multiple_of3A_1051 = tpu.assume_multiple %add3A_1050, 8 : i32
      %dma_wait3A_1052 = arith.constant 0 : i32
      %dma_wait3A_1053 = arith.constant 0 : i32
      %dma_wait3A_1054 = tpu.memref_slice %arg7[%dma_wait3A_1052, %dma_wait3A_1053] : memref<128x128xf32, #tpu.memory_space<vmem>> -> memref<56x128xf32, #tpu.memory_space<vmem>>
      %dma_wait3A_1055 = arith.constant 0 : i32
      %dma_wait3A_1056 = tpu.memref_slice %arg4[%multiple_of3A_1051, %dma_wait3A_1055] : memref<100000x128xf32, #tpu.memory_space<hbm>> -> memref<56x128xf32, #tpu.memory_space<hbm>>
      %dma_wait3A_1057 = arith.constant 0 : i32
      %dma_wait3A_1058 = tpu.memref_slice %arg4[%multiple_of3A_1051, %dma_wait3A_1057] : memref<100000x128xf32, #tpu.memory_space<hbm>> -> memref<56x128xf32, #tpu.memory_space<hbm>>
      %dma_wait3A_1059 = arith.constant 0 : i32
      %dma_wait3A_1060 = arith.constant 0 : i32
      %dma_wait3A_1061 = tpu.memref_slice %arg7[%dma_wait3A_1059, %dma_wait3A_1060] : memref<128x128xf32, #tpu.memory_space<vmem>> -> memref<56x128xf32, #tpu.memory_space<vmem>>
      tpu.wait_dma2 semaphore(%arg13 : memref<!tpu.dma_semaphore, #tpu.memory_space<semaphore_mem>>) src(%dma_wait3A_1061 : memref<56x128xf32, #tpu.memory_space<vmem>>) dst(%dma_wait3A_1058 : memref<56x128xf32, #tpu.memory_space<hbm>>)
    } else {
    }
    %eq3A_9 = arith.constant 31 : i32
    %eq3A_10 = arith.cmpi eq, %add3A, %eq3A_9 : i32
    %convert_element_type3A_11 = arith.extui %eq3A_10 : i1 to i32
    %cond3A_12 = arith.constant 0 : i32
    %cond3A_13 = arith.cmpi ne, %convert_element_type3A_11, %cond3A_12 : i32
    scf.if %cond3A_13 {
      "tpu.region"() ({
        %run_scoped3A = tpu.sem_alloc : memref<!tpu.dma_semaphore, #tpu.memory_space<semaphore_mem>>
        %dma_start3A_1020 = arith.constant 0 : i32
        %dma_start3A_1021 = tpu.memref_slice %arg5[%dma_start3A_1020] : memref<3128xi32, #tpu.memory_space<vmem>> -> memref<3032xi32, #tpu.memory_space<vmem>>
        %dma_start3A_1022 = tpu.memref_slice %arg2[%multiple_of3A] : memref<100000xi32, #tpu.memory_space<hbm>> -> memref<3032xi32, #tpu.memory_space<hbm>>
        %dma_start3A_1023 = arith.constant 0 : i32
        %dma_start3A_1024 = tpu.memref_slice %arg5[%dma_start3A_1023] : memref<3128xi32, #tpu.memory_space<vmem>> -> memref<3032xi32, #tpu.memory_space<vmem>>
        %dma_start3A_1025 = tpu.memref_slice %arg2[%multiple_of3A] : memref<100000xi32, #tpu.memory_space<hbm>> -> memref<3032xi32, #tpu.memory_space<hbm>>
        tpu.enqueue_dma source(%dma_start3A_1025 : memref<3032xi32, #tpu.memory_space<hbm>>) target(%dma_start3A_1024 : memref<3032xi32, #tpu.memory_space<vmem>>) target_semaphore(%run_scoped3A : memref<!tpu.dma_semaphore, #tpu.memory_space<semaphore_mem>>)
        %dma_wait3A_1026 = arith.constant 0 : i32
        %dma_wait3A_1027 = tpu.memref_slice %arg5[%dma_wait3A_1026] : memref<3128xi32, #tpu.memory_space<vmem>> -> memref<3032xi32, #tpu.memory_space<vmem>>
        %dma_wait3A_1028 = tpu.memref_slice %arg2[%multiple_of3A] : memref<100000xi32, #tpu.memory_space<hbm>> -> memref<3032xi32, #tpu.memory_space<hbm>>
        %dma_wait3A_1029 = arith.constant 0 : i32
        %dma_wait3A_1030 = tpu.memref_slice %arg5[%dma_wait3A_1029] : memref<3128xi32, #tpu.memory_space<vmem>> -> memref<3032xi32, #tpu.memory_space<vmem>>
        %dma_wait3A_1031 = tpu.memref_slice %arg2[%multiple_of3A] : memref<100000xi32, #tpu.memory_space<hbm>> -> memref<3032xi32, #tpu.memory_space<hbm>>
        tpu.wait_dma2 semaphore(%run_scoped3A : memref<!tpu.dma_semaphore, #tpu.memory_space<semaphore_mem>>) src(%dma_wait3A_1031 : memref<3032xi32, #tpu.memory_space<hbm>>) dst(%dma_wait3A_1030 : memref<3032xi32, #tpu.memory_space<vmem>>)
        tpu.yield
      }) : () -> ()
      %dma_start3A = arith.constant 0 : i32
      %dma_start3A_14 = arith.constant 0 : i32
      %dma_start3A_15 = tpu.memref_slice %arg7[%dma_start3A, %dma_start3A_14] : memref<128x128xf32, #tpu.memory_space<vmem>> -> memref<128x128xf32, #tpu.memory_space<vmem>>
      %dma_start3A_16 = arith.constant 0 : i32
      %dma_start3A_17 = tpu.memref_slice %arg5[%dma_start3A_16] : memref<3128xi32, #tpu.memory_space<vmem>> -> memref<128xi32, #tpu.memory_space<vmem>>
      %dma_start3A_18 = arith.constant 0 : i32
      %dma_start3A_19 = arith.constant 0 : i32
      %dma_start3A_20 = tpu.memref_slice %arg3[%dma_start3A_18, %dma_start3A_19] : memref<95x128xf32, #tpu.memory_space<hbm>> -> memref<95x128xf32, #tpu.memory_space<hbm>>
      tpu.enqueue_indirect_dma source(%dma_start3A_20 : memref<95x128xf32, #tpu.memory_space<hbm>>) target(%dma_start3A_15 : memref<128x128xf32, #tpu.memory_space<vmem>>) offsets(%dma_start3A_17 : memref<128xi32, #tpu.memory_space<vmem>>) semaphore(%arg12 : memref<!tpu.dma_semaphore, #tpu.memory_space<semaphore_mem>>)
      %dma_start3A_21 = arith.constant 0 : i32
      %dma_start3A_22 = arith.constant 0 : i32
      %dma_start3A_23 = tpu.memref_slice %arg8[%dma_start3A_21, %dma_start3A_22] : memref<128x128xf32, #tpu.memory_space<vmem>> -> memref<128x128xf32, #tpu.memory_space<vmem>>
      %dma_start3A_24 = arith.constant 128 : i32
      %dma_start3A_25 = tpu.memref_slice %arg5[%dma_start3A_24] : memref<3128xi32, #tpu.memory_space<vmem>> -> memref<128xi32, #tpu.memory_space<vmem>>
      %dma_start3A_26 = arith.constant 0 : i32
      %dma_start3A_27 = arith.constant 0 : i32
      %dma_start3A_28 = tpu.memref_slice %arg3[%dma_start3A_26, %dma_start3A_27] : memref<95x128xf32, #tpu.memory_space<hbm>> -> memref<95x128xf32, #tpu.memory_space<hbm>>
      tpu.enqueue_indirect_dma source(%dma_start3A_28 : memref<95x128xf32, #tpu.memory_space<hbm>>) target(%dma_start3A_23 : memref<128x128xf32, #tpu.memory_space<vmem>>) offsets(%dma_start3A_25 : memref<128xi32, #tpu.memory_space<vmem>>) semaphore(%arg12 : memref<!tpu.dma_semaphore, #tpu.memory_space<semaphore_mem>>)
      %barrier3A = arith.constant 0 : index
      tpu.barrier barrier_id(%barrier3A)
      %dma_wait3A = arith.constant 0 : i32
      %dma_wait3A_29 = arith.constant 0 : i32
      %dma_wait3A_30 = tpu.memref_slice %arg7[%dma_wait3A, %dma_wait3A_29] : memref<128x128xf32, #tpu.memory_space<vmem>> -> memref<128x128xf32, #tpu.memory_space<vmem>>
      %dma_wait3A_31 = arith.constant 0 : i32
      %dma_wait3A_32 = tpu.memref_slice %arg5[%dma_wait3A_31] : memref<3128xi32, #tpu.memory_space<vmem>> -> memref<128xi32, #tpu.memory_space<vmem>>
      %dma_wait3A_33 = arith.constant 0 : i32
      %dma_wait3A_34 = arith.constant 0 : i32
      %dma_wait3A_35 = tpu.memref_slice %arg3[%dma_wait3A_33, %dma_wait3A_34] : memref<95x128xf32, #tpu.memory_space<hbm>> -> memref<95x128xf32, #tpu.memory_space<hbm>>
      tpu.wait_indirect_dma semaphore(%arg12 : memref<!tpu.dma_semaphore, #tpu.memory_space<semaphore_mem>>) src(%dma_wait3A_35 : memref<95x128xf32, #tpu.memory_space<hbm>>) dst(%dma_wait3A_30 : memref<128x128xf32, #tpu.memory_space<vmem>>)
      %add3A_36 = arith.constant 0 : i32
      %add3A_37 = arith.addi %multiple_of3A, %add3A_36 : i32
      %multiple_of3A_38 = tpu.assume_multiple %add3A_37, 8 : i32
      %dma_start3A_39 = arith.constant 0 : i32
      %dma_start3A_40 = arith.constant 0 : i32
      %dma_start3A_41 = tpu.memref_slice %arg7[%dma_start3A_39, %dma_start3A_40] : memref<128x128xf32, #tpu.memory_space<vmem>> -> memref<128x128xf32, #tpu.memory_space<vmem>>
      %dma_start3A_42 = arith.constant 0 : i32
      %dma_start3A_43 = tpu.memref_slice %arg4[%multiple_of3A_38, %dma_start3A_42] : memref<100000x128xf32, #tpu.memory_space<hbm>> -> memref<128x128xf32, #tpu.memory_space<hbm>>
      %dma_start3A_44 = arith.constant 0 : i32
      %dma_start3A_45 = tpu.memref_slice %arg4[%multiple_of3A_38, %dma_start3A_44] : memref<100000x128xf32, #tpu.memory_space<hbm>> -> memref<128x128xf32, #tpu.memory_space<hbm>>
      %dma_start3A_46 = arith.constant 0 : i32
      %dma_start3A_47 = arith.constant 0 : i32
      %dma_start3A_48 = tpu.memref_slice %arg7[%dma_start3A_46, %dma_start3A_47] : memref<128x128xf32, #tpu.memory_space<vmem>> -> memref<128x128xf32, #tpu.memory_space<vmem>>
      tpu.enqueue_dma source(%dma_start3A_48 : memref<128x128xf32, #tpu.memory_space<vmem>>) target(%dma_start3A_45 : memref<128x128xf32, #tpu.memory_space<hbm>>) target_semaphore(%arg13 : memref<!tpu.dma_semaphore, #tpu.memory_space<semaphore_mem>>)
      %dma_start3A_49 = arith.constant 0 : i32
      %dma_start3A_50 = arith.constant 0 : i32
      %dma_start3A_51 = tpu.memref_slice %arg9[%dma_start3A_49, %dma_start3A_50] : memref<128x128xf32, #tpu.memory_space<vmem>> -> memref<128x128xf32, #tpu.memory_space<vmem>>
      %dma_start3A_52 = arith.constant 256 : i32
      %dma_start3A_53 = tpu.memref_slice %arg5[%dma_start3A_52] : memref<3128xi32, #tpu.memory_space<vmem>> -> memref<128xi32, #tpu.memory_space<vmem>>
      %dma_start3A_54 = arith.constant 0 : i32
      %dma_start3A_55 = arith.constant 0 : i32
      %dma_start3A_56 = tpu.memref_slice %arg6[%dma_start3A_54, %dma_start3A_55] : memref<95x128xf32, #tpu.memory_space<vmem_shared>> -> memref<95x128xf32, #tpu.memory_space<vmem_shared>>
      tpu.enqueue_indirect_dma source(%dma_start3A_56 : memref<95x128xf32, #tpu.memory_space<vmem_shared>>) target(%dma_start3A_51 : memref<128x128xf32, #tpu.memory_space<vmem>>) offsets(%dma_start3A_53 : memref<128xi32, #tpu.memory_space<vmem>>) semaphore(%arg11 : memref<!tpu.dma_semaphore, #tpu.memory_space<semaphore_mem>>)
      %dma_wait3A_57 = arith.constant 0 : i32
      %dma_wait3A_58 = arith.constant 0 : i32
      %dma_wait3A_59 = tpu.memref_slice %arg8[%dma_wait3A_57, %dma_wait3A_58] : memref<128x128xf32, #tpu.memory_space<vmem>> -> memref<128x128xf32, #tpu.memory_space<vmem>>
      %dma_wait3A_60 = arith.constant 128 : i32
      %dma_wait3A_61 = tpu.memref_slice %arg5[%dma_wait3A_60] : memref<3128xi32, #tpu.memory_space<vmem>> -> memref<128xi32, #tpu.memory_space<vmem>>
      %dma_wait3A_62 = arith.constant 0 : i32
      %dma_wait3A_63 = arith.constant 0 : i32
      %dma_wait3A_64 = tpu.memref_slice %arg3[%dma_wait3A_62, %dma_wait3A_63] : memref<95x128xf32, #tpu.memory_space<hbm>> -> memref<95x128xf32, #tpu.memory_space<hbm>>
      tpu.wait_indirect_dma semaphore(%arg12 : memref<!tpu.dma_semaphore, #tpu.memory_space<semaphore_mem>>) src(%dma_wait3A_64 : memref<95x128xf32, #tpu.memory_space<hbm>>) dst(%dma_wait3A_59 : memref<128x128xf32, #tpu.memory_space<vmem>>)
      %add3A_65 = arith.constant 128 : i32
      %add3A_66 = arith.addi %multiple_of3A, %add3A_65 : i32
      %multiple_of3A_67 = tpu.assume_multiple %add3A_66, 8 : i32
      %dma_start3A_68 = arith.constant 0 : i32
      %dma_start3A_69 = arith.constant 0 : i32
      %dma_start3A_70 = tpu.memref_slice %arg8[%dma_start3A_68, %dma_start3A_69] : memref<128x128xf32, #tpu.memory_space<vmem>> -> memref<128x128xf32, #tpu.memory_space<vmem>>
      %dma_start3A_71 = arith.constant 0 : i32
      %dma_start3A_72 = tpu.memref_slice %arg4[%multiple_of3A_67, %dma_start3A_71] : memref<100000x128xf32, #tpu.memory_space<hbm>> -> memref<128x128xf32, #tpu.memory_space<hbm>>
      %dma_start3A_73 = arith.constant 0 : i32
      %dma_start3A_74 = tpu.memref_slice %arg4[%multiple_of3A_67, %dma_start3A_73] : memref<100000x128xf32, #tpu.memory_space<hbm>> -> memref<128x128xf32, #tpu.memory_space<hbm>>
      %dma_start3A_75 = arith.constant 0 : i32
      %dma_start3A_76 = arith.constant 0 : i32
      %dma_start3A_77 = tpu.memref_slice %arg8[%dma_start3A_75, %dma_start3A_76] : memref<128x128xf32, #tpu.memory_space<vmem>> -> memref<128x128xf32, #tpu.memory_space<vmem>>
      tpu.enqueue_dma source(%dma_start3A_77 : memref<128x128xf32, #tpu.memory_space<vmem>>) target(%dma_start3A_74 : memref<128x128xf32, #tpu.memory_space<hbm>>) target_semaphore(%arg13 : memref<!tpu.dma_semaphore, #tpu.memory_space<semaphore_mem>>)
      %dma_start3A_78 = arith.constant 0 : i32
      %dma_start3A_79 = arith.constant 0 : i32
      %dma_start3A_80 = tpu.memref_slice %arg10[%dma_start3A_78, %dma_start3A_79] : memref<128x128xf32, #tpu.memory_space<vmem>> -> memref<128x128xf32, #tpu.memory_space<vmem>>
      %dma_start3A_81 = arith.constant 384 : i32
      %dma_start3A_82 = tpu.memref_slice %arg5[%dma_start3A_81] : memref<3128xi32, #tpu.memory_space<vmem>> -> memref<128xi32, #tpu.memory_space<vmem>>
      %dma_start3A_83 = arith.constant 0 : i32
      %dma_start3A_84 = arith.constant 0 : i32
      %dma_start3A_85 = tpu.memref_slice %arg6[%dma_start3A_83, %dma_start3A_84] : memref<95x128xf32, #tpu.memory_space<vmem_shared>> -> memref<95x128xf32, #tpu.memory_space<vmem_shared>>
      tpu.enqueue_indirect_dma source(%dma_start3A_85 : memref<95x128xf32, #tpu.memory_space<vmem_shared>>) target(%dma_start3A_80 : memref<128x128xf32, #tpu.memory_space<vmem>>) offsets(%dma_start3A_82 : memref<128xi32, #tpu.memory_space<vmem>>) semaphore(%arg11 : memref<!tpu.dma_semaphore, #tpu.memory_space<semaphore_mem>>)
      %dma_wait3A_86 = arith.constant 0 : i32
      %dma_wait3A_87 = arith.constant 0 : i32
      %dma_wait3A_88 = tpu.memref_slice %arg9[%dma_wait3A_86, %dma_wait3A_87] : memref<128x128xf32, #tpu.memory_space<vmem>> -> memref<128x128xf32, #tpu.memory_space<vmem>>
      %dma_wait3A_89 = arith.constant 256 : i32
      %dma_wait3A_90 = tpu.memref_slice %arg5[%dma_wait3A_89] : memref<3128xi32, #tpu.memory_space<vmem>> -> memref<128xi32, #tpu.memory_space<vmem>>
      %dma_wait3A_91 = arith.constant 0 : i32
      %dma_wait3A_92 = arith.constant 0 : i32
      %dma_wait3A_93 = tpu.memref_slice %arg6[%dma_wait3A_91, %dma_wait3A_92] : memref<95x128xf32, #tpu.memory_space<vmem_shared>> -> memref<95x128xf32, #tpu.memory_space<vmem_shared>>
      tpu.wait_indirect_dma semaphore(%arg11 : memref<!tpu.dma_semaphore, #tpu.memory_space<semaphore_mem>>) src(%dma_wait3A_93 : memref<95x128xf32, #tpu.memory_space<vmem_shared>>) dst(%dma_wait3A_88 : memref<128x128xf32, #tpu.memory_space<vmem>>)
      %add3A_94 = arith.constant 256 : i32
      %add3A_95 = arith.addi %multiple_of3A, %add3A_94 : i32
      %multiple_of3A_96 = tpu.assume_multiple %add3A_95, 8 : i32
      %dma_start3A_97 = arith.constant 0 : i32
      %dma_start3A_98 = arith.constant 0 : i32
      %dma_start3A_99 = tpu.memref_slice %arg9[%dma_start3A_97, %dma_start3A_98] : memref<128x128xf32, #tpu.memory_space<vmem>> -> memref<128x128xf32, #tpu.memory_space<vmem>>
      %dma_start3A_100 = arith.constant 0 : i32
      %dma_start3A_101 = tpu.memref_slice %arg4[%multiple_of3A_96, %dma_start3A_100] : memref<100000x128xf32, #tpu.memory_space<hbm>> -> memref<128x128xf32, #tpu.memory_space<hbm>>
      %dma_start3A_102 = arith.constant 0 : i32
      %dma_start3A_103 = tpu.memref_slice %arg4[%multiple_of3A_96, %dma_start3A_102] : memref<100000x128xf32, #tpu.memory_space<hbm>> -> memref<128x128xf32, #tpu.memory_space<hbm>>
      %dma_start3A_104 = arith.constant 0 : i32
      %dma_start3A_105 = arith.constant 0 : i32
      %dma_start3A_106 = tpu.memref_slice %arg9[%dma_start3A_104, %dma_start3A_105] : memref<128x128xf32, #tpu.memory_space<vmem>> -> memref<128x128xf32, #tpu.memory_space<vmem>>
      tpu.enqueue_dma source(%dma_start3A_106 : memref<128x128xf32, #tpu.memory_space<vmem>>) target(%dma_start3A_103 : memref<128x128xf32, #tpu.memory_space<hbm>>) target_semaphore(%arg13 : memref<!tpu.dma_semaphore, #tpu.memory_space<semaphore_mem>>)
      %add3A_107 = arith.constant 0 : i32
      %add3A_108 = arith.addi %multiple_of3A, %add3A_107 : i32
      %multiple_of3A_109 = tpu.assume_multiple %add3A_108, 8 : i32
      %dma_wait3A_110 = arith.constant 0 : i32
      %dma_wait3A_111 = arith.constant 0 : i32
      %dma_wait3A_112 = tpu.memref_slice %arg7[%dma_wait3A_110, %dma_wait3A_111] : memref<128x128xf32, #tpu.memory_space<vmem>> -> memref<128x128xf32, #tpu.memory_space<vmem>>
      %dma_wait3A_113 = arith.constant 0 : i32
      %dma_wait3A_114 = tpu.memref_slice %arg4[%multiple_of3A_109, %dma_wait3A_113] : memref<100000x128xf32, #tpu.memory_space<hbm>> -> memref<128x128xf32, #tpu.memory_space<hbm>>
      %dma_wait3A_115 = arith.constant 0 : i32
      %dma_wait3A_116 = tpu.memref_slice %arg4[%multiple_of3A_109, %dma_wait3A_115] : memref<100000x128xf32, #tpu.memory_space<hbm>> -> memref<128x128xf32, #tpu.memory_space<hbm>>
      %dma_wait3A_117 = arith.constant 0 : i32
      %dma_wait3A_118 = arith.constant 0 : i32
      %dma_wait3A_119 = tpu.memref_slice %arg7[%dma_wait3A_117, %dma_wait3A_118] : memref<128x128xf32, #tpu.memory_space<vmem>> -> memref<128x128xf32, #tpu.memory_space<vmem>>
      tpu.wait_dma2 semaphore(%arg13 : memref<!tpu.dma_semaphore, #tpu.memory_space<semaphore_mem>>) src(%dma_wait3A_119 : memref<128x128xf32, #tpu.memory_space<vmem>>) dst(%dma_wait3A_116 : memref<128x128xf32, #tpu.memory_space<hbm>>)
      %dma_start3A_120 = arith.constant 0 : i32
      %dma_start3A_121 = arith.constant 0 : i32
      %dma_start3A_122 = tpu.memref_slice %arg7[%dma_start3A_120, %dma_start3A_121] : memref<128x128xf32, #tpu.memory_space<vmem>> -> memref<128x128xf32, #tpu.memory_space<vmem>>
      %dma_start3A_123 = arith.constant 512 : i32
      %dma_start3A_124 = tpu.memref_slice %arg5[%dma_start3A_123] : memref<3128xi32, #tpu.memory_space<vmem>> -> memref<128xi32, #tpu.memory_space<vmem>>
      %dma_start3A_125 = arith.constant 0 : i32
      %dma_start3A_126 = arith.constant 0 : i32
      %dma_start3A_127 = tpu.memref_slice %arg6[%dma_start3A_125, %dma_start3A_126] : memref<95x128xf32, #tpu.memory_space<vmem_shared>> -> memref<95x128xf32, #tpu.memory_space<vmem_shared>>
      tpu.enqueue_indirect_dma source(%dma_start3A_127 : memref<95x128xf32, #tpu.memory_space<vmem_shared>>) target(%dma_start3A_122 : memref<128x128xf32, #tpu.memory_space<vmem>>) offsets(%dma_start3A_124 : memref<128xi32, #tpu.memory_space<vmem>>) semaphore(%arg11 : memref<!tpu.dma_semaphore, #tpu.memory_space<semaphore_mem>>)
      %dma_wait3A_128 = arith.constant 0 : i32
      %dma_wait3A_129 = arith.constant 0 : i32
      %dma_wait3A_130 = tpu.memref_slice %arg10[%dma_wait3A_128, %dma_wait3A_129] : memref<128x128xf32, #tpu.memory_space<vmem>> -> memref<128x128xf32, #tpu.memory_space<vmem>>
      %dma_wait3A_131 = arith.constant 384 : i32
      %dma_wait3A_132 = tpu.memref_slice %arg5[%dma_wait3A_131] : memref<3128xi32, #tpu.memory_space<vmem>> -> memref<128xi32, #tpu.memory_space<vmem>>
      %dma_wait3A_133 = arith.constant 0 : i32
      %dma_wait3A_134 = arith.constant 0 : i32
      %dma_wait3A_135 = tpu.memref_slice %arg6[%dma_wait3A_133, %dma_wait3A_134] : memref<95x128xf32, #tpu.memory_space<vmem_shared>> -> memref<95x128xf32, #tpu.memory_space<vmem_shared>>
      tpu.wait_indirect_dma semaphore(%arg11 : memref<!tpu.dma_semaphore, #tpu.memory_space<semaphore_mem>>) src(%dma_wait3A_135 : memref<95x128xf32, #tpu.memory_space<vmem_shared>>) dst(%dma_wait3A_130 : memref<128x128xf32, #tpu.memory_space<vmem>>)
      %add3A_136 = arith.constant 384 : i32
      %add3A_137 = arith.addi %multiple_of3A, %add3A_136 : i32
      %multiple_of3A_138 = tpu.assume_multiple %add3A_137, 8 : i32
      %dma_start3A_139 = arith.constant 0 : i32
      %dma_start3A_140 = arith.constant 0 : i32
      %dma_start3A_141 = tpu.memref_slice %arg10[%dma_start3A_139, %dma_start3A_140] : memref<128x128xf32, #tpu.memory_space<vmem>> -> memref<128x128xf32, #tpu.memory_space<vmem>>
      %dma_start3A_142 = arith.constant 0 : i32
      %dma_start3A_143 = tpu.memref_slice %arg4[%multiple_of3A_138, %dma_start3A_142] : memref<100000x128xf32, #tpu.memory_space<hbm>> -> memref<128x128xf32, #tpu.memory_space<hbm>>
      %dma_start3A_144 = arith.constant 0 : i32
      %dma_start3A_145 = tpu.memref_slice %arg4[%multiple_of3A_138, %dma_start3A_144] : memref<100000x128xf32, #tpu.memory_space<hbm>> -> memref<128x128xf32, #tpu.memory_space<hbm>>
      %dma_start3A_146 = arith.constant 0 : i32
      %dma_start3A_147 = arith.constant 0 : i32
      %dma_start3A_148 = tpu.memref_slice %arg10[%dma_start3A_146, %dma_start3A_147] : memref<128x128xf32, #tpu.memory_space<vmem>> -> memref<128x128xf32, #tpu.memory_space<vmem>>
      tpu.enqueue_dma source(%dma_start3A_148 : memref<128x128xf32, #tpu.memory_space<vmem>>) target(%dma_start3A_145 : memref<128x128xf32, #tpu.memory_space<hbm>>) target_semaphore(%arg13 : memref<!tpu.dma_semaphore, #tpu.memory_space<semaphore_mem>>)
      %add3A_149 = arith.constant 128 : i32
      %add3A_150 = arith.addi %multiple_of3A, %add3A_149 : i32
      %multiple_of3A_151 = tpu.assume_multiple %add3A_150, 8 : i32
      %dma_wait3A_152 = arith.constant 0 : i32
      %dma_wait3A_153 = arith.constant 0 : i32
      %dma_wait3A_154 = tpu.memref_slice %arg8[%dma_wait3A_152, %dma_wait3A_153] : memref<128x128xf32, #tpu.memory_space<vmem>> -> memref<128x128xf32, #tpu.memory_space<vmem>>
      %dma_wait3A_155 = arith.constant 0 : i32
      %dma_wait3A_156 = tpu.memref_slice %arg4[%multiple_of3A_151, %dma_wait3A_155] : memref<100000x128xf32, #tpu.memory_space<hbm>> -> memref<128x128xf32, #tpu.memory_space<hbm>>
      %dma_wait3A_157 = arith.constant 0 : i32
      %dma_wait3A_158 = tpu.memref_slice %arg4[%multiple_of3A_151, %dma_wait3A_157] : memref<100000x128xf32, #tpu.memory_space<hbm>> -> memref<128x128xf32, #tpu.memory_space<hbm>>
      %dma_wait3A_159 = arith.constant 0 : i32
      %dma_wait3A_160 = arith.constant 0 : i32
      %dma_wait3A_161 = tpu.memref_slice %arg8[%dma_wait3A_159, %dma_wait3A_160] : memref<128x128xf32, #tpu.memory_space<vmem>> -> memref<128x128xf32, #tpu.memory_space<vmem>>
      tpu.wait_dma2 semaphore(%arg13 : memref<!tpu.dma_semaphore, #tpu.memory_space<semaphore_mem>>) src(%dma_wait3A_161 : memref<128x128xf32, #tpu.memory_space<vmem>>) dst(%dma_wait3A_158 : memref<128x128xf32, #tpu.memory_space<hbm>>)
      %dma_start3A_162 = arith.constant 0 : i32
      %dma_start3A_163 = arith.constant 0 : i32
      %dma_start3A_164 = tpu.memref_slice %arg8[%dma_start3A_162, %dma_start3A_163] : memref<128x128xf32, #tpu.memory_space<vmem>> -> memref<128x128xf32, #tpu.memory_space<vmem>>
      %dma_start3A_165 = arith.constant 640 : i32
      %dma_start3A_166 = tpu.memref_slice %arg5[%dma_start3A_165] : memref<3128xi32, #tpu.memory_space<vmem>> -> memref<128xi32, #tpu.memory_space<vmem>>
      %dma_start3A_167 = arith.constant 0 : i32
      %dma_start3A_168 = arith.constant 0 : i32
      %dma_start3A_169 = tpu.memref_slice %arg6[%dma_start3A_167, %dma_start3A_168] : memref<95x128xf32, #tpu.memory_space<vmem_shared>> -> memref<95x128xf32, #tpu.memory_space<vmem_shared>>
      tpu.enqueue_indirect_dma source(%dma_start3A_169 : memref<95x128xf32, #tpu.memory_space<vmem_shared>>) target(%dma_start3A_164 : memref<128x128xf32, #tpu.memory_space<vmem>>) offsets(%dma_start3A_166 : memref<128xi32, #tpu.memory_space<vmem>>) semaphore(%arg11 : memref<!tpu.dma_semaphore, #tpu.memory_space<semaphore_mem>>)
      %dma_wait3A_170 = arith.constant 0 : i32
      %dma_wait3A_171 = arith.constant 0 : i32
      %dma_wait3A_172 = tpu.memref_slice %arg7[%dma_wait3A_170, %dma_wait3A_171] : memref<128x128xf32, #tpu.memory_space<vmem>> -> memref<128x128xf32, #tpu.memory_space<vmem>>
      %dma_wait3A_173 = arith.constant 512 : i32
      %dma_wait3A_174 = tpu.memref_slice %arg5[%dma_wait3A_173] : memref<3128xi32, #tpu.memory_space<vmem>> -> memref<128xi32, #tpu.memory_space<vmem>>
      %dma_wait3A_175 = arith.constant 0 : i32
      %dma_wait3A_176 = arith.constant 0 : i32
      %dma_wait3A_177 = tpu.memref_slice %arg6[%dma_wait3A_175, %dma_wait3A_176] : memref<95x128xf32, #tpu.memory_space<vmem_shared>> -> memref<95x128xf32, #tpu.memory_space<vmem_shared>>
      tpu.wait_indirect_dma semaphore(%arg11 : memref<!tpu.dma_semaphore, #tpu.memory_space<semaphore_mem>>) src(%dma_wait3A_177 : memref<95x128xf32, #tpu.memory_space<vmem_shared>>) dst(%dma_wait3A_172 : memref<128x128xf32, #tpu.memory_space<vmem>>)
      %add3A_178 = arith.constant 512 : i32
      %add3A_179 = arith.addi %multiple_of3A, %add3A_178 : i32
      %multiple_of3A_180 = tpu.assume_multiple %add3A_179, 8 : i32
      %dma_start3A_181 = arith.constant 0 : i32
      %dma_start3A_182 = arith.constant 0 : i32
      %dma_start3A_183 = tpu.memref_slice %arg7[%dma_start3A_181, %dma_start3A_182] : memref<128x128xf32, #tpu.memory_space<vmem>> -> memref<128x128xf32, #tpu.memory_space<vmem>>
      %dma_start3A_184 = arith.constant 0 : i32
      %dma_start3A_185 = tpu.memref_slice %arg4[%multiple_of3A_180, %dma_start3A_184] : memref<100000x128xf32, #tpu.memory_space<hbm>> -> memref<128x128xf32, #tpu.memory_space<hbm>>
      %dma_start3A_186 = arith.constant 0 : i32
      %dma_start3A_187 = tpu.memref_slice %arg4[%multiple_of3A_180, %dma_start3A_186] : memref<100000x128xf32, #tpu.memory_space<hbm>> -> memref<128x128xf32, #tpu.memory_space<hbm>>
      %dma_start3A_188 = arith.constant 0 : i32
      %dma_start3A_189 = arith.constant 0 : i32
      %dma_start3A_190 = tpu.memref_slice %arg7[%dma_start3A_188, %dma_start3A_189] : memref<128x128xf32, #tpu.memory_space<vmem>> -> memref<128x128xf32, #tpu.memory_space<vmem>>
      tpu.enqueue_dma source(%dma_start3A_190 : memref<128x128xf32, #tpu.memory_space<vmem>>) target(%dma_start3A_187 : memref<128x128xf32, #tpu.memory_space<hbm>>) target_semaphore(%arg13 : memref<!tpu.dma_semaphore, #tpu.memory_space<semaphore_mem>>)
      %add3A_191 = arith.constant 256 : i32
      %add3A_192 = arith.addi %multiple_of3A, %add3A_191 : i32
      %multiple_of3A_193 = tpu.assume_multiple %add3A_192, 8 : i32
      %dma_wait3A_194 = arith.constant 0 : i32
      %dma_wait3A_195 = arith.constant 0 : i32
      %dma_wait3A_196 = tpu.memref_slice %arg9[%dma_wait3A_194, %dma_wait3A_195] : memref<128x128xf32, #tpu.memory_space<vmem>> -> memref<128x128xf32, #tpu.memory_space<vmem>>
      %dma_wait3A_197 = arith.constant 0 : i32
      %dma_wait3A_198 = tpu.memref_slice %arg4[%multiple_of3A_193, %dma_wait3A_197] : memref<100000x128xf32, #tpu.memory_space<hbm>> -> memref<128x128xf32, #tpu.memory_space<hbm>>
      %dma_wait3A_199 = arith.constant 0 : i32
      %dma_wait3A_200 = tpu.memref_slice %arg4[%multiple_of3A_193, %dma_wait3A_199] : memref<100000x128xf32, #tpu.memory_space<hbm>> -> memref<128x128xf32, #tpu.memory_space<hbm>>
      %dma_wait3A_201 = arith.constant 0 : i32
      %dma_wait3A_202 = arith.constant 0 : i32
      %dma_wait3A_203 = tpu.memref_slice %arg9[%dma_wait3A_201, %dma_wait3A_202] : memref<128x128xf32, #tpu.memory_space<vmem>> -> memref<128x128xf32, #tpu.memory_space<vmem>>
      tpu.wait_dma2 semaphore(%arg13 : memref<!tpu.dma_semaphore, #tpu.memory_space<semaphore_mem>>) src(%dma_wait3A_203 : memref<128x128xf32, #tpu.memory_space<vmem>>) dst(%dma_wait3A_200 : memref<128x128xf32, #tpu.memory_space<hbm>>)
      %dma_start3A_204 = arith.constant 0 : i32
      %dma_start3A_205 = arith.constant 0 : i32
      %dma_start3A_206 = tpu.memref_slice %arg9[%dma_start3A_204, %dma_start3A_205] : memref<128x128xf32, #tpu.memory_space<vmem>> -> memref<128x128xf32, #tpu.memory_space<vmem>>
      %dma_start3A_207 = arith.constant 768 : i32
      %dma_start3A_208 = tpu.memref_slice %arg5[%dma_start3A_207] : memref<3128xi32, #tpu.memory_space<vmem>> -> memref<128xi32, #tpu.memory_space<vmem>>
      %dma_start3A_209 = arith.constant 0 : i32
      %dma_start3A_210 = arith.constant 0 : i32
      %dma_start3A_211 = tpu.memref_slice %arg6[%dma_start3A_209, %dma_start3A_210] : memref<95x128xf32, #tpu.memory_space<vmem_shared>> -> memref<95x128xf32, #tpu.memory_space<vmem_shared>>
      tpu.enqueue_indirect_dma source(%dma_start3A_211 : memref<95x128xf32, #tpu.memory_space<vmem_shared>>) target(%dma_start3A_206 : memref<128x128xf32, #tpu.memory_space<vmem>>) offsets(%dma_start3A_208 : memref<128xi32, #tpu.memory_space<vmem>>) semaphore(%arg11 : memref<!tpu.dma_semaphore, #tpu.memory_space<semaphore_mem>>)
      %dma_wait3A_212 = arith.constant 0 : i32
      %dma_wait3A_213 = arith.constant 0 : i32
      %dma_wait3A_214 = tpu.memref_slice %arg8[%dma_wait3A_212, %dma_wait3A_213] : memref<128x128xf32, #tpu.memory_space<vmem>> -> memref<128x128xf32, #tpu.memory_space<vmem>>
      %dma_wait3A_215 = arith.constant 640 : i32
      %dma_wait3A_216 = tpu.memref_slice %arg5[%dma_wait3A_215] : memref<3128xi32, #tpu.memory_space<vmem>> -> memref<128xi32, #tpu.memory_space<vmem>>
      %dma_wait3A_217 = arith.constant 0 : i32
      %dma_wait3A_218 = arith.constant 0 : i32
      %dma_wait3A_219 = tpu.memref_slice %arg6[%dma_wait3A_217, %dma_wait3A_218] : memref<95x128xf32, #tpu.memory_space<vmem_shared>> -> memref<95x128xf32, #tpu.memory_space<vmem_shared>>
      tpu.wait_indirect_dma semaphore(%arg11 : memref<!tpu.dma_semaphore, #tpu.memory_space<semaphore_mem>>) src(%dma_wait3A_219 : memref<95x128xf32, #tpu.memory_space<vmem_shared>>) dst(%dma_wait3A_214 : memref<128x128xf32, #tpu.memory_space<vmem>>)
      %add3A_220 = arith.constant 640 : i32
      %add3A_221 = arith.addi %multiple_of3A, %add3A_220 : i32
      %multiple_of3A_222 = tpu.assume_multiple %add3A_221, 8 : i32
      %dma_start3A_223 = arith.constant 0 : i32
      %dma_start3A_224 = arith.constant 0 : i32
      %dma_start3A_225 = tpu.memref_slice %arg8[%dma_start3A_223, %dma_start3A_224] : memref<128x128xf32, #tpu.memory_space<vmem>> -> memref<128x128xf32, #tpu.memory_space<vmem>>
      %dma_start3A_226 = arith.constant 0 : i32
      %dma_start3A_227 = tpu.memref_slice %arg4[%multiple_of3A_222, %dma_start3A_226] : memref<100000x128xf32, #tpu.memory_space<hbm>> -> memref<128x128xf32, #tpu.memory_space<hbm>>
      %dma_start3A_228 = arith.constant 0 : i32
      %dma_start3A_229 = tpu.memref_slice %arg4[%multiple_of3A_222, %dma_start3A_228] : memref<100000x128xf32, #tpu.memory_space<hbm>> -> memref<128x128xf32, #tpu.memory_space<hbm>>
      %dma_start3A_230 = arith.constant 0 : i32
      %dma_start3A_231 = arith.constant 0 : i32
      %dma_start3A_232 = tpu.memref_slice %arg8[%dma_start3A_230, %dma_start3A_231] : memref<128x128xf32, #tpu.memory_space<vmem>> -> memref<128x128xf32, #tpu.memory_space<vmem>>
      tpu.enqueue_dma source(%dma_start3A_232 : memref<128x128xf32, #tpu.memory_space<vmem>>) target(%dma_start3A_229 : memref<128x128xf32, #tpu.memory_space<hbm>>) target_semaphore(%arg13 : memref<!tpu.dma_semaphore, #tpu.memory_space<semaphore_mem>>)
      %add3A_233 = arith.constant 384 : i32
      %add3A_234 = arith.addi %multiple_of3A, %add3A_233 : i32
      %multiple_of3A_235 = tpu.assume_multiple %add3A_234, 8 : i32
      %dma_wait3A_236 = arith.constant 0 : i32
      %dma_wait3A_237 = arith.constant 0 : i32
      %dma_wait3A_238 = tpu.memref_slice %arg10[%dma_wait3A_236, %dma_wait3A_237] : memref<128x128xf32, #tpu.memory_space<vmem>> -> memref<128x128xf32, #tpu.memory_space<vmem>>
      %dma_wait3A_239 = arith.constant 0 : i32
      %dma_wait3A_240 = tpu.memref_slice %arg4[%multiple_of3A_235, %dma_wait3A_239] : memref<100000x128xf32, #tpu.memory_space<hbm>> -> memref<128x128xf32, #tpu.memory_space<hbm>>
      %dma_wait3A_241 = arith.constant 0 : i32
      %dma_wait3A_242 = tpu.memref_slice %arg4[%multiple_of3A_235, %dma_wait3A_241] : memref<100000x128xf32, #tpu.memory_space<hbm>> -> memref<128x128xf32, #tpu.memory_space<hbm>>
      %dma_wait3A_243 = arith.constant 0 : i32
      %dma_wait3A_244 = arith.constant 0 : i32
      %dma_wait3A_245 = tpu.memref_slice %arg10[%dma_wait3A_243, %dma_wait3A_244] : memref<128x128xf32, #tpu.memory_space<vmem>> -> memref<128x128xf32, #tpu.memory_space<vmem>>
      tpu.wait_dma2 semaphore(%arg13 : memref<!tpu.dma_semaphore, #tpu.memory_space<semaphore_mem>>) src(%dma_wait3A_245 : memref<128x128xf32, #tpu.memory_space<vmem>>) dst(%dma_wait3A_242 : memref<128x128xf32, #tpu.memory_space<hbm>>)
      %dma_start3A_246 = arith.constant 0 : i32
      %dma_start3A_247 = arith.constant 0 : i32
      %dma_start3A_248 = tpu.memref_slice %arg10[%dma_start3A_246, %dma_start3A_247] : memref<128x128xf32, #tpu.memory_space<vmem>> -> memref<128x128xf32, #tpu.memory_space<vmem>>
      %dma_start3A_249 = arith.constant 896 : i32
      %dma_start3A_250 = tpu.memref_slice %arg5[%dma_start3A_249] : memref<3128xi32, #tpu.memory_space<vmem>> -> memref<128xi32, #tpu.memory_space<vmem>>
      %dma_start3A_251 = arith.constant 0 : i32
      %dma_start3A_252 = arith.constant 0 : i32
      %dma_start3A_253 = tpu.memref_slice %arg6[%dma_start3A_251, %dma_start3A_252] : memref<95x128xf32, #tpu.memory_space<vmem_shared>> -> memref<95x128xf32, #tpu.memory_space<vmem_shared>>
      tpu.enqueue_indirect_dma source(%dma_start3A_253 : memref<95x128xf32, #tpu.memory_space<vmem_shared>>) target(%dma_start3A_248 : memref<128x128xf32, #tpu.memory_space<vmem>>) offsets(%dma_start3A_250 : memref<128xi32, #tpu.memory_space<vmem>>) semaphore(%arg11 : memref<!tpu.dma_semaphore, #tpu.memory_space<semaphore_mem>>)
      %dma_wait3A_254 = arith.constant 0 : i32
      %dma_wait3A_255 = arith.constant 0 : i32
      %dma_wait3A_256 = tpu.memref_slice %arg9[%dma_wait3A_254, %dma_wait3A_255] : memref<128x128xf32, #tpu.memory_space<vmem>> -> memref<128x128xf32, #tpu.memory_space<vmem>>
      %dma_wait3A_257 = arith.constant 768 : i32
      %dma_wait3A_258 = tpu.memref_slice %arg5[%dma_wait3A_257] : memref<3128xi32, #tpu.memory_space<vmem>> -> memref<128xi32, #tpu.memory_space<vmem>>
      %dma_wait3A_259 = arith.constant 0 : i32
      %dma_wait3A_260 = arith.constant 0 : i32
      %dma_wait3A_261 = tpu.memref_slice %arg6[%dma_wait3A_259, %dma_wait3A_260] : memref<95x128xf32, #tpu.memory_space<vmem_shared>> -> memref<95x128xf32, #tpu.memory_space<vmem_shared>>
      tpu.wait_indirect_dma semaphore(%arg11 : memref<!tpu.dma_semaphore, #tpu.memory_space<semaphore_mem>>) src(%dma_wait3A_261 : memref<95x128xf32, #tpu.memory_space<vmem_shared>>) dst(%dma_wait3A_256 : memref<128x128xf32, #tpu.memory_space<vmem>>)
      %add3A_262 = arith.constant 768 : i32
      %add3A_263 = arith.addi %multiple_of3A, %add3A_262 : i32
      %multiple_of3A_264 = tpu.assume_multiple %add3A_263, 8 : i32
      %dma_start3A_265 = arith.constant 0 : i32
      %dma_start3A_266 = arith.constant 0 : i32
      %dma_start3A_267 = tpu.memref_slice %arg9[%dma_start3A_265, %dma_start3A_266] : memref<128x128xf32, #tpu.memory_space<vmem>> -> memref<128x128xf32, #tpu.memory_space<vmem>>
      %dma_start3A_268 = arith.constant 0 : i32
      %dma_start3A_269 = tpu.memref_slice %arg4[%multiple_of3A_264, %dma_start3A_268] : memref<100000x128xf32, #tpu.memory_space<hbm>> -> memref<128x128xf32, #tpu.memory_space<hbm>>
      %dma_start3A_270 = arith.constant 0 : i32
      %dma_start3A_271 = tpu.memref_slice %arg4[%multiple_of3A_264, %dma_start3A_270] : memref<100000x128xf32, #tpu.memory_space<hbm>> -> memref<128x128xf32, #tpu.memory_space<hbm>>
      %dma_start3A_272 = arith.constant 0 : i32
      %dma_start3A_273 = arith.constant 0 : i32
      %dma_start3A_274 = tpu.memref_slice %arg9[%dma_start3A_272, %dma_start3A_273] : memref<128x128xf32, #tpu.memory_space<vmem>> -> memref<128x128xf32, #tpu.memory_space<vmem>>
      tpu.enqueue_dma source(%dma_start3A_274 : memref<128x128xf32, #tpu.memory_space<vmem>>) target(%dma_start3A_271 : memref<128x128xf32, #tpu.memory_space<hbm>>) target_semaphore(%arg13 : memref<!tpu.dma_semaphore, #tpu.memory_space<semaphore_mem>>)
      %add3A_275 = arith.constant 512 : i32
      %add3A_276 = arith.addi %multiple_of3A, %add3A_275 : i32
      %multiple_of3A_277 = tpu.assume_multiple %add3A_276, 8 : i32
      %dma_wait3A_278 = arith.constant 0 : i32
      %dma_wait3A_279 = arith.constant 0 : i32
      %dma_wait3A_280 = tpu.memref_slice %arg7[%dma_wait3A_278, %dma_wait3A_279] : memref<128x128xf32, #tpu.memory_space<vmem>> -> memref<128x128xf32, #tpu.memory_space<vmem>>
      %dma_wait3A_281 = arith.constant 0 : i32
      %dma_wait3A_282 = tpu.memref_slice %arg4[%multiple_of3A_277, %dma_wait3A_281] : memref<100000x128xf32, #tpu.memory_space<hbm>> -> memref<128x128xf32, #tpu.memory_space<hbm>>
      %dma_wait3A_283 = arith.constant 0 : i32
      %dma_wait3A_284 = tpu.memref_slice %arg4[%multiple_of3A_277, %dma_wait3A_283] : memref<100000x128xf32, #tpu.memory_space<hbm>> -> memref<128x128xf32, #tpu.memory_space<hbm>>
      %dma_wait3A_285 = arith.constant 0 : i32
      %dma_wait3A_286 = arith.constant 0 : i32
      %dma_wait3A_287 = tpu.memref_slice %arg7[%dma_wait3A_285, %dma_wait3A_286] : memref<128x128xf32, #tpu.memory_space<vmem>> -> memref<128x128xf32, #tpu.memory_space<vmem>>
      tpu.wait_dma2 semaphore(%arg13 : memref<!tpu.dma_semaphore, #tpu.memory_space<semaphore_mem>>) src(%dma_wait3A_287 : memref<128x128xf32, #tpu.memory_space<vmem>>) dst(%dma_wait3A_284 : memref<128x128xf32, #tpu.memory_space<hbm>>)
      %dma_start3A_288 = arith.constant 0 : i32
      %dma_start3A_289 = arith.constant 0 : i32
      %dma_start3A_290 = tpu.memref_slice %arg7[%dma_start3A_288, %dma_start3A_289] : memref<128x128xf32, #tpu.memory_space<vmem>> -> memref<128x128xf32, #tpu.memory_space<vmem>>
      %dma_start3A_291 = arith.constant 1024 : i32
      %dma_start3A_292 = tpu.memref_slice %arg5[%dma_start3A_291] : memref<3128xi32, #tpu.memory_space<vmem>> -> memref<128xi32, #tpu.memory_space<vmem>>
      %dma_start3A_293 = arith.constant 0 : i32
      %dma_start3A_294 = arith.constant 0 : i32
      %dma_start3A_295 = tpu.memref_slice %arg6[%dma_start3A_293, %dma_start3A_294] : memref<95x128xf32, #tpu.memory_space<vmem_shared>> -> memref<95x128xf32, #tpu.memory_space<vmem_shared>>
      tpu.enqueue_indirect_dma source(%dma_start3A_295 : memref<95x128xf32, #tpu.memory_space<vmem_shared>>) target(%dma_start3A_290 : memref<128x128xf32, #tpu.memory_space<vmem>>) offsets(%dma_start3A_292 : memref<128xi32, #tpu.memory_space<vmem>>) semaphore(%arg11 : memref<!tpu.dma_semaphore, #tpu.memory_space<semaphore_mem>>)
      %dma_wait3A_296 = arith.constant 0 : i32
      %dma_wait3A_297 = arith.constant 0 : i32
      %dma_wait3A_298 = tpu.memref_slice %arg10[%dma_wait3A_296, %dma_wait3A_297] : memref<128x128xf32, #tpu.memory_space<vmem>> -> memref<128x128xf32, #tpu.memory_space<vmem>>
      %dma_wait3A_299 = arith.constant 896 : i32
      %dma_wait3A_300 = tpu.memref_slice %arg5[%dma_wait3A_299] : memref<3128xi32, #tpu.memory_space<vmem>> -> memref<128xi32, #tpu.memory_space<vmem>>
      %dma_wait3A_301 = arith.constant 0 : i32
      %dma_wait3A_302 = arith.constant 0 : i32
      %dma_wait3A_303 = tpu.memref_slice %arg6[%dma_wait3A_301, %dma_wait3A_302] : memref<95x128xf32, #tpu.memory_space<vmem_shared>> -> memref<95x128xf32, #tpu.memory_space<vmem_shared>>
      tpu.wait_indirect_dma semaphore(%arg11 : memref<!tpu.dma_semaphore, #tpu.memory_space<semaphore_mem>>) src(%dma_wait3A_303 : memref<95x128xf32, #tpu.memory_space<vmem_shared>>) dst(%dma_wait3A_298 : memref<128x128xf32, #tpu.memory_space<vmem>>)
      %add3A_304 = arith.constant 896 : i32
      %add3A_305 = arith.addi %multiple_of3A, %add3A_304 : i32
      %multiple_of3A_306 = tpu.assume_multiple %add3A_305, 8 : i32
      %dma_start3A_307 = arith.constant 0 : i32
      %dma_start3A_308 = arith.constant 0 : i32
      %dma_start3A_309 = tpu.memref_slice %arg10[%dma_start3A_307, %dma_start3A_308] : memref<128x128xf32, #tpu.memory_space<vmem>> -> memref<128x128xf32, #tpu.memory_space<vmem>>
      %dma_start3A_310 = arith.constant 0 : i32
      %dma_start3A_311 = tpu.memref_slice %arg4[%multiple_of3A_306, %dma_start3A_310] : memref<100000x128xf32, #tpu.memory_space<hbm>> -> memref<128x128xf32, #tpu.memory_space<hbm>>
      %dma_start3A_312 = arith.constant 0 : i32
      %dma_start3A_313 = tpu.memref_slice %arg4[%multiple_of3A_306, %dma_start3A_312] : memref<100000x128xf32, #tpu.memory_space<hbm>> -> memref<128x128xf32, #tpu.memory_space<hbm>>
      %dma_start3A_314 = arith.constant 0 : i32
      %dma_start3A_315 = arith.constant 0 : i32
      %dma_start3A_316 = tpu.memref_slice %arg10[%dma_start3A_314, %dma_start3A_315] : memref<128x128xf32, #tpu.memory_space<vmem>> -> memref<128x128xf32, #tpu.memory_space<vmem>>
      tpu.enqueue_dma source(%dma_start3A_316 : memref<128x128xf32, #tpu.memory_space<vmem>>) target(%dma_start3A_313 : memref<128x128xf32, #tpu.memory_space<hbm>>) target_semaphore(%arg13 : memref<!tpu.dma_semaphore, #tpu.memory_space<semaphore_mem>>)
      %add3A_317 = arith.constant 640 : i32
      %add3A_318 = arith.addi %multiple_of3A, %add3A_317 : i32
      %multiple_of3A_319 = tpu.assume_multiple %add3A_318, 8 : i32
      %dma_wait3A_320 = arith.constant 0 : i32
      %dma_wait3A_321 = arith.constant 0 : i32
      %dma_wait3A_322 = tpu.memref_slice %arg8[%dma_wait3A_320, %dma_wait3A_321] : memref<128x128xf32, #tpu.memory_space<vmem>> -> memref<128x128xf32, #tpu.memory_space<vmem>>
      %dma_wait3A_323 = arith.constant 0 : i32
      %dma_wait3A_324 = tpu.memref_slice %arg4[%multiple_of3A_319, %dma_wait3A_323] : memref<100000x128xf32, #tpu.memory_space<hbm>> -> memref<128x128xf32, #tpu.memory_space<hbm>>
      %dma_wait3A_325 = arith.constant 0 : i32
      %dma_wait3A_326 = tpu.memref_slice %arg4[%multiple_of3A_319, %dma_wait3A_325] : memref<100000x128xf32, #tpu.memory_space<hbm>> -> memref<128x128xf32, #tpu.memory_space<hbm>>
      %dma_wait3A_327 = arith.constant 0 : i32
      %dma_wait3A_328 = arith.constant 0 : i32
      %dma_wait3A_329 = tpu.memref_slice %arg8[%dma_wait3A_327, %dma_wait3A_328] : memref<128x128xf32, #tpu.memory_space<vmem>> -> memref<128x128xf32, #tpu.memory_space<vmem>>
      tpu.wait_dma2 semaphore(%arg13 : memref<!tpu.dma_semaphore, #tpu.memory_space<semaphore_mem>>) src(%dma_wait3A_329 : memref<128x128xf32, #tpu.memory_space<vmem>>) dst(%dma_wait3A_326 : memref<128x128xf32, #tpu.memory_space<hbm>>)
      %dma_start3A_330 = arith.constant 0 : i32
      %dma_start3A_331 = arith.constant 0 : i32
      %dma_start3A_332 = tpu.memref_slice %arg8[%dma_start3A_330, %dma_start3A_331] : memref<128x128xf32, #tpu.memory_space<vmem>> -> memref<128x128xf32, #tpu.memory_space<vmem>>
      %dma_start3A_333 = arith.constant 1152 : i32
      %dma_start3A_334 = tpu.memref_slice %arg5[%dma_start3A_333] : memref<3128xi32, #tpu.memory_space<vmem>> -> memref<128xi32, #tpu.memory_space<vmem>>
      %dma_start3A_335 = arith.constant 0 : i32
      %dma_start3A_336 = arith.constant 0 : i32
      %dma_start3A_337 = tpu.memref_slice %arg6[%dma_start3A_335, %dma_start3A_336] : memref<95x128xf32, #tpu.memory_space<vmem_shared>> -> memref<95x128xf32, #tpu.memory_space<vmem_shared>>
      tpu.enqueue_indirect_dma source(%dma_start3A_337 : memref<95x128xf32, #tpu.memory_space<vmem_shared>>) target(%dma_start3A_332 : memref<128x128xf32, #tpu.memory_space<vmem>>) offsets(%dma_start3A_334 : memref<128xi32, #tpu.memory_space<vmem>>) semaphore(%arg11 : memref<!tpu.dma_semaphore, #tpu.memory_space<semaphore_mem>>)
      %dma_wait3A_338 = arith.constant 0 : i32
      %dma_wait3A_339 = arith.constant 0 : i32
      %dma_wait3A_340 = tpu.memref_slice %arg7[%dma_wait3A_338, %dma_wait3A_339] : memref<128x128xf32, #tpu.memory_space<vmem>> -> memref<128x128xf32, #tpu.memory_space<vmem>>
      %dma_wait3A_341 = arith.constant 1024 : i32
      %dma_wait3A_342 = tpu.memref_slice %arg5[%dma_wait3A_341] : memref<3128xi32, #tpu.memory_space<vmem>> -> memref<128xi32, #tpu.memory_space<vmem>>
      %dma_wait3A_343 = arith.constant 0 : i32
      %dma_wait3A_344 = arith.constant 0 : i32
      %dma_wait3A_345 = tpu.memref_slice %arg6[%dma_wait3A_343, %dma_wait3A_344] : memref<95x128xf32, #tpu.memory_space<vmem_shared>> -> memref<95x128xf32, #tpu.memory_space<vmem_shared>>
      tpu.wait_indirect_dma semaphore(%arg11 : memref<!tpu.dma_semaphore, #tpu.memory_space<semaphore_mem>>) src(%dma_wait3A_345 : memref<95x128xf32, #tpu.memory_space<vmem_shared>>) dst(%dma_wait3A_340 : memref<128x128xf32, #tpu.memory_space<vmem>>)
      %add3A_346 = arith.constant 1024 : i32
      %add3A_347 = arith.addi %multiple_of3A, %add3A_346 : i32
      %multiple_of3A_348 = tpu.assume_multiple %add3A_347, 8 : i32
      %dma_start3A_349 = arith.constant 0 : i32
      %dma_start3A_350 = arith.constant 0 : i32
      %dma_start3A_351 = tpu.memref_slice %arg7[%dma_start3A_349, %dma_start3A_350] : memref<128x128xf32, #tpu.memory_space<vmem>> -> memref<128x128xf32, #tpu.memory_space<vmem>>
      %dma_start3A_352 = arith.constant 0 : i32
      %dma_start3A_353 = tpu.memref_slice %arg4[%multiple_of3A_348, %dma_start3A_352] : memref<100000x128xf32, #tpu.memory_space<hbm>> -> memref<128x128xf32, #tpu.memory_space<hbm>>
      %dma_start3A_354 = arith.constant 0 : i32
      %dma_start3A_355 = tpu.memref_slice %arg4[%multiple_of3A_348, %dma_start3A_354] : memref<100000x128xf32, #tpu.memory_space<hbm>> -> memref<128x128xf32, #tpu.memory_space<hbm>>
      %dma_start3A_356 = arith.constant 0 : i32
      %dma_start3A_357 = arith.constant 0 : i32
      %dma_start3A_358 = tpu.memref_slice %arg7[%dma_start3A_356, %dma_start3A_357] : memref<128x128xf32, #tpu.memory_space<vmem>> -> memref<128x128xf32, #tpu.memory_space<vmem>>
      tpu.enqueue_dma source(%dma_start3A_358 : memref<128x128xf32, #tpu.memory_space<vmem>>) target(%dma_start3A_355 : memref<128x128xf32, #tpu.memory_space<hbm>>) target_semaphore(%arg13 : memref<!tpu.dma_semaphore, #tpu.memory_space<semaphore_mem>>)
      %add3A_359 = arith.constant 768 : i32
      %add3A_360 = arith.addi %multiple_of3A, %add3A_359 : i32
      %multiple_of3A_361 = tpu.assume_multiple %add3A_360, 8 : i32
      %dma_wait3A_362 = arith.constant 0 : i32
      %dma_wait3A_363 = arith.constant 0 : i32
      %dma_wait3A_364 = tpu.memref_slice %arg9[%dma_wait3A_362, %dma_wait3A_363] : memref<128x128xf32, #tpu.memory_space<vmem>> -> memref<128x128xf32, #tpu.memory_space<vmem>>
      %dma_wait3A_365 = arith.constant 0 : i32
      %dma_wait3A_366 = tpu.memref_slice %arg4[%multiple_of3A_361, %dma_wait3A_365] : memref<100000x128xf32, #tpu.memory_space<hbm>> -> memref<128x128xf32, #tpu.memory_space<hbm>>
      %dma_wait3A_367 = arith.constant 0 : i32
      %dma_wait3A_368 = tpu.memref_slice %arg4[%multiple_of3A_361, %dma_wait3A_367] : memref<100000x128xf32, #tpu.memory_space<hbm>> -> memref<128x128xf32, #tpu.memory_space<hbm>>
      %dma_wait3A_369 = arith.constant 0 : i32
      %dma_wait3A_370 = arith.constant 0 : i32
      %dma_wait3A_371 = tpu.memref_slice %arg9[%dma_wait3A_369, %dma_wait3A_370] : memref<128x128xf32, #tpu.memory_space<vmem>> -> memref<128x128xf32, #tpu.memory_space<vmem>>
      tpu.wait_dma2 semaphore(%arg13 : memref<!tpu.dma_semaphore, #tpu.memory_space<semaphore_mem>>) src(%dma_wait3A_371 : memref<128x128xf32, #tpu.memory_space<vmem>>) dst(%dma_wait3A_368 : memref<128x128xf32, #tpu.memory_space<hbm>>)
      %dma_start3A_372 = arith.constant 0 : i32
      %dma_start3A_373 = arith.constant 0 : i32
      %dma_start3A_374 = tpu.memref_slice %arg9[%dma_start3A_372, %dma_start3A_373] : memref<128x128xf32, #tpu.memory_space<vmem>> -> memref<128x128xf32, #tpu.memory_space<vmem>>
      %dma_start3A_375 = arith.constant 1280 : i32
      %dma_start3A_376 = tpu.memref_slice %arg5[%dma_start3A_375] : memref<3128xi32, #tpu.memory_space<vmem>> -> memref<128xi32, #tpu.memory_space<vmem>>
      %dma_start3A_377 = arith.constant 0 : i32
      %dma_start3A_378 = arith.constant 0 : i32
      %dma_start3A_379 = tpu.memref_slice %arg6[%dma_start3A_377, %dma_start3A_378] : memref<95x128xf32, #tpu.memory_space<vmem_shared>> -> memref<95x128xf32, #tpu.memory_space<vmem_shared>>
      tpu.enqueue_indirect_dma source(%dma_start3A_379 : memref<95x128xf32, #tpu.memory_space<vmem_shared>>) target(%dma_start3A_374 : memref<128x128xf32, #tpu.memory_space<vmem>>) offsets(%dma_start3A_376 : memref<128xi32, #tpu.memory_space<vmem>>) semaphore(%arg11 : memref<!tpu.dma_semaphore, #tpu.memory_space<semaphore_mem>>)
      %dma_wait3A_380 = arith.constant 0 : i32
      %dma_wait3A_381 = arith.constant 0 : i32
      %dma_wait3A_382 = tpu.memref_slice %arg8[%dma_wait3A_380, %dma_wait3A_381] : memref<128x128xf32, #tpu.memory_space<vmem>> -> memref<128x128xf32, #tpu.memory_space<vmem>>
      %dma_wait3A_383 = arith.constant 1152 : i32
      %dma_wait3A_384 = tpu.memref_slice %arg5[%dma_wait3A_383] : memref<3128xi32, #tpu.memory_space<vmem>> -> memref<128xi32, #tpu.memory_space<vmem>>
      %dma_wait3A_385 = arith.constant 0 : i32
      %dma_wait3A_386 = arith.constant 0 : i32
      %dma_wait3A_387 = tpu.memref_slice %arg6[%dma_wait3A_385, %dma_wait3A_386] : memref<95x128xf32, #tpu.memory_space<vmem_shared>> -> memref<95x128xf32, #tpu.memory_space<vmem_shared>>
      tpu.wait_indirect_dma semaphore(%arg11 : memref<!tpu.dma_semaphore, #tpu.memory_space<semaphore_mem>>) src(%dma_wait3A_387 : memref<95x128xf32, #tpu.memory_space<vmem_shared>>) dst(%dma_wait3A_382 : memref<128x128xf32, #tpu.memory_space<vmem>>)
      %add3A_388 = arith.constant 1152 : i32
      %add3A_389 = arith.addi %multiple_of3A, %add3A_388 : i32
      %multiple_of3A_390 = tpu.assume_multiple %add3A_389, 8 : i32
      %dma_start3A_391 = arith.constant 0 : i32
      %dma_start3A_392 = arith.constant 0 : i32
      %dma_start3A_393 = tpu.memref_slice %arg8[%dma_start3A_391, %dma_start3A_392] : memref<128x128xf32, #tpu.memory_space<vmem>> -> memref<128x128xf32, #tpu.memory_space<vmem>>
      %dma_start3A_394 = arith.constant 0 : i32
      %dma_start3A_395 = tpu.memref_slice %arg4[%multiple_of3A_390, %dma_start3A_394] : memref<100000x128xf32, #tpu.memory_space<hbm>> -> memref<128x128xf32, #tpu.memory_space<hbm>>
      %dma_start3A_396 = arith.constant 0 : i32
      %dma_start3A_397 = tpu.memref_slice %arg4[%multiple_of3A_390, %dma_start3A_396] : memref<100000x128xf32, #tpu.memory_space<hbm>> -> memref<128x128xf32, #tpu.memory_space<hbm>>
      %dma_start3A_398 = arith.constant 0 : i32
      %dma_start3A_399 = arith.constant 0 : i32
      %dma_start3A_400 = tpu.memref_slice %arg8[%dma_start3A_398, %dma_start3A_399] : memref<128x128xf32, #tpu.memory_space<vmem>> -> memref<128x128xf32, #tpu.memory_space<vmem>>
      tpu.enqueue_dma source(%dma_start3A_400 : memref<128x128xf32, #tpu.memory_space<vmem>>) target(%dma_start3A_397 : memref<128x128xf32, #tpu.memory_space<hbm>>) target_semaphore(%arg13 : memref<!tpu.dma_semaphore, #tpu.memory_space<semaphore_mem>>)
      %add3A_401 = arith.constant 896 : i32
      %add3A_402 = arith.addi %multiple_of3A, %add3A_401 : i32
      %multiple_of3A_403 = tpu.assume_multiple %add3A_402, 8 : i32
      %dma_wait3A_404 = arith.constant 0 : i32
      %dma_wait3A_405 = arith.constant 0 : i32
      %dma_wait3A_406 = tpu.memref_slice %arg10[%dma_wait3A_404, %dma_wait3A_405] : memref<128x128xf32, #tpu.memory_space<vmem>> -> memref<128x128xf32, #tpu.memory_space<vmem>>
      %dma_wait3A_407 = arith.constant 0 : i32
      %dma_wait3A_408 = tpu.memref_slice %arg4[%multiple_of3A_403, %dma_wait3A_407] : memref<100000x128xf32, #tpu.memory_space<hbm>> -> memref<128x128xf32, #tpu.memory_space<hbm>>
      %dma_wait3A_409 = arith.constant 0 : i32
      %dma_wait3A_410 = tpu.memref_slice %arg4[%multiple_of3A_403, %dma_wait3A_409] : memref<100000x128xf32, #tpu.memory_space<hbm>> -> memref<128x128xf32, #tpu.memory_space<hbm>>
      %dma_wait3A_411 = arith.constant 0 : i32
      %dma_wait3A_412 = arith.constant 0 : i32
      %dma_wait3A_413 = tpu.memref_slice %arg10[%dma_wait3A_411, %dma_wait3A_412] : memref<128x128xf32, #tpu.memory_space<vmem>> -> memref<128x128xf32, #tpu.memory_space<vmem>>
      tpu.wait_dma2 semaphore(%arg13 : memref<!tpu.dma_semaphore, #tpu.memory_space<semaphore_mem>>) src(%dma_wait3A_413 : memref<128x128xf32, #tpu.memory_space<vmem>>) dst(%dma_wait3A_410 : memref<128x128xf32, #tpu.memory_space<hbm>>)
      %dma_start3A_414 = arith.constant 0 : i32
      %dma_start3A_415 = arith.constant 0 : i32
      %dma_start3A_416 = tpu.memref_slice %arg10[%dma_start3A_414, %dma_start3A_415] : memref<128x128xf32, #tpu.memory_space<vmem>> -> memref<128x128xf32, #tpu.memory_space<vmem>>
      %dma_start3A_417 = arith.constant 1408 : i32
      %dma_start3A_418 = tpu.memref_slice %arg5[%dma_start3A_417] : memref<3128xi32, #tpu.memory_space<vmem>> -> memref<128xi32, #tpu.memory_space<vmem>>
      %dma_start3A_419 = arith.constant 0 : i32
      %dma_start3A_420 = arith.constant 0 : i32
      %dma_start3A_421 = tpu.memref_slice %arg6[%dma_start3A_419, %dma_start3A_420] : memref<95x128xf32, #tpu.memory_space<vmem_shared>> -> memref<95x128xf32, #tpu.memory_space<vmem_shared>>
      tpu.enqueue_indirect_dma source(%dma_start3A_421 : memref<95x128xf32, #tpu.memory_space<vmem_shared>>) target(%dma_start3A_416 : memref<128x128xf32, #tpu.memory_space<vmem>>) offsets(%dma_start3A_418 : memref<128xi32, #tpu.memory_space<vmem>>) semaphore(%arg11 : memref<!tpu.dma_semaphore, #tpu.memory_space<semaphore_mem>>)
      %dma_wait3A_422 = arith.constant 0 : i32
      %dma_wait3A_423 = arith.constant 0 : i32
      %dma_wait3A_424 = tpu.memref_slice %arg9[%dma_wait3A_422, %dma_wait3A_423] : memref<128x128xf32, #tpu.memory_space<vmem>> -> memref<128x128xf32, #tpu.memory_space<vmem>>
      %dma_wait3A_425 = arith.constant 1280 : i32
      %dma_wait3A_426 = tpu.memref_slice %arg5[%dma_wait3A_425] : memref<3128xi32, #tpu.memory_space<vmem>> -> memref<128xi32, #tpu.memory_space<vmem>>
      %dma_wait3A_427 = arith.constant 0 : i32
      %dma_wait3A_428 = arith.constant 0 : i32
      %dma_wait3A_429 = tpu.memref_slice %arg6[%dma_wait3A_427, %dma_wait3A_428] : memref<95x128xf32, #tpu.memory_space<vmem_shared>> -> memref<95x128xf32, #tpu.memory_space<vmem_shared>>
      tpu.wait_indirect_dma semaphore(%arg11 : memref<!tpu.dma_semaphore, #tpu.memory_space<semaphore_mem>>) src(%dma_wait3A_429 : memref<95x128xf32, #tpu.memory_space<vmem_shared>>) dst(%dma_wait3A_424 : memref<128x128xf32, #tpu.memory_space<vmem>>)
      %add3A_430 = arith.constant 1280 : i32
      %add3A_431 = arith.addi %multiple_of3A, %add3A_430 : i32
      %multiple_of3A_432 = tpu.assume_multiple %add3A_431, 8 : i32
      %dma_start3A_433 = arith.constant 0 : i32
      %dma_start3A_434 = arith.constant 0 : i32
      %dma_start3A_435 = tpu.memref_slice %arg9[%dma_start3A_433, %dma_start3A_434] : memref<128x128xf32, #tpu.memory_space<vmem>> -> memref<128x128xf32, #tpu.memory_space<vmem>>
      %dma_start3A_436 = arith.constant 0 : i32
      %dma_start3A_437 = tpu.memref_slice %arg4[%multiple_of3A_432, %dma_start3A_436] : memref<100000x128xf32, #tpu.memory_space<hbm>> -> memref<128x128xf32, #tpu.memory_space<hbm>>
      %dma_start3A_438 = arith.constant 0 : i32
      %dma_start3A_439 = tpu.memref_slice %arg4[%multiple_of3A_432, %dma_start3A_438] : memref<100000x128xf32, #tpu.memory_space<hbm>> -> memref<128x128xf32, #tpu.memory_space<hbm>>
      %dma_start3A_440 = arith.constant 0 : i32
      %dma_start3A_441 = arith.constant 0 : i32
      %dma_start3A_442 = tpu.memref_slice %arg9[%dma_start3A_440, %dma_start3A_441] : memref<128x128xf32, #tpu.memory_space<vmem>> -> memref<128x128xf32, #tpu.memory_space<vmem>>
      tpu.enqueue_dma source(%dma_start3A_442 : memref<128x128xf32, #tpu.memory_space<vmem>>) target(%dma_start3A_439 : memref<128x128xf32, #tpu.memory_space<hbm>>) target_semaphore(%arg13 : memref<!tpu.dma_semaphore, #tpu.memory_space<semaphore_mem>>)
      %add3A_443 = arith.constant 1024 : i32
      %add3A_444 = arith.addi %multiple_of3A, %add3A_443 : i32
      %multiple_of3A_445 = tpu.assume_multiple %add3A_444, 8 : i32
      %dma_wait3A_446 = arith.constant 0 : i32
      %dma_wait3A_447 = arith.constant 0 : i32
      %dma_wait3A_448 = tpu.memref_slice %arg7[%dma_wait3A_446, %dma_wait3A_447] : memref<128x128xf32, #tpu.memory_space<vmem>> -> memref<128x128xf32, #tpu.memory_space<vmem>>
      %dma_wait3A_449 = arith.constant 0 : i32
      %dma_wait3A_450 = tpu.memref_slice %arg4[%multiple_of3A_445, %dma_wait3A_449] : memref<100000x128xf32, #tpu.memory_space<hbm>> -> memref<128x128xf32, #tpu.memory_space<hbm>>
      %dma_wait3A_451 = arith.constant 0 : i32
      %dma_wait3A_452 = tpu.memref_slice %arg4[%multiple_of3A_445, %dma_wait3A_451] : memref<100000x128xf32, #tpu.memory_space<hbm>> -> memref<128x128xf32, #tpu.memory_space<hbm>>
      %dma_wait3A_453 = arith.constant 0 : i32
      %dma_wait3A_454 = arith.constant 0 : i32
      %dma_wait3A_455 = tpu.memref_slice %arg7[%dma_wait3A_453, %dma_wait3A_454] : memref<128x128xf32, #tpu.memory_space<vmem>> -> memref<128x128xf32, #tpu.memory_space<vmem>>
      tpu.wait_dma2 semaphore(%arg13 : memref<!tpu.dma_semaphore, #tpu.memory_space<semaphore_mem>>) src(%dma_wait3A_455 : memref<128x128xf32, #tpu.memory_space<vmem>>) dst(%dma_wait3A_452 : memref<128x128xf32, #tpu.memory_space<hbm>>)
      %dma_start3A_456 = arith.constant 0 : i32
      %dma_start3A_457 = arith.constant 0 : i32
      %dma_start3A_458 = tpu.memref_slice %arg7[%dma_start3A_456, %dma_start3A_457] : memref<128x128xf32, #tpu.memory_space<vmem>> -> memref<128x128xf32, #tpu.memory_space<vmem>>
      %dma_start3A_459 = arith.constant 1536 : i32
      %dma_start3A_460 = tpu.memref_slice %arg5[%dma_start3A_459] : memref<3128xi32, #tpu.memory_space<vmem>> -> memref<128xi32, #tpu.memory_space<vmem>>
      %dma_start3A_461 = arith.constant 0 : i32
      %dma_start3A_462 = arith.constant 0 : i32
      %dma_start3A_463 = tpu.memref_slice %arg6[%dma_start3A_461, %dma_start3A_462] : memref<95x128xf32, #tpu.memory_space<vmem_shared>> -> memref<95x128xf32, #tpu.memory_space<vmem_shared>>
      tpu.enqueue_indirect_dma source(%dma_start3A_463 : memref<95x128xf32, #tpu.memory_space<vmem_shared>>) target(%dma_start3A_458 : memref<128x128xf32, #tpu.memory_space<vmem>>) offsets(%dma_start3A_460 : memref<128xi32, #tpu.memory_space<vmem>>) semaphore(%arg11 : memref<!tpu.dma_semaphore, #tpu.memory_space<semaphore_mem>>)
      %dma_wait3A_464 = arith.constant 0 : i32
      %dma_wait3A_465 = arith.constant 0 : i32
      %dma_wait3A_466 = tpu.memref_slice %arg10[%dma_wait3A_464, %dma_wait3A_465] : memref<128x128xf32, #tpu.memory_space<vmem>> -> memref<128x128xf32, #tpu.memory_space<vmem>>
      %dma_wait3A_467 = arith.constant 1408 : i32
      %dma_wait3A_468 = tpu.memref_slice %arg5[%dma_wait3A_467] : memref<3128xi32, #tpu.memory_space<vmem>> -> memref<128xi32, #tpu.memory_space<vmem>>
      %dma_wait3A_469 = arith.constant 0 : i32
      %dma_wait3A_470 = arith.constant 0 : i32
      %dma_wait3A_471 = tpu.memref_slice %arg6[%dma_wait3A_469, %dma_wait3A_470] : memref<95x128xf32, #tpu.memory_space<vmem_shared>> -> memref<95x128xf32, #tpu.memory_space<vmem_shared>>
      tpu.wait_indirect_dma semaphore(%arg11 : memref<!tpu.dma_semaphore, #tpu.memory_space<semaphore_mem>>) src(%dma_wait3A_471 : memref<95x128xf32, #tpu.memory_space<vmem_shared>>) dst(%dma_wait3A_466 : memref<128x128xf32, #tpu.memory_space<vmem>>)
      %add3A_472 = arith.constant 1408 : i32
      %add3A_473 = arith.addi %multiple_of3A, %add3A_472 : i32
      %multiple_of3A_474 = tpu.assume_multiple %add3A_473, 8 : i32
      %dma_start3A_475 = arith.constant 0 : i32
      %dma_start3A_476 = arith.constant 0 : i32
      %dma_start3A_477 = tpu.memref_slice %arg10[%dma_start3A_475, %dma_start3A_476] : memref<128x128xf32, #tpu.memory_space<vmem>> -> memref<128x128xf32, #tpu.memory_space<vmem>>
      %dma_start3A_478 = arith.constant 0 : i32
      %dma_start3A_479 = tpu.memref_slice %arg4[%multiple_of3A_474, %dma_start3A_478] : memref<100000x128xf32, #tpu.memory_space<hbm>> -> memref<128x128xf32, #tpu.memory_space<hbm>>
      %dma_start3A_480 = arith.constant 0 : i32
      %dma_start3A_481 = tpu.memref_slice %arg4[%multiple_of3A_474, %dma_start3A_480] : memref<100000x128xf32, #tpu.memory_space<hbm>> -> memref<128x128xf32, #tpu.memory_space<hbm>>
      %dma_start3A_482 = arith.constant 0 : i32
      %dma_start3A_483 = arith.constant 0 : i32
      %dma_start3A_484 = tpu.memref_slice %arg10[%dma_start3A_482, %dma_start3A_483] : memref<128x128xf32, #tpu.memory_space<vmem>> -> memref<128x128xf32, #tpu.memory_space<vmem>>
      tpu.enqueue_dma source(%dma_start3A_484 : memref<128x128xf32, #tpu.memory_space<vmem>>) target(%dma_start3A_481 : memref<128x128xf32, #tpu.memory_space<hbm>>) target_semaphore(%arg13 : memref<!tpu.dma_semaphore, #tpu.memory_space<semaphore_mem>>)
      %add3A_485 = arith.constant 1152 : i32
      %add3A_486 = arith.addi %multiple_of3A, %add3A_485 : i32
      %multiple_of3A_487 = tpu.assume_multiple %add3A_486, 8 : i32
      %dma_wait3A_488 = arith.constant 0 : i32
      %dma_wait3A_489 = arith.constant 0 : i32
      %dma_wait3A_490 = tpu.memref_slice %arg8[%dma_wait3A_488, %dma_wait3A_489] : memref<128x128xf32, #tpu.memory_space<vmem>> -> memref<128x128xf32, #tpu.memory_space<vmem>>
      %dma_wait3A_491 = arith.constant 0 : i32
      %dma_wait3A_492 = tpu.memref_slice %arg4[%multiple_of3A_487, %dma_wait3A_491] : memref<100000x128xf32, #tpu.memory_space<hbm>> -> memref<128x128xf32, #tpu.memory_space<hbm>>
      %dma_wait3A_493 = arith.constant 0 : i32
      %dma_wait3A_494 = tpu.memref_slice %arg4[%multiple_of3A_487, %dma_wait3A_493] : memref<100000x128xf32, #tpu.memory_space<hbm>> -> memref<128x128xf32, #tpu.memory_space<hbm>>
      %dma_wait3A_495 = arith.constant 0 : i32
      %dma_wait3A_496 = arith.constant 0 : i32
      %dma_wait3A_497 = tpu.memref_slice %arg8[%dma_wait3A_495, %dma_wait3A_496] : memref<128x128xf32, #tpu.memory_space<vmem>> -> memref<128x128xf32, #tpu.memory_space<vmem>>
      tpu.wait_dma2 semaphore(%arg13 : memref<!tpu.dma_semaphore, #tpu.memory_space<semaphore_mem>>) src(%dma_wait3A_497 : memref<128x128xf32, #tpu.memory_space<vmem>>) dst(%dma_wait3A_494 : memref<128x128xf32, #tpu.memory_space<hbm>>)
      %dma_start3A_498 = arith.constant 0 : i32
      %dma_start3A_499 = arith.constant 0 : i32
      %dma_start3A_500 = tpu.memref_slice %arg8[%dma_start3A_498, %dma_start3A_499] : memref<128x128xf32, #tpu.memory_space<vmem>> -> memref<128x128xf32, #tpu.memory_space<vmem>>
      %dma_start3A_501 = arith.constant 1664 : i32
      %dma_start3A_502 = tpu.memref_slice %arg5[%dma_start3A_501] : memref<3128xi32, #tpu.memory_space<vmem>> -> memref<128xi32, #tpu.memory_space<vmem>>
      %dma_start3A_503 = arith.constant 0 : i32
      %dma_start3A_504 = arith.constant 0 : i32
      %dma_start3A_505 = tpu.memref_slice %arg6[%dma_start3A_503, %dma_start3A_504] : memref<95x128xf32, #tpu.memory_space<vmem_shared>> -> memref<95x128xf32, #tpu.memory_space<vmem_shared>>
      tpu.enqueue_indirect_dma source(%dma_start3A_505 : memref<95x128xf32, #tpu.memory_space<vmem_shared>>) target(%dma_start3A_500 : memref<128x128xf32, #tpu.memory_space<vmem>>) offsets(%dma_start3A_502 : memref<128xi32, #tpu.memory_space<vmem>>) semaphore(%arg11 : memref<!tpu.dma_semaphore, #tpu.memory_space<semaphore_mem>>)
      %dma_wait3A_506 = arith.constant 0 : i32
      %dma_wait3A_507 = arith.constant 0 : i32
      %dma_wait3A_508 = tpu.memref_slice %arg7[%dma_wait3A_506, %dma_wait3A_507] : memref<128x128xf32, #tpu.memory_space<vmem>> -> memref<128x128xf32, #tpu.memory_space<vmem>>
      %dma_wait3A_509 = arith.constant 1536 : i32
      %dma_wait3A_510 = tpu.memref_slice %arg5[%dma_wait3A_509] : memref<3128xi32, #tpu.memory_space<vmem>> -> memref<128xi32, #tpu.memory_space<vmem>>
      %dma_wait3A_511 = arith.constant 0 : i32
      %dma_wait3A_512 = arith.constant 0 : i32
      %dma_wait3A_513 = tpu.memref_slice %arg6[%dma_wait3A_511, %dma_wait3A_512] : memref<95x128xf32, #tpu.memory_space<vmem_shared>> -> memref<95x128xf32, #tpu.memory_space<vmem_shared>>
      tpu.wait_indirect_dma semaphore(%arg11 : memref<!tpu.dma_semaphore, #tpu.memory_space<semaphore_mem>>) src(%dma_wait3A_513 : memref<95x128xf32, #tpu.memory_space<vmem_shared>>) dst(%dma_wait3A_508 : memref<128x128xf32, #tpu.memory_space<vmem>>)
      %add3A_514 = arith.constant 1536 : i32
      %add3A_515 = arith.addi %multiple_of3A, %add3A_514 : i32
      %multiple_of3A_516 = tpu.assume_multiple %add3A_515, 8 : i32
      %dma_start3A_517 = arith.constant 0 : i32
      %dma_start3A_518 = arith.constant 0 : i32
      %dma_start3A_519 = tpu.memref_slice %arg7[%dma_start3A_517, %dma_start3A_518] : memref<128x128xf32, #tpu.memory_space<vmem>> -> memref<128x128xf32, #tpu.memory_space<vmem>>
      %dma_start3A_520 = arith.constant 0 : i32
      %dma_start3A_521 = tpu.memref_slice %arg4[%multiple_of3A_516, %dma_start3A_520] : memref<100000x128xf32, #tpu.memory_space<hbm>> -> memref<128x128xf32, #tpu.memory_space<hbm>>
      %dma_start3A_522 = arith.constant 0 : i32
      %dma_start3A_523 = tpu.memref_slice %arg4[%multiple_of3A_516, %dma_start3A_522] : memref<100000x128xf32, #tpu.memory_space<hbm>> -> memref<128x128xf32, #tpu.memory_space<hbm>>
      %dma_start3A_524 = arith.constant 0 : i32
      %dma_start3A_525 = arith.constant 0 : i32
      %dma_start3A_526 = tpu.memref_slice %arg7[%dma_start3A_524, %dma_start3A_525] : memref<128x128xf32, #tpu.memory_space<vmem>> -> memref<128x128xf32, #tpu.memory_space<vmem>>
      tpu.enqueue_dma source(%dma_start3A_526 : memref<128x128xf32, #tpu.memory_space<vmem>>) target(%dma_start3A_523 : memref<128x128xf32, #tpu.memory_space<hbm>>) target_semaphore(%arg13 : memref<!tpu.dma_semaphore, #tpu.memory_space<semaphore_mem>>)
      %add3A_527 = arith.constant 1280 : i32
      %add3A_528 = arith.addi %multiple_of3A, %add3A_527 : i32
      %multiple_of3A_529 = tpu.assume_multiple %add3A_528, 8 : i32
      %dma_wait3A_530 = arith.constant 0 : i32
      %dma_wait3A_531 = arith.constant 0 : i32
      %dma_wait3A_532 = tpu.memref_slice %arg9[%dma_wait3A_530, %dma_wait3A_531] : memref<128x128xf32, #tpu.memory_space<vmem>> -> memref<128x128xf32, #tpu.memory_space<vmem>>
      %dma_wait3A_533 = arith.constant 0 : i32
      %dma_wait3A_534 = tpu.memref_slice %arg4[%multiple_of3A_529, %dma_wait3A_533] : memref<100000x128xf32, #tpu.memory_space<hbm>> -> memref<128x128xf32, #tpu.memory_space<hbm>>
      %dma_wait3A_535 = arith.constant 0 : i32
      %dma_wait3A_536 = tpu.memref_slice %arg4[%multiple_of3A_529, %dma_wait3A_535] : memref<100000x128xf32, #tpu.memory_space<hbm>> -> memref<128x128xf32, #tpu.memory_space<hbm>>
      %dma_wait3A_537 = arith.constant 0 : i32
      %dma_wait3A_538 = arith.constant 0 : i32
      %dma_wait3A_539 = tpu.memref_slice %arg9[%dma_wait3A_537, %dma_wait3A_538] : memref<128x128xf32, #tpu.memory_space<vmem>> -> memref<128x128xf32, #tpu.memory_space<vmem>>
      tpu.wait_dma2 semaphore(%arg13 : memref<!tpu.dma_semaphore, #tpu.memory_space<semaphore_mem>>) src(%dma_wait3A_539 : memref<128x128xf32, #tpu.memory_space<vmem>>) dst(%dma_wait3A_536 : memref<128x128xf32, #tpu.memory_space<hbm>>)
      %dma_start3A_540 = arith.constant 0 : i32
      %dma_start3A_541 = arith.constant 0 : i32
      %dma_start3A_542 = tpu.memref_slice %arg9[%dma_start3A_540, %dma_start3A_541] : memref<128x128xf32, #tpu.memory_space<vmem>> -> memref<128x128xf32, #tpu.memory_space<vmem>>
      %dma_start3A_543 = arith.constant 1792 : i32
      %dma_start3A_544 = tpu.memref_slice %arg5[%dma_start3A_543] : memref<3128xi32, #tpu.memory_space<vmem>> -> memref<128xi32, #tpu.memory_space<vmem>>
      %dma_start3A_545 = arith.constant 0 : i32
      %dma_start3A_546 = arith.constant 0 : i32
      %dma_start3A_547 = tpu.memref_slice %arg6[%dma_start3A_545, %dma_start3A_546] : memref<95x128xf32, #tpu.memory_space<vmem_shared>> -> memref<95x128xf32, #tpu.memory_space<vmem_shared>>
      tpu.enqueue_indirect_dma source(%dma_start3A_547 : memref<95x128xf32, #tpu.memory_space<vmem_shared>>) target(%dma_start3A_542 : memref<128x128xf32, #tpu.memory_space<vmem>>) offsets(%dma_start3A_544 : memref<128xi32, #tpu.memory_space<vmem>>) semaphore(%arg11 : memref<!tpu.dma_semaphore, #tpu.memory_space<semaphore_mem>>)
      %dma_wait3A_548 = arith.constant 0 : i32
      %dma_wait3A_549 = arith.constant 0 : i32
      %dma_wait3A_550 = tpu.memref_slice %arg8[%dma_wait3A_548, %dma_wait3A_549] : memref<128x128xf32, #tpu.memory_space<vmem>> -> memref<128x128xf32, #tpu.memory_space<vmem>>
      %dma_wait3A_551 = arith.constant 1664 : i32
      %dma_wait3A_552 = tpu.memref_slice %arg5[%dma_wait3A_551] : memref<3128xi32, #tpu.memory_space<vmem>> -> memref<128xi32, #tpu.memory_space<vmem>>
      %dma_wait3A_553 = arith.constant 0 : i32
      %dma_wait3A_554 = arith.constant 0 : i32
      %dma_wait3A_555 = tpu.memref_slice %arg6[%dma_wait3A_553, %dma_wait3A_554] : memref<95x128xf32, #tpu.memory_space<vmem_shared>> -> memref<95x128xf32, #tpu.memory_space<vmem_shared>>
      tpu.wait_indirect_dma semaphore(%arg11 : memref<!tpu.dma_semaphore, #tpu.memory_space<semaphore_mem>>) src(%dma_wait3A_555 : memref<95x128xf32, #tpu.memory_space<vmem_shared>>) dst(%dma_wait3A_550 : memref<128x128xf32, #tpu.memory_space<vmem>>)
      %add3A_556 = arith.constant 1664 : i32
      %add3A_557 = arith.addi %multiple_of3A, %add3A_556 : i32
      %multiple_of3A_558 = tpu.assume_multiple %add3A_557, 8 : i32
      %dma_start3A_559 = arith.constant 0 : i32
      %dma_start3A_560 = arith.constant 0 : i32
      %dma_start3A_561 = tpu.memref_slice %arg8[%dma_start3A_559, %dma_start3A_560] : memref<128x128xf32, #tpu.memory_space<vmem>> -> memref<128x128xf32, #tpu.memory_space<vmem>>
      %dma_start3A_562 = arith.constant 0 : i32
      %dma_start3A_563 = tpu.memref_slice %arg4[%multiple_of3A_558, %dma_start3A_562] : memref<100000x128xf32, #tpu.memory_space<hbm>> -> memref<128x128xf32, #tpu.memory_space<hbm>>
      %dma_start3A_564 = arith.constant 0 : i32
      %dma_start3A_565 = tpu.memref_slice %arg4[%multiple_of3A_558, %dma_start3A_564] : memref<100000x128xf32, #tpu.memory_space<hbm>> -> memref<128x128xf32, #tpu.memory_space<hbm>>
      %dma_start3A_566 = arith.constant 0 : i32
      %dma_start3A_567 = arith.constant 0 : i32
      %dma_start3A_568 = tpu.memref_slice %arg8[%dma_start3A_566, %dma_start3A_567] : memref<128x128xf32, #tpu.memory_space<vmem>> -> memref<128x128xf32, #tpu.memory_space<vmem>>
      tpu.enqueue_dma source(%dma_start3A_568 : memref<128x128xf32, #tpu.memory_space<vmem>>) target(%dma_start3A_565 : memref<128x128xf32, #tpu.memory_space<hbm>>) target_semaphore(%arg13 : memref<!tpu.dma_semaphore, #tpu.memory_space<semaphore_mem>>)
      %add3A_569 = arith.constant 1408 : i32
      %add3A_570 = arith.addi %multiple_of3A, %add3A_569 : i32
      %multiple_of3A_571 = tpu.assume_multiple %add3A_570, 8 : i32
      %dma_wait3A_572 = arith.constant 0 : i32
      %dma_wait3A_573 = arith.constant 0 : i32
      %dma_wait3A_574 = tpu.memref_slice %arg10[%dma_wait3A_572, %dma_wait3A_573] : memref<128x128xf32, #tpu.memory_space<vmem>> -> memref<128x128xf32, #tpu.memory_space<vmem>>
      %dma_wait3A_575 = arith.constant 0 : i32
      %dma_wait3A_576 = tpu.memref_slice %arg4[%multiple_of3A_571, %dma_wait3A_575] : memref<100000x128xf32, #tpu.memory_space<hbm>> -> memref<128x128xf32, #tpu.memory_space<hbm>>
      %dma_wait3A_577 = arith.constant 0 : i32
      %dma_wait3A_578 = tpu.memref_slice %arg4[%multiple_of3A_571, %dma_wait3A_577] : memref<100000x128xf32, #tpu.memory_space<hbm>> -> memref<128x128xf32, #tpu.memory_space<hbm>>
      %dma_wait3A_579 = arith.constant 0 : i32
      %dma_wait3A_580 = arith.constant 0 : i32
      %dma_wait3A_581 = tpu.memref_slice %arg10[%dma_wait3A_579, %dma_wait3A_580] : memref<128x128xf32, #tpu.memory_space<vmem>> -> memref<128x128xf32, #tpu.memory_space<vmem>>
      tpu.wait_dma2 semaphore(%arg13 : memref<!tpu.dma_semaphore, #tpu.memory_space<semaphore_mem>>) src(%dma_wait3A_581 : memref<128x128xf32, #tpu.memory_space<vmem>>) dst(%dma_wait3A_578 : memref<128x128xf32, #tpu.memory_space<hbm>>)
      %dma_start3A_582 = arith.constant 0 : i32
      %dma_start3A_583 = arith.constant 0 : i32
      %dma_start3A_584 = tpu.memref_slice %arg10[%dma_start3A_582, %dma_start3A_583] : memref<128x128xf32, #tpu.memory_space<vmem>> -> memref<128x128xf32, #tpu.memory_space<vmem>>
      %dma_start3A_585 = arith.constant 1920 : i32
      %dma_start3A_586 = tpu.memref_slice %arg5[%dma_start3A_585] : memref<3128xi32, #tpu.memory_space<vmem>> -> memref<128xi32, #tpu.memory_space<vmem>>
      %dma_start3A_587 = arith.constant 0 : i32
      %dma_start3A_588 = arith.constant 0 : i32
      %dma_start3A_589 = tpu.memref_slice %arg6[%dma_start3A_587, %dma_start3A_588] : memref<95x128xf32, #tpu.memory_space<vmem_shared>> -> memref<95x128xf32, #tpu.memory_space<vmem_shared>>
      tpu.enqueue_indirect_dma source(%dma_start3A_589 : memref<95x128xf32, #tpu.memory_space<vmem_shared>>) target(%dma_start3A_584 : memref<128x128xf32, #tpu.memory_space<vmem>>) offsets(%dma_start3A_586 : memref<128xi32, #tpu.memory_space<vmem>>) semaphore(%arg11 : memref<!tpu.dma_semaphore, #tpu.memory_space<semaphore_mem>>)
      %dma_wait3A_590 = arith.constant 0 : i32
      %dma_wait3A_591 = arith.constant 0 : i32
      %dma_wait3A_592 = tpu.memref_slice %arg9[%dma_wait3A_590, %dma_wait3A_591] : memref<128x128xf32, #tpu.memory_space<vmem>> -> memref<128x128xf32, #tpu.memory_space<vmem>>
      %dma_wait3A_593 = arith.constant 1792 : i32
      %dma_wait3A_594 = tpu.memref_slice %arg5[%dma_wait3A_593] : memref<3128xi32, #tpu.memory_space<vmem>> -> memref<128xi32, #tpu.memory_space<vmem>>
      %dma_wait3A_595 = arith.constant 0 : i32
      %dma_wait3A_596 = arith.constant 0 : i32
      %dma_wait3A_597 = tpu.memref_slice %arg6[%dma_wait3A_595, %dma_wait3A_596] : memref<95x128xf32, #tpu.memory_space<vmem_shared>> -> memref<95x128xf32, #tpu.memory_space<vmem_shared>>
      tpu.wait_indirect_dma semaphore(%arg11 : memref<!tpu.dma_semaphore, #tpu.memory_space<semaphore_mem>>) src(%dma_wait3A_597 : memref<95x128xf32, #tpu.memory_space<vmem_shared>>) dst(%dma_wait3A_592 : memref<128x128xf32, #tpu.memory_space<vmem>>)
      %add3A_598 = arith.constant 1792 : i32
      %add3A_599 = arith.addi %multiple_of3A, %add3A_598 : i32
      %multiple_of3A_600 = tpu.assume_multiple %add3A_599, 8 : i32
      %dma_start3A_601 = arith.constant 0 : i32
      %dma_start3A_602 = arith.constant 0 : i32
      %dma_start3A_603 = tpu.memref_slice %arg9[%dma_start3A_601, %dma_start3A_602] : memref<128x128xf32, #tpu.memory_space<vmem>> -> memref<128x128xf32, #tpu.memory_space<vmem>>
      %dma_start3A_604 = arith.constant 0 : i32
      %dma_start3A_605 = tpu.memref_slice %arg4[%multiple_of3A_600, %dma_start3A_604] : memref<100000x128xf32, #tpu.memory_space<hbm>> -> memref<128x128xf32, #tpu.memory_space<hbm>>
      %dma_start3A_606 = arith.constant 0 : i32
      %dma_start3A_607 = tpu.memref_slice %arg4[%multiple_of3A_600, %dma_start3A_606] : memref<100000x128xf32, #tpu.memory_space<hbm>> -> memref<128x128xf32, #tpu.memory_space<hbm>>
      %dma_start3A_608 = arith.constant 0 : i32
      %dma_start3A_609 = arith.constant 0 : i32
      %dma_start3A_610 = tpu.memref_slice %arg9[%dma_start3A_608, %dma_start3A_609] : memref<128x128xf32, #tpu.memory_space<vmem>> -> memref<128x128xf32, #tpu.memory_space<vmem>>
      tpu.enqueue_dma source(%dma_start3A_610 : memref<128x128xf32, #tpu.memory_space<vmem>>) target(%dma_start3A_607 : memref<128x128xf32, #tpu.memory_space<hbm>>) target_semaphore(%arg13 : memref<!tpu.dma_semaphore, #tpu.memory_space<semaphore_mem>>)
      %add3A_611 = arith.constant 1536 : i32
      %add3A_612 = arith.addi %multiple_of3A, %add3A_611 : i32
      %multiple_of3A_613 = tpu.assume_multiple %add3A_612, 8 : i32
      %dma_wait3A_614 = arith.constant 0 : i32
      %dma_wait3A_615 = arith.constant 0 : i32
      %dma_wait3A_616 = tpu.memref_slice %arg7[%dma_wait3A_614, %dma_wait3A_615] : memref<128x128xf32, #tpu.memory_space<vmem>> -> memref<128x128xf32, #tpu.memory_space<vmem>>
      %dma_wait3A_617 = arith.constant 0 : i32
      %dma_wait3A_618 = tpu.memref_slice %arg4[%multiple_of3A_613, %dma_wait3A_617] : memref<100000x128xf32, #tpu.memory_space<hbm>> -> memref<128x128xf32, #tpu.memory_space<hbm>>
      %dma_wait3A_619 = arith.constant 0 : i32
      %dma_wait3A_620 = tpu.memref_slice %arg4[%multiple_of3A_613, %dma_wait3A_619] : memref<100000x128xf32, #tpu.memory_space<hbm>> -> memref<128x128xf32, #tpu.memory_space<hbm>>
      %dma_wait3A_621 = arith.constant 0 : i32
      %dma_wait3A_622 = arith.constant 0 : i32
      %dma_wait3A_623 = tpu.memref_slice %arg7[%dma_wait3A_621, %dma_wait3A_622] : memref<128x128xf32, #tpu.memory_space<vmem>> -> memref<128x128xf32, #tpu.memory_space<vmem>>
      tpu.wait_dma2 semaphore(%arg13 : memref<!tpu.dma_semaphore, #tpu.memory_space<semaphore_mem>>) src(%dma_wait3A_623 : memref<128x128xf32, #tpu.memory_space<vmem>>) dst(%dma_wait3A_620 : memref<128x128xf32, #tpu.memory_space<hbm>>)
      %dma_start3A_624 = arith.constant 0 : i32
      %dma_start3A_625 = arith.constant 0 : i32
      %dma_start3A_626 = tpu.memref_slice %arg7[%dma_start3A_624, %dma_start3A_625] : memref<128x128xf32, #tpu.memory_space<vmem>> -> memref<128x128xf32, #tpu.memory_space<vmem>>
      %dma_start3A_627 = arith.constant 2048 : i32
      %dma_start3A_628 = tpu.memref_slice %arg5[%dma_start3A_627] : memref<3128xi32, #tpu.memory_space<vmem>> -> memref<128xi32, #tpu.memory_space<vmem>>
      %dma_start3A_629 = arith.constant 0 : i32
      %dma_start3A_630 = arith.constant 0 : i32
      %dma_start3A_631 = tpu.memref_slice %arg6[%dma_start3A_629, %dma_start3A_630] : memref<95x128xf32, #tpu.memory_space<vmem_shared>> -> memref<95x128xf32, #tpu.memory_space<vmem_shared>>
      tpu.enqueue_indirect_dma source(%dma_start3A_631 : memref<95x128xf32, #tpu.memory_space<vmem_shared>>) target(%dma_start3A_626 : memref<128x128xf32, #tpu.memory_space<vmem>>) offsets(%dma_start3A_628 : memref<128xi32, #tpu.memory_space<vmem>>) semaphore(%arg11 : memref<!tpu.dma_semaphore, #tpu.memory_space<semaphore_mem>>)
      %dma_wait3A_632 = arith.constant 0 : i32
      %dma_wait3A_633 = arith.constant 0 : i32
      %dma_wait3A_634 = tpu.memref_slice %arg10[%dma_wait3A_632, %dma_wait3A_633] : memref<128x128xf32, #tpu.memory_space<vmem>> -> memref<128x128xf32, #tpu.memory_space<vmem>>
      %dma_wait3A_635 = arith.constant 1920 : i32
      %dma_wait3A_636 = tpu.memref_slice %arg5[%dma_wait3A_635] : memref<3128xi32, #tpu.memory_space<vmem>> -> memref<128xi32, #tpu.memory_space<vmem>>
      %dma_wait3A_637 = arith.constant 0 : i32
      %dma_wait3A_638 = arith.constant 0 : i32
      %dma_wait3A_639 = tpu.memref_slice %arg6[%dma_wait3A_637, %dma_wait3A_638] : memref<95x128xf32, #tpu.memory_space<vmem_shared>> -> memref<95x128xf32, #tpu.memory_space<vmem_shared>>
      tpu.wait_indirect_dma semaphore(%arg11 : memref<!tpu.dma_semaphore, #tpu.memory_space<semaphore_mem>>) src(%dma_wait3A_639 : memref<95x128xf32, #tpu.memory_space<vmem_shared>>) dst(%dma_wait3A_634 : memref<128x128xf32, #tpu.memory_space<vmem>>)
      %add3A_640 = arith.constant 1920 : i32
      %add3A_641 = arith.addi %multiple_of3A, %add3A_640 : i32
      %multiple_of3A_642 = tpu.assume_multiple %add3A_641, 8 : i32
      %dma_start3A_643 = arith.constant 0 : i32
      %dma_start3A_644 = arith.constant 0 : i32
      %dma_start3A_645 = tpu.memref_slice %arg10[%dma_start3A_643, %dma_start3A_644] : memref<128x128xf32, #tpu.memory_space<vmem>> -> memref<128x128xf32, #tpu.memory_space<vmem>>
      %dma_start3A_646 = arith.constant 0 : i32
      %dma_start3A_647 = tpu.memref_slice %arg4[%multiple_of3A_642, %dma_start3A_646] : memref<100000x128xf32, #tpu.memory_space<hbm>> -> memref<128x128xf32, #tpu.memory_space<hbm>>
      %dma_start3A_648 = arith.constant 0 : i32
      %dma_start3A_649 = tpu.memref_slice %arg4[%multiple_of3A_642, %dma_start3A_648] : memref<100000x128xf32, #tpu.memory_space<hbm>> -> memref<128x128xf32, #tpu.memory_space<hbm>>
      %dma_start3A_650 = arith.constant 0 : i32
      %dma_start3A_651 = arith.constant 0 : i32
      %dma_start3A_652 = tpu.memref_slice %arg10[%dma_start3A_650, %dma_start3A_651] : memref<128x128xf32, #tpu.memory_space<vmem>> -> memref<128x128xf32, #tpu.memory_space<vmem>>
      tpu.enqueue_dma source(%dma_start3A_652 : memref<128x128xf32, #tpu.memory_space<vmem>>) target(%dma_start3A_649 : memref<128x128xf32, #tpu.memory_space<hbm>>) target_semaphore(%arg13 : memref<!tpu.dma_semaphore, #tpu.memory_space<semaphore_mem>>)
      %add3A_653 = arith.constant 1664 : i32
      %add3A_654 = arith.addi %multiple_of3A, %add3A_653 : i32
      %multiple_of3A_655 = tpu.assume_multiple %add3A_654, 8 : i32
      %dma_wait3A_656 = arith.constant 0 : i32
      %dma_wait3A_657 = arith.constant 0 : i32
      %dma_wait3A_658 = tpu.memref_slice %arg8[%dma_wait3A_656, %dma_wait3A_657] : memref<128x128xf32, #tpu.memory_space<vmem>> -> memref<128x128xf32, #tpu.memory_space<vmem>>
      %dma_wait3A_659 = arith.constant 0 : i32
      %dma_wait3A_660 = tpu.memref_slice %arg4[%multiple_of3A_655, %dma_wait3A_659] : memref<100000x128xf32, #tpu.memory_space<hbm>> -> memref<128x128xf32, #tpu.memory_space<hbm>>
      %dma_wait3A_661 = arith.constant 0 : i32
      %dma_wait3A_662 = tpu.memref_slice %arg4[%multiple_of3A_655, %dma_wait3A_661] : memref<100000x128xf32, #tpu.memory_space<hbm>> -> memref<128x128xf32, #tpu.memory_space<hbm>>
      %dma_wait3A_663 = arith.constant 0 : i32
      %dma_wait3A_664 = arith.constant 0 : i32
      %dma_wait3A_665 = tpu.memref_slice %arg8[%dma_wait3A_663, %dma_wait3A_664] : memref<128x128xf32, #tpu.memory_space<vmem>> -> memref<128x128xf32, #tpu.memory_space<vmem>>
      tpu.wait_dma2 semaphore(%arg13 : memref<!tpu.dma_semaphore, #tpu.memory_space<semaphore_mem>>) src(%dma_wait3A_665 : memref<128x128xf32, #tpu.memory_space<vmem>>) dst(%dma_wait3A_662 : memref<128x128xf32, #tpu.memory_space<hbm>>)
      %dma_start3A_666 = arith.constant 0 : i32
      %dma_start3A_667 = arith.constant 0 : i32
      %dma_start3A_668 = tpu.memref_slice %arg8[%dma_start3A_666, %dma_start3A_667] : memref<128x128xf32, #tpu.memory_space<vmem>> -> memref<128x128xf32, #tpu.memory_space<vmem>>
      %dma_start3A_669 = arith.constant 2176 : i32
      %dma_start3A_670 = tpu.memref_slice %arg5[%dma_start3A_669] : memref<3128xi32, #tpu.memory_space<vmem>> -> memref<128xi32, #tpu.memory_space<vmem>>
      %dma_start3A_671 = arith.constant 0 : i32
      %dma_start3A_672 = arith.constant 0 : i32
      %dma_start3A_673 = tpu.memref_slice %arg6[%dma_start3A_671, %dma_start3A_672] : memref<95x128xf32, #tpu.memory_space<vmem_shared>> -> memref<95x128xf32, #tpu.memory_space<vmem_shared>>
      tpu.enqueue_indirect_dma source(%dma_start3A_673 : memref<95x128xf32, #tpu.memory_space<vmem_shared>>) target(%dma_start3A_668 : memref<128x128xf32, #tpu.memory_space<vmem>>) offsets(%dma_start3A_670 : memref<128xi32, #tpu.memory_space<vmem>>) semaphore(%arg11 : memref<!tpu.dma_semaphore, #tpu.memory_space<semaphore_mem>>)
      %dma_wait3A_674 = arith.constant 0 : i32
      %dma_wait3A_675 = arith.constant 0 : i32
      %dma_wait3A_676 = tpu.memref_slice %arg7[%dma_wait3A_674, %dma_wait3A_675] : memref<128x128xf32, #tpu.memory_space<vmem>> -> memref<128x128xf32, #tpu.memory_space<vmem>>
      %dma_wait3A_677 = arith.constant 2048 : i32
      %dma_wait3A_678 = tpu.memref_slice %arg5[%dma_wait3A_677] : memref<3128xi32, #tpu.memory_space<vmem>> -> memref<128xi32, #tpu.memory_space<vmem>>
      %dma_wait3A_679 = arith.constant 0 : i32
      %dma_wait3A_680 = arith.constant 0 : i32
      %dma_wait3A_681 = tpu.memref_slice %arg6[%dma_wait3A_679, %dma_wait3A_680] : memref<95x128xf32, #tpu.memory_space<vmem_shared>> -> memref<95x128xf32, #tpu.memory_space<vmem_shared>>
      tpu.wait_indirect_dma semaphore(%arg11 : memref<!tpu.dma_semaphore, #tpu.memory_space<semaphore_mem>>) src(%dma_wait3A_681 : memref<95x128xf32, #tpu.memory_space<vmem_shared>>) dst(%dma_wait3A_676 : memref<128x128xf32, #tpu.memory_space<vmem>>)
      %add3A_682 = arith.constant 2048 : i32
      %add3A_683 = arith.addi %multiple_of3A, %add3A_682 : i32
      %multiple_of3A_684 = tpu.assume_multiple %add3A_683, 8 : i32
      %dma_start3A_685 = arith.constant 0 : i32
      %dma_start3A_686 = arith.constant 0 : i32
      %dma_start3A_687 = tpu.memref_slice %arg7[%dma_start3A_685, %dma_start3A_686] : memref<128x128xf32, #tpu.memory_space<vmem>> -> memref<128x128xf32, #tpu.memory_space<vmem>>
      %dma_start3A_688 = arith.constant 0 : i32
      %dma_start3A_689 = tpu.memref_slice %arg4[%multiple_of3A_684, %dma_start3A_688] : memref<100000x128xf32, #tpu.memory_space<hbm>> -> memref<128x128xf32, #tpu.memory_space<hbm>>
      %dma_start3A_690 = arith.constant 0 : i32
      %dma_start3A_691 = tpu.memref_slice %arg4[%multiple_of3A_684, %dma_start3A_690] : memref<100000x128xf32, #tpu.memory_space<hbm>> -> memref<128x128xf32, #tpu.memory_space<hbm>>
      %dma_start3A_692 = arith.constant 0 : i32
      %dma_start3A_693 = arith.constant 0 : i32
      %dma_start3A_694 = tpu.memref_slice %arg7[%dma_start3A_692, %dma_start3A_693] : memref<128x128xf32, #tpu.memory_space<vmem>> -> memref<128x128xf32, #tpu.memory_space<vmem>>
      tpu.enqueue_dma source(%dma_start3A_694 : memref<128x128xf32, #tpu.memory_space<vmem>>) target(%dma_start3A_691 : memref<128x128xf32, #tpu.memory_space<hbm>>) target_semaphore(%arg13 : memref<!tpu.dma_semaphore, #tpu.memory_space<semaphore_mem>>)
      %add3A_695 = arith.constant 1792 : i32
      %add3A_696 = arith.addi %multiple_of3A, %add3A_695 : i32
      %multiple_of3A_697 = tpu.assume_multiple %add3A_696, 8 : i32
      %dma_wait3A_698 = arith.constant 0 : i32
      %dma_wait3A_699 = arith.constant 0 : i32
      %dma_wait3A_700 = tpu.memref_slice %arg9[%dma_wait3A_698, %dma_wait3A_699] : memref<128x128xf32, #tpu.memory_space<vmem>> -> memref<128x128xf32, #tpu.memory_space<vmem>>
      %dma_wait3A_701 = arith.constant 0 : i32
      %dma_wait3A_702 = tpu.memref_slice %arg4[%multiple_of3A_697, %dma_wait3A_701] : memref<100000x128xf32, #tpu.memory_space<hbm>> -> memref<128x128xf32, #tpu.memory_space<hbm>>
      %dma_wait3A_703 = arith.constant 0 : i32
      %dma_wait3A_704 = tpu.memref_slice %arg4[%multiple_of3A_697, %dma_wait3A_703] : memref<100000x128xf32, #tpu.memory_space<hbm>> -> memref<128x128xf32, #tpu.memory_space<hbm>>
      %dma_wait3A_705 = arith.constant 0 : i32
      %dma_wait3A_706 = arith.constant 0 : i32
      %dma_wait3A_707 = tpu.memref_slice %arg9[%dma_wait3A_705, %dma_wait3A_706] : memref<128x128xf32, #tpu.memory_space<vmem>> -> memref<128x128xf32, #tpu.memory_space<vmem>>
      tpu.wait_dma2 semaphore(%arg13 : memref<!tpu.dma_semaphore, #tpu.memory_space<semaphore_mem>>) src(%dma_wait3A_707 : memref<128x128xf32, #tpu.memory_space<vmem>>) dst(%dma_wait3A_704 : memref<128x128xf32, #tpu.memory_space<hbm>>)
      %dma_start3A_708 = arith.constant 0 : i32
      %dma_start3A_709 = arith.constant 0 : i32
      %dma_start3A_710 = tpu.memref_slice %arg9[%dma_start3A_708, %dma_start3A_709] : memref<128x128xf32, #tpu.memory_space<vmem>> -> memref<128x128xf32, #tpu.memory_space<vmem>>
      %dma_start3A_711 = arith.constant 2304 : i32
      %dma_start3A_712 = tpu.memref_slice %arg5[%dma_start3A_711] : memref<3128xi32, #tpu.memory_space<vmem>> -> memref<128xi32, #tpu.memory_space<vmem>>
      %dma_start3A_713 = arith.constant 0 : i32
      %dma_start3A_714 = arith.constant 0 : i32
      %dma_start3A_715 = tpu.memref_slice %arg6[%dma_start3A_713, %dma_start3A_714] : memref<95x128xf32, #tpu.memory_space<vmem_shared>> -> memref<95x128xf32, #tpu.memory_space<vmem_shared>>
      tpu.enqueue_indirect_dma source(%dma_start3A_715 : memref<95x128xf32, #tpu.memory_space<vmem_shared>>) target(%dma_start3A_710 : memref<128x128xf32, #tpu.memory_space<vmem>>) offsets(%dma_start3A_712 : memref<128xi32, #tpu.memory_space<vmem>>) semaphore(%arg11 : memref<!tpu.dma_semaphore, #tpu.memory_space<semaphore_mem>>)
      %dma_wait3A_716 = arith.constant 0 : i32
      %dma_wait3A_717 = arith.constant 0 : i32
      %dma_wait3A_718 = tpu.memref_slice %arg8[%dma_wait3A_716, %dma_wait3A_717] : memref<128x128xf32, #tpu.memory_space<vmem>> -> memref<128x128xf32, #tpu.memory_space<vmem>>
      %dma_wait3A_719 = arith.constant 2176 : i32
      %dma_wait3A_720 = tpu.memref_slice %arg5[%dma_wait3A_719] : memref<3128xi32, #tpu.memory_space<vmem>> -> memref<128xi32, #tpu.memory_space<vmem>>
      %dma_wait3A_721 = arith.constant 0 : i32
      %dma_wait3A_722 = arith.constant 0 : i32
      %dma_wait3A_723 = tpu.memref_slice %arg6[%dma_wait3A_721, %dma_wait3A_722] : memref<95x128xf32, #tpu.memory_space<vmem_shared>> -> memref<95x128xf32, #tpu.memory_space<vmem_shared>>
      tpu.wait_indirect_dma semaphore(%arg11 : memref<!tpu.dma_semaphore, #tpu.memory_space<semaphore_mem>>) src(%dma_wait3A_723 : memref<95x128xf32, #tpu.memory_space<vmem_shared>>) dst(%dma_wait3A_718 : memref<128x128xf32, #tpu.memory_space<vmem>>)
      %add3A_724 = arith.constant 2176 : i32
      %add3A_725 = arith.addi %multiple_of3A, %add3A_724 : i32
      %multiple_of3A_726 = tpu.assume_multiple %add3A_725, 8 : i32
      %dma_start3A_727 = arith.constant 0 : i32
      %dma_start3A_728 = arith.constant 0 : i32
      %dma_start3A_729 = tpu.memref_slice %arg8[%dma_start3A_727, %dma_start3A_728] : memref<128x128xf32, #tpu.memory_space<vmem>> -> memref<128x128xf32, #tpu.memory_space<vmem>>
      %dma_start3A_730 = arith.constant 0 : i32
      %dma_start3A_731 = tpu.memref_slice %arg4[%multiple_of3A_726, %dma_start3A_730] : memref<100000x128xf32, #tpu.memory_space<hbm>> -> memref<128x128xf32, #tpu.memory_space<hbm>>
      %dma_start3A_732 = arith.constant 0 : i32
      %dma_start3A_733 = tpu.memref_slice %arg4[%multiple_of3A_726, %dma_start3A_732] : memref<100000x128xf32, #tpu.memory_space<hbm>> -> memref<128x128xf32, #tpu.memory_space<hbm>>
      %dma_start3A_734 = arith.constant 0 : i32
      %dma_start3A_735 = arith.constant 0 : i32
      %dma_start3A_736 = tpu.memref_slice %arg8[%dma_start3A_734, %dma_start3A_735] : memref<128x128xf32, #tpu.memory_space<vmem>> -> memref<128x128xf32, #tpu.memory_space<vmem>>
      tpu.enqueue_dma source(%dma_start3A_736 : memref<128x128xf32, #tpu.memory_space<vmem>>) target(%dma_start3A_733 : memref<128x128xf32, #tpu.memory_space<hbm>>) target_semaphore(%arg13 : memref<!tpu.dma_semaphore, #tpu.memory_space<semaphore_mem>>)
      %add3A_737 = arith.constant 1920 : i32
      %add3A_738 = arith.addi %multiple_of3A, %add3A_737 : i32
      %multiple_of3A_739 = tpu.assume_multiple %add3A_738, 8 : i32
      %dma_wait3A_740 = arith.constant 0 : i32
      %dma_wait3A_741 = arith.constant 0 : i32
      %dma_wait3A_742 = tpu.memref_slice %arg10[%dma_wait3A_740, %dma_wait3A_741] : memref<128x128xf32, #tpu.memory_space<vmem>> -> memref<128x128xf32, #tpu.memory_space<vmem>>
      %dma_wait3A_743 = arith.constant 0 : i32
      %dma_wait3A_744 = tpu.memref_slice %arg4[%multiple_of3A_739, %dma_wait3A_743] : memref<100000x128xf32, #tpu.memory_space<hbm>> -> memref<128x128xf32, #tpu.memory_space<hbm>>
      %dma_wait3A_745 = arith.constant 0 : i32
      %dma_wait3A_746 = tpu.memref_slice %arg4[%multiple_of3A_739, %dma_wait3A_745] : memref<100000x128xf32, #tpu.memory_space<hbm>> -> memref<128x128xf32, #tpu.memory_space<hbm>>
      %dma_wait3A_747 = arith.constant 0 : i32
      %dma_wait3A_748 = arith.constant 0 : i32
      %dma_wait3A_749 = tpu.memref_slice %arg10[%dma_wait3A_747, %dma_wait3A_748] : memref<128x128xf32, #tpu.memory_space<vmem>> -> memref<128x128xf32, #tpu.memory_space<vmem>>
      tpu.wait_dma2 semaphore(%arg13 : memref<!tpu.dma_semaphore, #tpu.memory_space<semaphore_mem>>) src(%dma_wait3A_749 : memref<128x128xf32, #tpu.memory_space<vmem>>) dst(%dma_wait3A_746 : memref<128x128xf32, #tpu.memory_space<hbm>>)
      %dma_start3A_750 = arith.constant 0 : i32
      %dma_start3A_751 = arith.constant 0 : i32
      %dma_start3A_752 = tpu.memref_slice %arg10[%dma_start3A_750, %dma_start3A_751] : memref<128x128xf32, #tpu.memory_space<vmem>> -> memref<128x128xf32, #tpu.memory_space<vmem>>
      %dma_start3A_753 = arith.constant 2432 : i32
      %dma_start3A_754 = tpu.memref_slice %arg5[%dma_start3A_753] : memref<3128xi32, #tpu.memory_space<vmem>> -> memref<128xi32, #tpu.memory_space<vmem>>
      %dma_start3A_755 = arith.constant 0 : i32
      %dma_start3A_756 = arith.constant 0 : i32
      %dma_start3A_757 = tpu.memref_slice %arg6[%dma_start3A_755, %dma_start3A_756] : memref<95x128xf32, #tpu.memory_space<vmem_shared>> -> memref<95x128xf32, #tpu.memory_space<vmem_shared>>
      tpu.enqueue_indirect_dma source(%dma_start3A_757 : memref<95x128xf32, #tpu.memory_space<vmem_shared>>) target(%dma_start3A_752 : memref<128x128xf32, #tpu.memory_space<vmem>>) offsets(%dma_start3A_754 : memref<128xi32, #tpu.memory_space<vmem>>) semaphore(%arg11 : memref<!tpu.dma_semaphore, #tpu.memory_space<semaphore_mem>>)
      %dma_wait3A_758 = arith.constant 0 : i32
      %dma_wait3A_759 = arith.constant 0 : i32
      %dma_wait3A_760 = tpu.memref_slice %arg9[%dma_wait3A_758, %dma_wait3A_759] : memref<128x128xf32, #tpu.memory_space<vmem>> -> memref<128x128xf32, #tpu.memory_space<vmem>>
      %dma_wait3A_761 = arith.constant 2304 : i32
      %dma_wait3A_762 = tpu.memref_slice %arg5[%dma_wait3A_761] : memref<3128xi32, #tpu.memory_space<vmem>> -> memref<128xi32, #tpu.memory_space<vmem>>
      %dma_wait3A_763 = arith.constant 0 : i32
      %dma_wait3A_764 = arith.constant 0 : i32
      %dma_wait3A_765 = tpu.memref_slice %arg6[%dma_wait3A_763, %dma_wait3A_764] : memref<95x128xf32, #tpu.memory_space<vmem_shared>> -> memref<95x128xf32, #tpu.memory_space<vmem_shared>>
      tpu.wait_indirect_dma semaphore(%arg11 : memref<!tpu.dma_semaphore, #tpu.memory_space<semaphore_mem>>) src(%dma_wait3A_765 : memref<95x128xf32, #tpu.memory_space<vmem_shared>>) dst(%dma_wait3A_760 : memref<128x128xf32, #tpu.memory_space<vmem>>)
      %add3A_766 = arith.constant 2304 : i32
      %add3A_767 = arith.addi %multiple_of3A, %add3A_766 : i32
      %multiple_of3A_768 = tpu.assume_multiple %add3A_767, 8 : i32
      %dma_start3A_769 = arith.constant 0 : i32
      %dma_start3A_770 = arith.constant 0 : i32
      %dma_start3A_771 = tpu.memref_slice %arg9[%dma_start3A_769, %dma_start3A_770] : memref<128x128xf32, #tpu.memory_space<vmem>> -> memref<128x128xf32, #tpu.memory_space<vmem>>
      %dma_start3A_772 = arith.constant 0 : i32
      %dma_start3A_773 = tpu.memref_slice %arg4[%multiple_of3A_768, %dma_start3A_772] : memref<100000x128xf32, #tpu.memory_space<hbm>> -> memref<128x128xf32, #tpu.memory_space<hbm>>
      %dma_start3A_774 = arith.constant 0 : i32
      %dma_start3A_775 = tpu.memref_slice %arg4[%multiple_of3A_768, %dma_start3A_774] : memref<100000x128xf32, #tpu.memory_space<hbm>> -> memref<128x128xf32, #tpu.memory_space<hbm>>
      %dma_start3A_776 = arith.constant 0 : i32
      %dma_start3A_777 = arith.constant 0 : i32
      %dma_start3A_778 = tpu.memref_slice %arg9[%dma_start3A_776, %dma_start3A_777] : memref<128x128xf32, #tpu.memory_space<vmem>> -> memref<128x128xf32, #tpu.memory_space<vmem>>
      tpu.enqueue_dma source(%dma_start3A_778 : memref<128x128xf32, #tpu.memory_space<vmem>>) target(%dma_start3A_775 : memref<128x128xf32, #tpu.memory_space<hbm>>) target_semaphore(%arg13 : memref<!tpu.dma_semaphore, #tpu.memory_space<semaphore_mem>>)
      %add3A_779 = arith.constant 2048 : i32
      %add3A_780 = arith.addi %multiple_of3A, %add3A_779 : i32
      %multiple_of3A_781 = tpu.assume_multiple %add3A_780, 8 : i32
      %dma_wait3A_782 = arith.constant 0 : i32
      %dma_wait3A_783 = arith.constant 0 : i32
      %dma_wait3A_784 = tpu.memref_slice %arg7[%dma_wait3A_782, %dma_wait3A_783] : memref<128x128xf32, #tpu.memory_space<vmem>> -> memref<128x128xf32, #tpu.memory_space<vmem>>
      %dma_wait3A_785 = arith.constant 0 : i32
      %dma_wait3A_786 = tpu.memref_slice %arg4[%multiple_of3A_781, %dma_wait3A_785] : memref<100000x128xf32, #tpu.memory_space<hbm>> -> memref<128x128xf32, #tpu.memory_space<hbm>>
      %dma_wait3A_787 = arith.constant 0 : i32
      %dma_wait3A_788 = tpu.memref_slice %arg4[%multiple_of3A_781, %dma_wait3A_787] : memref<100000x128xf32, #tpu.memory_space<hbm>> -> memref<128x128xf32, #tpu.memory_space<hbm>>
      %dma_wait3A_789 = arith.constant 0 : i32
      %dma_wait3A_790 = arith.constant 0 : i32
      %dma_wait3A_791 = tpu.memref_slice %arg7[%dma_wait3A_789, %dma_wait3A_790] : memref<128x128xf32, #tpu.memory_space<vmem>> -> memref<128x128xf32, #tpu.memory_space<vmem>>
      tpu.wait_dma2 semaphore(%arg13 : memref<!tpu.dma_semaphore, #tpu.memory_space<semaphore_mem>>) src(%dma_wait3A_791 : memref<128x128xf32, #tpu.memory_space<vmem>>) dst(%dma_wait3A_788 : memref<128x128xf32, #tpu.memory_space<hbm>>)
      %dma_start3A_792 = arith.constant 0 : i32
      %dma_start3A_793 = arith.constant 0 : i32
      %dma_start3A_794 = tpu.memref_slice %arg7[%dma_start3A_792, %dma_start3A_793] : memref<128x128xf32, #tpu.memory_space<vmem>> -> memref<128x128xf32, #tpu.memory_space<vmem>>
      %dma_start3A_795 = arith.constant 2560 : i32
      %dma_start3A_796 = tpu.memref_slice %arg5[%dma_start3A_795] : memref<3128xi32, #tpu.memory_space<vmem>> -> memref<128xi32, #tpu.memory_space<vmem>>
      %dma_start3A_797 = arith.constant 0 : i32
      %dma_start3A_798 = arith.constant 0 : i32
      %dma_start3A_799 = tpu.memref_slice %arg6[%dma_start3A_797, %dma_start3A_798] : memref<95x128xf32, #tpu.memory_space<vmem_shared>> -> memref<95x128xf32, #tpu.memory_space<vmem_shared>>
      tpu.enqueue_indirect_dma source(%dma_start3A_799 : memref<95x128xf32, #tpu.memory_space<vmem_shared>>) target(%dma_start3A_794 : memref<128x128xf32, #tpu.memory_space<vmem>>) offsets(%dma_start3A_796 : memref<128xi32, #tpu.memory_space<vmem>>) semaphore(%arg11 : memref<!tpu.dma_semaphore, #tpu.memory_space<semaphore_mem>>)
      %dma_wait3A_800 = arith.constant 0 : i32
      %dma_wait3A_801 = arith.constant 0 : i32
      %dma_wait3A_802 = tpu.memref_slice %arg10[%dma_wait3A_800, %dma_wait3A_801] : memref<128x128xf32, #tpu.memory_space<vmem>> -> memref<128x128xf32, #tpu.memory_space<vmem>>
      %dma_wait3A_803 = arith.constant 2432 : i32
      %dma_wait3A_804 = tpu.memref_slice %arg5[%dma_wait3A_803] : memref<3128xi32, #tpu.memory_space<vmem>> -> memref<128xi32, #tpu.memory_space<vmem>>
      %dma_wait3A_805 = arith.constant 0 : i32
      %dma_wait3A_806 = arith.constant 0 : i32
      %dma_wait3A_807 = tpu.memref_slice %arg6[%dma_wait3A_805, %dma_wait3A_806] : memref<95x128xf32, #tpu.memory_space<vmem_shared>> -> memref<95x128xf32, #tpu.memory_space<vmem_shared>>
      tpu.wait_indirect_dma semaphore(%arg11 : memref<!tpu.dma_semaphore, #tpu.memory_space<semaphore_mem>>) src(%dma_wait3A_807 : memref<95x128xf32, #tpu.memory_space<vmem_shared>>) dst(%dma_wait3A_802 : memref<128x128xf32, #tpu.memory_space<vmem>>)
      %add3A_808 = arith.constant 2432 : i32
      %add3A_809 = arith.addi %multiple_of3A, %add3A_808 : i32
      %multiple_of3A_810 = tpu.assume_multiple %add3A_809, 8 : i32
      %dma_start3A_811 = arith.constant 0 : i32
      %dma_start3A_812 = arith.constant 0 : i32
      %dma_start3A_813 = tpu.memref_slice %arg10[%dma_start3A_811, %dma_start3A_812] : memref<128x128xf32, #tpu.memory_space<vmem>> -> memref<128x128xf32, #tpu.memory_space<vmem>>
      %dma_start3A_814 = arith.constant 0 : i32
      %dma_start3A_815 = tpu.memref_slice %arg4[%multiple_of3A_810, %dma_start3A_814] : memref<100000x128xf32, #tpu.memory_space<hbm>> -> memref<128x128xf32, #tpu.memory_space<hbm>>
      %dma_start3A_816 = arith.constant 0 : i32
      %dma_start3A_817 = tpu.memref_slice %arg4[%multiple_of3A_810, %dma_start3A_816] : memref<100000x128xf32, #tpu.memory_space<hbm>> -> memref<128x128xf32, #tpu.memory_space<hbm>>
      %dma_start3A_818 = arith.constant 0 : i32
      %dma_start3A_819 = arith.constant 0 : i32
      %dma_start3A_820 = tpu.memref_slice %arg10[%dma_start3A_818, %dma_start3A_819] : memref<128x128xf32, #tpu.memory_space<vmem>> -> memref<128x128xf32, #tpu.memory_space<vmem>>
      tpu.enqueue_dma source(%dma_start3A_820 : memref<128x128xf32, #tpu.memory_space<vmem>>) target(%dma_start3A_817 : memref<128x128xf32, #tpu.memory_space<hbm>>) target_semaphore(%arg13 : memref<!tpu.dma_semaphore, #tpu.memory_space<semaphore_mem>>)
      %add3A_821 = arith.constant 2176 : i32
      %add3A_822 = arith.addi %multiple_of3A, %add3A_821 : i32
      %multiple_of3A_823 = tpu.assume_multiple %add3A_822, 8 : i32
      %dma_wait3A_824 = arith.constant 0 : i32
      %dma_wait3A_825 = arith.constant 0 : i32
      %dma_wait3A_826 = tpu.memref_slice %arg8[%dma_wait3A_824, %dma_wait3A_825] : memref<128x128xf32, #tpu.memory_space<vmem>> -> memref<128x128xf32, #tpu.memory_space<vmem>>
      %dma_wait3A_827 = arith.constant 0 : i32
      %dma_wait3A_828 = tpu.memref_slice %arg4[%multiple_of3A_823, %dma_wait3A_827] : memref<100000x128xf32, #tpu.memory_space<hbm>> -> memref<128x128xf32, #tpu.memory_space<hbm>>
      %dma_wait3A_829 = arith.constant 0 : i32
      %dma_wait3A_830 = tpu.memref_slice %arg4[%multiple_of3A_823, %dma_wait3A_829] : memref<100000x128xf32, #tpu.memory_space<hbm>> -> memref<128x128xf32, #tpu.memory_space<hbm>>
      %dma_wait3A_831 = arith.constant 0 : i32
      %dma_wait3A_832 = arith.constant 0 : i32
      %dma_wait3A_833 = tpu.memref_slice %arg8[%dma_wait3A_831, %dma_wait3A_832] : memref<128x128xf32, #tpu.memory_space<vmem>> -> memref<128x128xf32, #tpu.memory_space<vmem>>
      tpu.wait_dma2 semaphore(%arg13 : memref<!tpu.dma_semaphore, #tpu.memory_space<semaphore_mem>>) src(%dma_wait3A_833 : memref<128x128xf32, #tpu.memory_space<vmem>>) dst(%dma_wait3A_830 : memref<128x128xf32, #tpu.memory_space<hbm>>)
      %dma_start3A_834 = arith.constant 0 : i32
      %dma_start3A_835 = arith.constant 0 : i32
      %dma_start3A_836 = tpu.memref_slice %arg8[%dma_start3A_834, %dma_start3A_835] : memref<128x128xf32, #tpu.memory_space<vmem>> -> memref<128x128xf32, #tpu.memory_space<vmem>>
      %dma_start3A_837 = arith.constant 2688 : i32
      %dma_start3A_838 = tpu.memref_slice %arg5[%dma_start3A_837] : memref<3128xi32, #tpu.memory_space<vmem>> -> memref<128xi32, #tpu.memory_space<vmem>>
      %dma_start3A_839 = arith.constant 0 : i32
      %dma_start3A_840 = arith.constant 0 : i32
      %dma_start3A_841 = tpu.memref_slice %arg6[%dma_start3A_839, %dma_start3A_840] : memref<95x128xf32, #tpu.memory_space<vmem_shared>> -> memref<95x128xf32, #tpu.memory_space<vmem_shared>>
      tpu.enqueue_indirect_dma source(%dma_start3A_841 : memref<95x128xf32, #tpu.memory_space<vmem_shared>>) target(%dma_start3A_836 : memref<128x128xf32, #tpu.memory_space<vmem>>) offsets(%dma_start3A_838 : memref<128xi32, #tpu.memory_space<vmem>>) semaphore(%arg11 : memref<!tpu.dma_semaphore, #tpu.memory_space<semaphore_mem>>)
      %dma_wait3A_842 = arith.constant 0 : i32
      %dma_wait3A_843 = arith.constant 0 : i32
      %dma_wait3A_844 = tpu.memref_slice %arg7[%dma_wait3A_842, %dma_wait3A_843] : memref<128x128xf32, #tpu.memory_space<vmem>> -> memref<128x128xf32, #tpu.memory_space<vmem>>
      %dma_wait3A_845 = arith.constant 2560 : i32
      %dma_wait3A_846 = tpu.memref_slice %arg5[%dma_wait3A_845] : memref<3128xi32, #tpu.memory_space<vmem>> -> memref<128xi32, #tpu.memory_space<vmem>>
      %dma_wait3A_847 = arith.constant 0 : i32
      %dma_wait3A_848 = arith.constant 0 : i32
      %dma_wait3A_849 = tpu.memref_slice %arg6[%dma_wait3A_847, %dma_wait3A_848] : memref<95x128xf32, #tpu.memory_space<vmem_shared>> -> memref<95x128xf32, #tpu.memory_space<vmem_shared>>
      tpu.wait_indirect_dma semaphore(%arg11 : memref<!tpu.dma_semaphore, #tpu.memory_space<semaphore_mem>>) src(%dma_wait3A_849 : memref<95x128xf32, #tpu.memory_space<vmem_shared>>) dst(%dma_wait3A_844 : memref<128x128xf32, #tpu.memory_space<vmem>>)
      %add3A_850 = arith.constant 2560 : i32
      %add3A_851 = arith.addi %multiple_of3A, %add3A_850 : i32
      %multiple_of3A_852 = tpu.assume_multiple %add3A_851, 8 : i32
      %dma_start3A_853 = arith.constant 0 : i32
      %dma_start3A_854 = arith.constant 0 : i32
      %dma_start3A_855 = tpu.memref_slice %arg7[%dma_start3A_853, %dma_start3A_854] : memref<128x128xf32, #tpu.memory_space<vmem>> -> memref<128x128xf32, #tpu.memory_space<vmem>>
      %dma_start3A_856 = arith.constant 0 : i32
      %dma_start3A_857 = tpu.memref_slice %arg4[%multiple_of3A_852, %dma_start3A_856] : memref<100000x128xf32, #tpu.memory_space<hbm>> -> memref<128x128xf32, #tpu.memory_space<hbm>>
      %dma_start3A_858 = arith.constant 0 : i32
      %dma_start3A_859 = tpu.memref_slice %arg4[%multiple_of3A_852, %dma_start3A_858] : memref<100000x128xf32, #tpu.memory_space<hbm>> -> memref<128x128xf32, #tpu.memory_space<hbm>>
      %dma_start3A_860 = arith.constant 0 : i32
      %dma_start3A_861 = arith.constant 0 : i32
      %dma_start3A_862 = tpu.memref_slice %arg7[%dma_start3A_860, %dma_start3A_861] : memref<128x128xf32, #tpu.memory_space<vmem>> -> memref<128x128xf32, #tpu.memory_space<vmem>>
      tpu.enqueue_dma source(%dma_start3A_862 : memref<128x128xf32, #tpu.memory_space<vmem>>) target(%dma_start3A_859 : memref<128x128xf32, #tpu.memory_space<hbm>>) target_semaphore(%arg13 : memref<!tpu.dma_semaphore, #tpu.memory_space<semaphore_mem>>)
      %add3A_863 = arith.constant 2304 : i32
      %add3A_864 = arith.addi %multiple_of3A, %add3A_863 : i32
      %multiple_of3A_865 = tpu.assume_multiple %add3A_864, 8 : i32
      %dma_wait3A_866 = arith.constant 0 : i32
      %dma_wait3A_867 = arith.constant 0 : i32
      %dma_wait3A_868 = tpu.memref_slice %arg9[%dma_wait3A_866, %dma_wait3A_867] : memref<128x128xf32, #tpu.memory_space<vmem>> -> memref<128x128xf32, #tpu.memory_space<vmem>>
      %dma_wait3A_869 = arith.constant 0 : i32
      %dma_wait3A_870 = tpu.memref_slice %arg4[%multiple_of3A_865, %dma_wait3A_869] : memref<100000x128xf32, #tpu.memory_space<hbm>> -> memref<128x128xf32, #tpu.memory_space<hbm>>
      %dma_wait3A_871 = arith.constant 0 : i32
      %dma_wait3A_872 = tpu.memref_slice %arg4[%multiple_of3A_865, %dma_wait3A_871] : memref<100000x128xf32, #tpu.memory_space<hbm>> -> memref<128x128xf32, #tpu.memory_space<hbm>>
      %dma_wait3A_873 = arith.constant 0 : i32
      %dma_wait3A_874 = arith.constant 0 : i32
      %dma_wait3A_875 = tpu.memref_slice %arg9[%dma_wait3A_873, %dma_wait3A_874] : memref<128x128xf32, #tpu.memory_space<vmem>> -> memref<128x128xf32, #tpu.memory_space<vmem>>
      tpu.wait_dma2 semaphore(%arg13 : memref<!tpu.dma_semaphore, #tpu.memory_space<semaphore_mem>>) src(%dma_wait3A_875 : memref<128x128xf32, #tpu.memory_space<vmem>>) dst(%dma_wait3A_872 : memref<128x128xf32, #tpu.memory_space<hbm>>)
      %dma_start3A_876 = arith.constant 0 : i32
      %dma_start3A_877 = arith.constant 0 : i32
      %dma_start3A_878 = tpu.memref_slice %arg9[%dma_start3A_876, %dma_start3A_877] : memref<128x128xf32, #tpu.memory_space<vmem>> -> memref<128x128xf32, #tpu.memory_space<vmem>>
      %dma_start3A_879 = arith.constant 2816 : i32
      %dma_start3A_880 = tpu.memref_slice %arg5[%dma_start3A_879] : memref<3128xi32, #tpu.memory_space<vmem>> -> memref<128xi32, #tpu.memory_space<vmem>>
      %dma_start3A_881 = arith.constant 0 : i32
      %dma_start3A_882 = arith.constant 0 : i32
      %dma_start3A_883 = tpu.memref_slice %arg6[%dma_start3A_881, %dma_start3A_882] : memref<95x128xf32, #tpu.memory_space<vmem_shared>> -> memref<95x128xf32, #tpu.memory_space<vmem_shared>>
      tpu.enqueue_indirect_dma source(%dma_start3A_883 : memref<95x128xf32, #tpu.memory_space<vmem_shared>>) target(%dma_start3A_878 : memref<128x128xf32, #tpu.memory_space<vmem>>) offsets(%dma_start3A_880 : memref<128xi32, #tpu.memory_space<vmem>>) semaphore(%arg11 : memref<!tpu.dma_semaphore, #tpu.memory_space<semaphore_mem>>)
      %dma_wait3A_884 = arith.constant 0 : i32
      %dma_wait3A_885 = arith.constant 0 : i32
      %dma_wait3A_886 = tpu.memref_slice %arg8[%dma_wait3A_884, %dma_wait3A_885] : memref<128x128xf32, #tpu.memory_space<vmem>> -> memref<128x128xf32, #tpu.memory_space<vmem>>
      %dma_wait3A_887 = arith.constant 2688 : i32
      %dma_wait3A_888 = tpu.memref_slice %arg5[%dma_wait3A_887] : memref<3128xi32, #tpu.memory_space<vmem>> -> memref<128xi32, #tpu.memory_space<vmem>>
      %dma_wait3A_889 = arith.constant 0 : i32
      %dma_wait3A_890 = arith.constant 0 : i32
      %dma_wait3A_891 = tpu.memref_slice %arg6[%dma_wait3A_889, %dma_wait3A_890] : memref<95x128xf32, #tpu.memory_space<vmem_shared>> -> memref<95x128xf32, #tpu.memory_space<vmem_shared>>
      tpu.wait_indirect_dma semaphore(%arg11 : memref<!tpu.dma_semaphore, #tpu.memory_space<semaphore_mem>>) src(%dma_wait3A_891 : memref<95x128xf32, #tpu.memory_space<vmem_shared>>) dst(%dma_wait3A_886 : memref<128x128xf32, #tpu.memory_space<vmem>>)
      %add3A_892 = arith.constant 2688 : i32
      %add3A_893 = arith.addi %multiple_of3A, %add3A_892 : i32
      %multiple_of3A_894 = tpu.assume_multiple %add3A_893, 8 : i32
      %dma_start3A_895 = arith.constant 0 : i32
      %dma_start3A_896 = arith.constant 0 : i32
      %dma_start3A_897 = tpu.memref_slice %arg8[%dma_start3A_895, %dma_start3A_896] : memref<128x128xf32, #tpu.memory_space<vmem>> -> memref<128x128xf32, #tpu.memory_space<vmem>>
      %dma_start3A_898 = arith.constant 0 : i32
      %dma_start3A_899 = tpu.memref_slice %arg4[%multiple_of3A_894, %dma_start3A_898] : memref<100000x128xf32, #tpu.memory_space<hbm>> -> memref<128x128xf32, #tpu.memory_space<hbm>>
      %dma_start3A_900 = arith.constant 0 : i32
      %dma_start3A_901 = tpu.memref_slice %arg4[%multiple_of3A_894, %dma_start3A_900] : memref<100000x128xf32, #tpu.memory_space<hbm>> -> memref<128x128xf32, #tpu.memory_space<hbm>>
      %dma_start3A_902 = arith.constant 0 : i32
      %dma_start3A_903 = arith.constant 0 : i32
      %dma_start3A_904 = tpu.memref_slice %arg8[%dma_start3A_902, %dma_start3A_903] : memref<128x128xf32, #tpu.memory_space<vmem>> -> memref<128x128xf32, #tpu.memory_space<vmem>>
      tpu.enqueue_dma source(%dma_start3A_904 : memref<128x128xf32, #tpu.memory_space<vmem>>) target(%dma_start3A_901 : memref<128x128xf32, #tpu.memory_space<hbm>>) target_semaphore(%arg13 : memref<!tpu.dma_semaphore, #tpu.memory_space<semaphore_mem>>)
      %add3A_905 = arith.constant 2432 : i32
      %add3A_906 = arith.addi %multiple_of3A, %add3A_905 : i32
      %multiple_of3A_907 = tpu.assume_multiple %add3A_906, 8 : i32
      %dma_wait3A_908 = arith.constant 0 : i32
      %dma_wait3A_909 = arith.constant 0 : i32
      %dma_wait3A_910 = tpu.memref_slice %arg10[%dma_wait3A_908, %dma_wait3A_909] : memref<128x128xf32, #tpu.memory_space<vmem>> -> memref<128x128xf32, #tpu.memory_space<vmem>>
      %dma_wait3A_911 = arith.constant 0 : i32
      %dma_wait3A_912 = tpu.memref_slice %arg4[%multiple_of3A_907, %dma_wait3A_911] : memref<100000x128xf32, #tpu.memory_space<hbm>> -> memref<128x128xf32, #tpu.memory_space<hbm>>
      %dma_wait3A_913 = arith.constant 0 : i32
      %dma_wait3A_914 = tpu.memref_slice %arg4[%multiple_of3A_907, %dma_wait3A_913] : memref<100000x128xf32, #tpu.memory_space<hbm>> -> memref<128x128xf32, #tpu.memory_space<hbm>>
      %dma_wait3A_915 = arith.constant 0 : i32
      %dma_wait3A_916 = arith.constant 0 : i32
      %dma_wait3A_917 = tpu.memref_slice %arg10[%dma_wait3A_915, %dma_wait3A_916] : memref<128x128xf32, #tpu.memory_space<vmem>> -> memref<128x128xf32, #tpu.memory_space<vmem>>
      tpu.wait_dma2 semaphore(%arg13 : memref<!tpu.dma_semaphore, #tpu.memory_space<semaphore_mem>>) src(%dma_wait3A_917 : memref<128x128xf32, #tpu.memory_space<vmem>>) dst(%dma_wait3A_914 : memref<128x128xf32, #tpu.memory_space<hbm>>)
      %dma_start3A_918 = arith.constant 0 : i32
      %dma_start3A_919 = arith.constant 0 : i32
      %dma_start3A_920 = tpu.memref_slice %arg10[%dma_start3A_918, %dma_start3A_919] : memref<128x128xf32, #tpu.memory_space<vmem>> -> memref<88x128xf32, #tpu.memory_space<vmem>>
      %dma_start3A_921 = arith.constant 2944 : i32
      %dma_start3A_922 = tpu.memref_slice %arg5[%dma_start3A_921] : memref<3128xi32, #tpu.memory_space<vmem>> -> memref<88xi32, #tpu.memory_space<vmem>>
      %dma_start3A_923 = arith.constant 0 : i32
      %dma_start3A_924 = arith.constant 0 : i32
      %dma_start3A_925 = tpu.memref_slice %arg6[%dma_start3A_923, %dma_start3A_924] : memref<95x128xf32, #tpu.memory_space<vmem_shared>> -> memref<95x128xf32, #tpu.memory_space<vmem_shared>>
      tpu.enqueue_indirect_dma source(%dma_start3A_925 : memref<95x128xf32, #tpu.memory_space<vmem_shared>>) target(%dma_start3A_920 : memref<88x128xf32, #tpu.memory_space<vmem>>) offsets(%dma_start3A_922 : memref<88xi32, #tpu.memory_space<vmem>>) semaphore(%arg11 : memref<!tpu.dma_semaphore, #tpu.memory_space<semaphore_mem>>)
      %dma_wait3A_926 = arith.constant 0 : i32
      %dma_wait3A_927 = arith.constant 0 : i32
      %dma_wait3A_928 = tpu.memref_slice %arg9[%dma_wait3A_926, %dma_wait3A_927] : memref<128x128xf32, #tpu.memory_space<vmem>> -> memref<128x128xf32, #tpu.memory_space<vmem>>
      %dma_wait3A_929 = arith.constant 2816 : i32
      %dma_wait3A_930 = tpu.memref_slice %arg5[%dma_wait3A_929] : memref<3128xi32, #tpu.memory_space<vmem>> -> memref<128xi32, #tpu.memory_space<vmem>>
      %dma_wait3A_931 = arith.constant 0 : i32
      %dma_wait3A_932 = arith.constant 0 : i32
      %dma_wait3A_933 = tpu.memref_slice %arg6[%dma_wait3A_931, %dma_wait3A_932] : memref<95x128xf32, #tpu.memory_space<vmem_shared>> -> memref<95x128xf32, #tpu.memory_space<vmem_shared>>
      tpu.wait_indirect_dma semaphore(%arg11 : memref<!tpu.dma_semaphore, #tpu.memory_space<semaphore_mem>>) src(%dma_wait3A_933 : memref<95x128xf32, #tpu.memory_space<vmem_shared>>) dst(%dma_wait3A_928 : memref<128x128xf32, #tpu.memory_space<vmem>>)
      %add3A_934 = arith.constant 2816 : i32
      %add3A_935 = arith.addi %multiple_of3A, %add3A_934 : i32
      %multiple_of3A_936 = tpu.assume_multiple %add3A_935, 8 : i32
      %dma_start3A_937 = arith.constant 0 : i32
      %dma_start3A_938 = arith.constant 0 : i32
      %dma_start3A_939 = tpu.memref_slice %arg9[%dma_start3A_937, %dma_start3A_938] : memref<128x128xf32, #tpu.memory_space<vmem>> -> memref<128x128xf32, #tpu.memory_space<vmem>>
      %dma_start3A_940 = arith.constant 0 : i32
      %dma_start3A_941 = tpu.memref_slice %arg4[%multiple_of3A_936, %dma_start3A_940] : memref<100000x128xf32, #tpu.memory_space<hbm>> -> memref<128x128xf32, #tpu.memory_space<hbm>>
      %dma_start3A_942 = arith.constant 0 : i32
      %dma_start3A_943 = tpu.memref_slice %arg4[%multiple_of3A_936, %dma_start3A_942] : memref<100000x128xf32, #tpu.memory_space<hbm>> -> memref<128x128xf32, #tpu.memory_space<hbm>>
      %dma_start3A_944 = arith.constant 0 : i32
      %dma_start3A_945 = arith.constant 0 : i32
      %dma_start3A_946 = tpu.memref_slice %arg9[%dma_start3A_944, %dma_start3A_945] : memref<128x128xf32, #tpu.memory_space<vmem>> -> memref<128x128xf32, #tpu.memory_space<vmem>>
      tpu.enqueue_dma source(%dma_start3A_946 : memref<128x128xf32, #tpu.memory_space<vmem>>) target(%dma_start3A_943 : memref<128x128xf32, #tpu.memory_space<hbm>>) target_semaphore(%arg13 : memref<!tpu.dma_semaphore, #tpu.memory_space<semaphore_mem>>)
      %add3A_947 = arith.constant 2560 : i32
      %add3A_948 = arith.addi %multiple_of3A, %add3A_947 : i32
      %multiple_of3A_949 = tpu.assume_multiple %add3A_948, 8 : i32
      %dma_wait3A_950 = arith.constant 0 : i32
      %dma_wait3A_951 = arith.constant 0 : i32
      %dma_wait3A_952 = tpu.memref_slice %arg7[%dma_wait3A_950, %dma_wait3A_951] : memref<128x128xf32, #tpu.memory_space<vmem>> -> memref<128x128xf32, #tpu.memory_space<vmem>>
      %dma_wait3A_953 = arith.constant 0 : i32
      %dma_wait3A_954 = tpu.memref_slice %arg4[%multiple_of3A_949, %dma_wait3A_953] : memref<100000x128xf32, #tpu.memory_space<hbm>> -> memref<128x128xf32, #tpu.memory_space<hbm>>
      %dma_wait3A_955 = arith.constant 0 : i32
      %dma_wait3A_956 = tpu.memref_slice %arg4[%multiple_of3A_949, %dma_wait3A_955] : memref<100000x128xf32, #tpu.memory_space<hbm>> -> memref<128x128xf32, #tpu.memory_space<hbm>>
      %dma_wait3A_957 = arith.constant 0 : i32
      %dma_wait3A_958 = arith.constant 0 : i32
      %dma_wait3A_959 = tpu.memref_slice %arg7[%dma_wait3A_957, %dma_wait3A_958] : memref<128x128xf32, #tpu.memory_space<vmem>> -> memref<128x128xf32, #tpu.memory_space<vmem>>
      tpu.wait_dma2 semaphore(%arg13 : memref<!tpu.dma_semaphore, #tpu.memory_space<semaphore_mem>>) src(%dma_wait3A_959 : memref<128x128xf32, #tpu.memory_space<vmem>>) dst(%dma_wait3A_956 : memref<128x128xf32, #tpu.memory_space<hbm>>)
      %dma_wait3A_960 = arith.constant 0 : i32
      %dma_wait3A_961 = arith.constant 0 : i32
      %dma_wait3A_962 = tpu.memref_slice %arg10[%dma_wait3A_960, %dma_wait3A_961] : memref<128x128xf32, #tpu.memory_space<vmem>> -> memref<88x128xf32, #tpu.memory_space<vmem>>
      %dma_wait3A_963 = arith.constant 2944 : i32
      %dma_wait3A_964 = tpu.memref_slice %arg5[%dma_wait3A_963] : memref<3128xi32, #tpu.memory_space<vmem>> -> memref<88xi32, #tpu.memory_space<vmem>>
      %dma_wait3A_965 = arith.constant 0 : i32
      %dma_wait3A_966 = arith.constant 0 : i32
      %dma_wait3A_967 = tpu.memref_slice %arg6[%dma_wait3A_965, %dma_wait3A_966] : memref<95x128xf32, #tpu.memory_space<vmem_shared>> -> memref<95x128xf32, #tpu.memory_space<vmem_shared>>
      tpu.wait_indirect_dma semaphore(%arg11 : memref<!tpu.dma_semaphore, #tpu.memory_space<semaphore_mem>>) src(%dma_wait3A_967 : memref<95x128xf32, #tpu.memory_space<vmem_shared>>) dst(%dma_wait3A_962 : memref<88x128xf32, #tpu.memory_space<vmem>>)
      %add3A_968 = arith.constant 2944 : i32
      %add3A_969 = arith.addi %multiple_of3A, %add3A_968 : i32
      %multiple_of3A_970 = tpu.assume_multiple %add3A_969, 8 : i32
      %dma_start3A_971 = arith.constant 0 : i32
      %dma_start3A_972 = arith.constant 0 : i32
      %dma_start3A_973 = tpu.memref_slice %arg10[%dma_start3A_971, %dma_start3A_972] : memref<128x128xf32, #tpu.memory_space<vmem>> -> memref<88x128xf32, #tpu.memory_space<vmem>>
      %dma_start3A_974 = arith.constant 0 : i32
      %dma_start3A_975 = tpu.memref_slice %arg4[%multiple_of3A_970, %dma_start3A_974] : memref<100000x128xf32, #tpu.memory_space<hbm>> -> memref<88x128xf32, #tpu.memory_space<hbm>>
      %dma_start3A_976 = arith.constant 0 : i32
      %dma_start3A_977 = tpu.memref_slice %arg4[%multiple_of3A_970, %dma_start3A_976] : memref<100000x128xf32, #tpu.memory_space<hbm>> -> memref<88x128xf32, #tpu.memory_space<hbm>>
      %dma_start3A_978 = arith.constant 0 : i32
      %dma_start3A_979 = arith.constant 0 : i32
      %dma_start3A_980 = tpu.memref_slice %arg10[%dma_start3A_978, %dma_start3A_979] : memref<128x128xf32, #tpu.memory_space<vmem>> -> memref<88x128xf32, #tpu.memory_space<vmem>>
      tpu.enqueue_dma source(%dma_start3A_980 : memref<88x128xf32, #tpu.memory_space<vmem>>) target(%dma_start3A_977 : memref<88x128xf32, #tpu.memory_space<hbm>>) target_semaphore(%arg13 : memref<!tpu.dma_semaphore, #tpu.memory_space<semaphore_mem>>)
      %add3A_981 = arith.constant 2688 : i32
      %add3A_982 = arith.addi %multiple_of3A, %add3A_981 : i32
      %multiple_of3A_983 = tpu.assume_multiple %add3A_982, 8 : i32
      %dma_wait3A_984 = arith.constant 0 : i32
      %dma_wait3A_985 = arith.constant 0 : i32
      %dma_wait3A_986 = tpu.memref_slice %arg8[%dma_wait3A_984, %dma_wait3A_985] : memref<128x128xf32, #tpu.memory_space<vmem>> -> memref<128x128xf32, #tpu.memory_space<vmem>>
      %dma_wait3A_987 = arith.constant 0 : i32
      %dma_wait3A_988 = tpu.memref_slice %arg4[%multiple_of3A_983, %dma_wait3A_987] : memref<100000x128xf32, #tpu.memory_space<hbm>> -> memref<128x128xf32, #tpu.memory_space<hbm>>
      %dma_wait3A_989 = arith.constant 0 : i32
      %dma_wait3A_990 = tpu.memref_slice %arg4[%multiple_of3A_983, %dma_wait3A_989] : memref<100000x128xf32, #tpu.memory_space<hbm>> -> memref<128x128xf32, #tpu.memory_space<hbm>>
      %dma_wait3A_991 = arith.constant 0 : i32
      %dma_wait3A_992 = arith.constant 0 : i32
      %dma_wait3A_993 = tpu.memref_slice %arg8[%dma_wait3A_991, %dma_wait3A_992] : memref<128x128xf32, #tpu.memory_space<vmem>> -> memref<128x128xf32, #tpu.memory_space<vmem>>
      tpu.wait_dma2 semaphore(%arg13 : memref<!tpu.dma_semaphore, #tpu.memory_space<semaphore_mem>>) src(%dma_wait3A_993 : memref<128x128xf32, #tpu.memory_space<vmem>>) dst(%dma_wait3A_990 : memref<128x128xf32, #tpu.memory_space<hbm>>)
      %add3A_994 = arith.constant 2816 : i32
      %add3A_995 = arith.addi %multiple_of3A, %add3A_994 : i32
      %multiple_of3A_996 = tpu.assume_multiple %add3A_995, 8 : i32
      %dma_wait3A_997 = arith.constant 0 : i32
      %dma_wait3A_998 = arith.constant 0 : i32
      %dma_wait3A_999 = tpu.memref_slice %arg9[%dma_wait3A_997, %dma_wait3A_998] : memref<128x128xf32, #tpu.memory_space<vmem>> -> memref<128x128xf32, #tpu.memory_space<vmem>>
      %dma_wait3A_1000 = arith.constant 0 : i32
      %dma_wait3A_1001 = tpu.memref_slice %arg4[%multiple_of3A_996, %dma_wait3A_1000] : memref<100000x128xf32, #tpu.memory_space<hbm>> -> memref<128x128xf32, #tpu.memory_space<hbm>>
      %dma_wait3A_1002 = arith.constant 0 : i32
      %dma_wait3A_1003 = tpu.memref_slice %arg4[%multiple_of3A_996, %dma_wait3A_1002] : memref<100000x128xf32, #tpu.memory_space<hbm>> -> memref<128x128xf32, #tpu.memory_space<hbm>>
      %dma_wait3A_1004 = arith.constant 0 : i32
      %dma_wait3A_1005 = arith.constant 0 : i32
      %dma_wait3A_1006 = tpu.memref_slice %arg9[%dma_wait3A_1004, %dma_wait3A_1005] : memref<128x128xf32, #tpu.memory_space<vmem>> -> memref<128x128xf32, #tpu.memory_space<vmem>>
      tpu.wait_dma2 semaphore(%arg13 : memref<!tpu.dma_semaphore, #tpu.memory_space<semaphore_mem>>) src(%dma_wait3A_1006 : memref<128x128xf32, #tpu.memory_space<vmem>>) dst(%dma_wait3A_1003 : memref<128x128xf32, #tpu.memory_space<hbm>>)
      %add3A_1007 = arith.constant 2944 : i32
      %add3A_1008 = arith.addi %multiple_of3A, %add3A_1007 : i32
      %multiple_of3A_1009 = tpu.assume_multiple %add3A_1008, 8 : i32
      %dma_wait3A_1010 = arith.constant 0 : i32
      %dma_wait3A_1011 = arith.constant 0 : i32
      %dma_wait3A_1012 = tpu.memref_slice %arg10[%dma_wait3A_1010, %dma_wait3A_1011] : memref<128x128xf32, #tpu.memory_space<vmem>> -> memref<88x128xf32, #tpu.memory_space<vmem>>
      %dma_wait3A_1013 = arith.constant 0 : i32
      %dma_wait3A_1014 = tpu.memref_slice %arg4[%multiple_of3A_1009, %dma_wait3A_1013] : memref<100000x128xf32, #tpu.memory_space<hbm>> -> memref<88x128xf32, #tpu.memory_space<hbm>>
      %dma_wait3A_1015 = arith.constant 0 : i32
      %dma_wait3A_1016 = tpu.memref_slice %arg4[%multiple_of3A_1009, %dma_wait3A_1015] : memref<100000x128xf32, #tpu.memory_space<hbm>> -> memref<88x128xf32, #tpu.memory_space<hbm>>
      %dma_wait3A_1017 = arith.constant 0 : i32
      %dma_wait3A_1018 = arith.constant 0 : i32
      %dma_wait3A_1019 = tpu.memref_slice %arg10[%dma_wait3A_1017, %dma_wait3A_1018] : memref<128x128xf32, #tpu.memory_space<vmem>> -> memref<88x128xf32, #tpu.memory_space<vmem>>
      tpu.wait_dma2 semaphore(%arg13 : memref<!tpu.dma_semaphore, #tpu.memory_space<semaphore_mem>>) src(%dma_wait3A_1019 : memref<88x128xf32, #tpu.memory_space<vmem>>) dst(%dma_wait3A_1016 : memref<88x128xf32, #tpu.memory_space<hbm>>)
    } else {
    }
    return
  }
}

</mosaic_0001>

<sc_bundles>
// kernel: kernel.3.cloned.1.call-start
scs
__scs_entry_jumppad:
0x0: {  	(pc) =	sbr.rel $0x88, $3  }
0x1: {  	(tag) =	ssettag $0x0;
	lr =	simm.s32 $0x1  }
0x2: {  	[smem:$0x3F9F] =	sst lr;
	_ =	strace $0xD0000000  }
0x3: {  	_ = 	snop  }
0x4: {  	_ = 	snop  }
0x5: {  	_ = 	snop  }
0x6: {  	_ = 	snop  }
0x7: {  	_ = 	snop  }
__scs_overlays_trampoline_lowered:
0x8: {  	[smem:$0x3FAE] =	sst s0  }
0x9: {  	[smem:$0x3FAF] =	sst s1  }
0xa: {  	[smem:$0x3FB0] =	sst s2  }
0xb: {  	[smem:$0x3FB1] =	sst s3  }
0xc: {  	[smem:$0x3FB2] =	sst s4  }
0xd: {  	[smem:$0x3FB3] =	sst s5  }
0xe: {  	[smem:$0x3FB4] =	sst s6  }
0xf: {  	[smem:$0x3FB5] =	sst s7  }
0x10: {  	[smem:$0x3FB6] =	sst s8  }
0x11: {  	[smem:$0x3FB7] =	sst s9;
	s0 =	simm.s32 @!p0 $0x0  }
0x12: {  	s1 =	sld [smem:$0x3F9D];
	s0 =	simm.s32 @p0 $0x1  }
0x13: {  	[smem:$0x3FB8] =	sst s0;
	s0 =	simm.s32 @!p1 $0x0  }
0x14: {  	s2 =	sld [smem:$0x3F9C];
	s0 =	simm.s32 @p1 $0x1  }
0x15: {  	[smem:$0x3FB9] =	sst s0;
	s0 =	simm.s32 @!p2 $0x0  }
0x16: {  	s3 =	sld [smem:$0x3FDB];
	s0 =	simm.s32 @p2 $0x1  }
0x17: {  	s4 =	simm.s32 $0x1BF5;
	[smem:$0x3FBB] =	sst s0  }
0x18: {  	s0 =	sld [smem:$0x3F9E];
	_ =	swait.ge [sflag:s4], $0x0  }
0x19: {  	s7 =	sld [smem:$0x3F9F]  }
0x1a: {  	s8 =	sadd.s32 $0xFFFFE003, lr  }
0x1b: {  	s9 =	sadd.s32 $0xFFFFFEF7, lr;
	s5 =	simm.s32 $0xFFFFFFFF;
	p2 =	slt.u32 s8, $0xFFFFF086  }
0x1c: {  	p1 =	slt.u32 s9, $0xF7A;
	s5 =	simm.s32 @!p2 $0x0  }
0x1d: {  	s5 =	simm.s32 @p1 $0x1;
	p0 =	seq.s32 s7, s2  }
0x1e: {  	s7 =	smul.u32 @!p0 $0xF7A, s2;
	p2 =	seq.s32 @!p0 s5, $0x0  }
0x1f: {  	s9 =	smul.u32 $0xF7A, s1;
	s8 =	simm.s32 @!p0 $0x1BF5;
	p2 =	por !p2, p0  }
0x20: {  	[sflag:s8] =	ssyncset.s32 @!p0 $0xFFFFF086;
	s6 =	sadd.s32 @!p0 s3, s7;
	s7 =	simm.s32 @!p0 $0x108  }
0x21: {  	s3 =	sadd.s32 s3, s9;
	s6 =	sadd.s32 @!p0 $0x88, s6;
	s7 =	simm.s32 @p2 $0x1082  }
0x22: {  	[simem:s7], [sflag:s8] =	dma.local @!p0 [hbm:s6], $0xF7A  }
0x23: {  	s9 =	sor.u32 $0xD0000000, s2;
	s6 =	simm.s32 $0x108;
	_ =	swait.ge @!p0 [sflag:s8], $0x0  }
0x24: {  	s3 =	sadd.s32 $0x88, s3;
	s6 =	simm.s32 @!p1 $0x1082;
	[sflag:s4] =	ssyncset.s32 $0xFFFFF086  }
0x25: {  	[simem:s6], [sflag:s4] =	dma.local [hbm:s3], $0xF7A  }
0x26: {  	[smem:$0x3F9F] =	sst s1;
	(tag) =	ssettag s2;
	_ =	strace s9  }
0x27: {  	s1 =	sld [smem:$0x3FAF]  }
0x28: {  	s2 =	sld [smem:$0x3FB0]  }
0x29: {  	s4 =	sld [smem:$0x3FB2]  }
0x2a: {  	p0 =	seq.s32 s5, $0x0;
	s5 =	sld [smem:$0x3FB3]  }
0x2b: {  	s6 =	sld [smem:$0x3FB4]  }
0x2c: {  	s7 =	sld [smem:$0x3FB5]  }
0x2d: {  	s3 =	simm.s32 $0x108;
	s8 =	sld [smem:$0x3FB6]  }
0x2e: {  	s3 =	simm.s32 @!p0 $0x1082;
	s9 =	sld [smem:$0x3FB7]  }
0x2f: {  	lr =	sadd.s32 s0, s3;
	s0 =	sld [smem:$0x3FAE]  }
0x30: {  	s3 =	sld [smem:$0x3FB1]  }
0x31: {  	[smem:$0x3FBA] =	sst s10  }
0x32: {  	s10 =	sld [smem:$0x3FB8];
	_ =	sdelay $0x3  }
0x33: {  	p0 =	seq.s32 s10, $0x1;
	s10 =	sld [smem:$0x3FBA];
	_ =	sdelay $0x3  }
0x34: {  	[smem:$0x3FBA] =	sst s10  }
0x35: {  	s10 =	sld [smem:$0x3FB9];
	_ =	sdelay $0x3  }
0x36: {  	p1 =	seq.s32 s10, $0x1;
	s10 =	sld [smem:$0x3FBA];
	_ =	sdelay $0x3  }
0x37: {  	[smem:$0x3FBA] =	sst s10  }
0x38: {  	s10 =	sld [smem:$0x3FBB]  }
0x39: {  	_ = 	snop;
	(pc) =	sbr.ind lr, $3  }
0x3a: {  	_ = 	snop  }
0x3b: {  	_ = 	snop  }
0x3c: {  	p2 =	seq.s32 s10, $0x1;
	s10 =	sld [smem:$0x3FBA]  }
0x3d: {  	_ =	shalt  }
0x3e: {  	_ =	shalt  }
0x3f: {  	_ =	shalt  }
0x40: {  	_ =	shalt  }
0x41: {  	_ =	shalt  }
0x42: {  	_ =	shalt  }
0x43: {  	_ =	shalt  }
0x44: {  	_ =	shalt  }
0x45: {  	_ =	shalt  }
0x46: {  	_ =	shalt  }
0x47: {  	_ =	shalt  }
0x48: {  	_ =	shalt  }
0x49: {  	_ =	shalt  }
0x4a: {  	_ =	shalt  }
0x4b: {  	_ =	shalt  }
0x4c: {  	_ =	shalt  }
0x4d: {  	_ =	shalt  }
0x4e: {  	_ =	shalt  }
0x4f: {  	_ =	shalt  }
0x50: {  	_ =	shalt  }
0x51: {  	_ =	shalt  }
0x52: {  	_ =	shalt  }
0x53: {  	_ =	shalt  }
0x54: {  	_ =	shalt  }
0x55: {  	_ =	shalt  }
0x56: {  	_ =	shalt  }
0x57: {  	_ =	shalt  }
0x58: {  	_ =	shalt  }
0x59: {  	_ =	shalt  }
0x5a: {  	_ =	shalt  }
0x5b: {  	_ =	shalt  }
0x5c: {  	_ =	shalt  }
0x5d: {  	_ =	shalt  }
0x5e: {  	_ =	shalt  }
0x5f: {  	_ =	shalt  }
0x60: {  	_ =	shalt  }
0x61: {  	_ =	shalt  }
0x62: {  	_ =	shalt  }
0x63: {  	_ =	shalt  }
0x64: {  	_ =	shalt  }
0x65: {  	_ =	shalt  }
0x66: {  	_ =	shalt  }
0x67: {  	_ =	shalt  }
0x68: {  	_ =	shalt  }
0x69: {  	_ =	shalt  }
0x6a: {  	_ =	shalt  }
0x6b: {  	_ =	shalt  }
0x6c: {  	_ =	shalt  }
0x6d: {  	_ =	shalt  }
0x6e: {  	_ =	shalt  }
0x6f: {  	_ =	shalt  }
0x70: {  	_ =	shalt  }
0x71: {  	_ =	shalt  }
0x72: {  	_ =	shalt  }
0x73: {  	_ =	shalt  }
0x74: {  	_ =	shalt  }
0x75: {  	_ =	shalt  }
0x76: {  	_ =	shalt  }
0x77: {  	_ =	shalt  }
0x78: {  	_ =	shalt  }
0x79: {  	_ =	shalt  }
0x7a: {  	_ =	shalt  }
0x7b: {  	_ =	shalt  }
0x7c: {  	_ =	shalt  }
0x7d: {  	_ =	shalt  }
0x7e: {  	_ =	shalt  }
0x7f: {  	_ =	shalt  }
0x80: {  	_ =	shalt  }
0x81: {  	_ =	shalt  }
0x82: {  	_ =	shalt  }
0x83: {  	_ =	shalt  }
0x84: {  	_ =	shalt  }
0x85: {  	_ =	shalt  }
0x86: {  	_ =	shalt  }
0x87: {  	_ =	shalt  }
.Lfunc_end0:
.L_simem_size_0:
called_computation_lowered:
.L_overlay_start_0:
0x88: {  	s2 =	sld [smem:$0x3FD9]  }
0x89: {  	s3 =	sld [smem:$0x3FFE];
	_ =	sdelay $0x1  }
0x8a: {  	s1 =	srdreg.scid  }
0x8b: {  	s0 =	sand.u32 $0x1, s1  }
0x8c: {  	s17 =	sshll.u32 s0, $0xA;
	s2 =	sadd.s32 s3, s2  }
0x8d: {  	s2 =	sadd.s32 s2, s17  }
0x8e: {  	[smem:$0x3FC6] =	sst s2  }
0x8f: {  	_ = 	snop  }
0x90: {  	s2 =	sld [smem:$0x3FC9]  }
0x91: {  	s18 =	sld [smem:$0x3FD0];
	(tm) =	ssettm $0x1  }
0x92: {  	s4 =	sld [smem:$0x3FFB];
	_ =	sdelay $0x3  }
0x93: {  	_ =	strace s4  }
0x94: {  	s4 =	sld [smem:$0x3FFC];
	_ =	sdelay $0x3  }
0x95: {  	_ =	strace s4  }
0x96: {  	s4 =	sld [smem:$0x3FFD];
	_ =	sdelay $0x3  }
0x97: {  	_ =	strace s4  }
0x98: {  	_ =	strace $0x8FFFFFFF  }
0x99: {  	s19 =	sld [smem:$0x3FDB];
	_ =	sdelay $0x1  }
0x9a: {  	s5 =	simm.s32 $_scs_section_size  }
0x9b: {  	s6 =	simm.s32 $_size__tile_overlayer_lowered;
	s7 =	simm.s32 $_tile_overlayer_lowered  }
0x9c: {  	s22 =	simm.s32 $0x1BFF;
	s21 =	sshll.u32 s7, $0x1;
	s4 =	sadd.s32 s5, s19  }
0x9d: {  	s8 =	simm.s32 $0x0;
	s20 =	sshll.u32 s6, $0x1;
	s6 =	sadd.s32 s21, s4  }
0x9e: {  	[timem:s8], [sflag:s22] =	dma.local [hbm:s6], s20  }
0x9f: {  	_ =	swait.ge [sflag:s22], s20  }
0xa0: {  	s5 =	ssub.s32 $0x0, s20;
	[sflag:s22] =	ssyncset.done $0x0  }
0xa1: {  	[sflag:s22] =	ssyncadd.s32 s5;
	_ =	sdelay $0x1  }
0xa2: {  	s23 =	simm.s32 $0x1B8B  }
0xa3: {  	_ =	swait.ge [sflag:s23], $0x1  }
0xa4: {  	[sflag:s23] =	ssyncset.done $0x0  }
0xa5: {  	s25 =	simm.s32 $0x1B8E;
	s24 =	sld [smem:$0x3FFE];
	[sflag:s23] =	ssyncadd.s32 $0xFFFFFFFF  }
0xa6: {  	s26 =	simm.s32 $execute0_lowered;
	[smem:$0x3FD2] =	sst s25  }
0xa7: {  	s6 =	sshll.u32 s26, $0x1;
	_ =	strace $0x80000046;
	[dreg:$0x1] =	wrdreg $0xFFFFFFFF  }
0xa8: {  	s28 =	simm.s32 $_size_execute0_lowered;
	s4 =	sadd.s32 s4, s6;
	[dreg:$0x0] =	wrdreg $0x0  }
0xa9: {  	s6 =	sshll.u32 s28, $0x1;
	[dreg:$0x2] =	wrdreg s4  }
0xaa: {  	[dreg:$0x3] =	wrdreg s6  }
0xab: {  	[dreg:$0x4] =	wrdreg $0xC0  }
0xac: {  	_ =	task [dreg:s8], $0x5FFFF  }
0xad: {  	[dreg:$0x1] =	wrdreg $0xFFFFFFFF  }
0xae: {  	[dreg:$0x0] =	wrdreg $0x60  }
0xaf: {  	[dreg:$0x2] =	wrdreg s2  }
0xb0: {  	[dreg:$0x3] =	wrdreg s24  }
0xb1: {  	[dreg:$0x4] =	wrdreg s18  }
0xb2: {  	[dreg:$0x5] =	wrdreg $0xC800  }
0xb3: {  	[dreg:$0x6] =	wrdreg $0x9  }
0xb4: {  	_ =	task.clear_ibuf [dreg:s8], $0x7FFFF;
	_ =	strace $0x90000046  }
0xb5: {  	s29 =	simm.s32 $0x9;
	_ =	strace $0x80000048  }
0xb6: {  	_ =	swait.ge [sflag:s29], $0x1  }
0xb7: {  	[sflag:s29] =	ssyncadd.s32 $0xFFFFFFFF  }
0xb8: {  	_ =	strace $0x90000048  }
0xb9: {  	_ =	sfence  }
0xba: {  	s30 =	sld [smem:$0x0];
	_ =	sdelay $0x2  }
0xbb: {  	s31 =	sshll.u32 s1, $0xD;
	s1 =	sshrl.u32 s1, $0x2  }
0xbc: {  	s3 =	sand.u32 $0x4000, s31;
	s1 =	sadd.s32 s1, s30  }
0xbd: {  	s0 =	sor.u32 s3, s0;
	s1 =	sshll.u32 s1, $0x11  }
0xbe: {  	s0 =	sor.u32 s1, s0  }
0xbf: {  	s0 =	sadd.s32 $0x8F2B, s0  }
0xc0: {  	[sflag:s0] =	ssyncadd.remote.s32 $0x1  }
0xc1: {  	_ =	sfence.sel $0xFFFF  }
0xc2: {  	[dreg:$0x0] =	wrdreg $0xFFFFFFFF;
	(pc) =	sbr.abs _section_cstart, $3  }
0xc3: {  	[dreg:$0x1] =	wrdreg $0xFFFFFFFF  }
0xc4: {  	_ =	task.clear_ibuf [dreg:s8], $0x2FFFF;
	_ =	strace $0x9FFFFFFF  }
0xc5: {  	(tm) =	ssettm $0x7FFFFFFF  }
tec
execute0_lowered:
.L_overlay_start_1:
0x0: {  	(tag) =	ssettag $0x1  }
0x1: {  	s1 =	srdreg.scid;
	s4 =	stileid.u32  }
0x2: {  	s6 =	sand.u32 $0x1, s1;
	s2 =	sshll.u32 s4, $0x1  }
0x3: {  	s7 =	sor.u32 s6, s2  }
0x4: {  	s5 =	rddreg [dreg:$0x0];
	s8 =	smul.u32 $0x61C00, s7  }
0x5: {  	s3 =	rddreg [dreg:$0x1]  }
0x6: {  	s0 =	rddreg [dreg:$0x2];
	s8 =	sshrl.u32 s8, $0x3  }
0x7: {  	s1 =	rddreg [dreg:$0x3];
	s2 =	simm.s32 $0x0;
	s8 =	sadd.s32 s0, s8  }
0x8: {  	[smem:$0x7FF] =	sst s2;
	s11 =	sadd.s32 $0x800, s8  }
0x9: {  	_ =	strace $0x80000047;
	s26 =	sadd.s32 $0x1000, s8;
	[dreg:$0x5] =	wrdreg s11  }
0xa: {  	s12 =	sadd.s32 $0x1800, s8;
	[dreg:$0x6] =	wrdreg s26  }
0xb: {  	s13 =	sadd.s32 $0x2000, s8;
	[dreg:$0x7] =	wrdreg s12  }
0xc: {  	s14 =	sadd.s32 $0x2800, s8;
	[dreg:$0x8] =	wrdreg s13  }
0xd: {  	s15 =	sadd.s32 $0x3000, s8;
	[dreg:$0x9] =	wrdreg s14  }
0xe: {  	s16 =	sadd.s32 $0x3800, s8;
	[dreg:$0xa] =	wrdreg s15  }
0xf: {  	s17 =	sadd.s32 $0x4000, s8;
	[dreg:$0xb] =	wrdreg s16  }
0x10: {  	s18 =	sadd.s32 $0x4800, s8;
	[dreg:$0xc] =	wrdreg s17  }
0x11: {  	s19 =	sadd.s32 $0x5000, s8;
	[dreg:$0xd] =	wrdreg s18  }
0x12: {  	s20 =	sadd.s32 $0x5800, s8;
	[dreg:$0xe] =	wrdreg s19  }
0x13: {  	s21 =	sadd.s32 $0x6000, s8;
	[dreg:$0xf] =	wrdreg s20  }
0x14: {  	s22 =	sadd.s32 $0x6800, s8;
	[dreg:$0x10] =	wrdreg s21  }
0x15: {  	s23 =	sadd.s32 $0x7000, s8;
	[dreg:$0x11] =	wrdreg s22  }
0x16: {  	s24 =	sadd.s32 $0x7800, s8;
	[dreg:$0x12] =	wrdreg s23  }
0x17: {  	s25 =	sadd.s32 $0x8000, s8;
	[dreg:$0x13] =	wrdreg s24  }
0x18: {  	[dreg:$0x14] =	wrdreg s25;
	s26 =	sadd.s32 $0x8800, s8  }
0x19: {  	s11 =	sadd.s32 $0x9000, s8;
	[dreg:$0x15] =	wrdreg s26  }
0x1a: {  	s12 =	sadd.s32 $0x9800, s8;
	[dreg:$0x16] =	wrdreg s11  }
0x1b: {  	s13 =	sadd.s32 $0xA000, s8;
	[dreg:$0x17] =	wrdreg s12  }
0x1c: {  	s14 =	sadd.s32 $0xA800, s8;
	[dreg:$0x18] =	wrdreg s13  }
0x1d: {  	s15 =	sadd.s32 $0xB000, s8;
	[dreg:$0x19] =	wrdreg s14  }
0x1e: {  	s16 =	sadd.s32 $0xB800, s8;
	[dreg:$0x1a] =	wrdreg s15  }
0x1f: {  	s17 =	sadd.s32 $0xC000, s8;
	[dreg:$0x1b] =	wrdreg s16  }
0x20: {  	s18 =	sadd.s32 $0x2F59, s5;
	[dreg:$0x1c] =	wrdreg s17  }
0x21: {  	s19 =	sadd.s32 $0x17AC80, s0;
	[dreg:$0x1d] =	wrdreg s18  }
0x22: {  	s20 =	sadd.s32 $0x17B480, s0;
	[dreg:$0x1e] =	wrdreg s19  }
0x23: {  	s21 =	sadd.s32 $0x17BC80, s0;
	[dreg:$0x1f] =	wrdreg s20  }
0x24: {  	s22 =	sadd.s32 $0x17C480, s0;
	[smem:$0x7E6] =	sst s21  }
0x25: {  	s23 =	sadd.s32 $0x17CC80, s0;
	[smem:$0x7E7] =	sst s22  }
0x26: {  	s24 =	sadd.s32 $0x17D480, s0;
	[smem:$0x7E8] =	sst s23  }
0x27: {  	s9 =	smul.u32 $0x187, s7;
	s25 =	sadd.s32 $0x17DC80, s0;
	[smem:$0x7E9] =	sst s24  }
0x28: {  	s8 =	sadd.s32 $0x17EC80, s0;
	[smem:$0x7EA] =	sst s25  }
0x29: {  	s5 =	sadd.s32 s5, s9;
	[smem:$0x7EC] =	sst s8  }
0x2a: {  	s29 =	simm.s32 $0x4;
	s26 =	sadd.s32 $0x17E480, s0;
	[smem:$0x7F5] =	sst s5  }
0x2b: {  	s30 =	simm.s32 $0x80;
	s11 =	sadd.s32 $0x17F480, s0;
	[smem:$0x7EB] =	sst s26  }
0x2c: {  	s31 =	simm.s32 $0xF78;
	s12 =	sadd.s32 $0x17FC80, s0;
	[smem:$0x7ED] =	sst s11  }
0x2d: {  	s3 =	sadd.s32 $0x400, s3;
	s13 =	sadd.s32 $0x180480, s0;
	[smem:$0x7EE] =	sst s12  }
0x2e: {  	p1 =	sne.s32 s4, $0x0;
	s14 =	sadd.s32 $0x180C80, s0;
	[smem:$0x7EF] =	sst s13  }
0x2f: {  	s4 =	simm.s32 $0x2;
	s16 =	sadd.s32 $0x181480, s0;
	[smem:$0x7F0] =	sst s14  }
0x30: {  	s6 =	ssub.s32 $0x2, s6;
	s17 =	sadd.s32 $0x181C80, s0;
	[smem:$0x7F1] =	sst s16  }
0x31: {  	s10 =	smul.u32 $0xC380, s7;
	s18 =	sadd.s32 $0x182480, s0;
	[smem:$0x7F2] =	sst s17  }
0x32: {  	p0 =	seq.s32 s7, $0x1F;
	s19 =	sadd.s32 $0x182C80, s0;
	[smem:$0x7F3] =	sst s18  }
0x33: {  	s7 =	simm.s32 $0x780;
	s20 =	sadd.s32 $0x183480, s0;
	[smem:$0x7F4] =	sst s19  }
0x34: {  	s9 =	simm.s32 $0x1;
	s21 =	sadd.s32 $0x183C80, s0;
	[smem:$0x7F6] =	sst s20  }
0x35: {  	s15 =	sshrl.u32 s6, $0x1;
	s22 =	sadd.s32 $0x184480, s0;
	[smem:$0x7F7] =	sst s21  }
0x36: {  	s23 =	sadd.s32 $0x184C80, s0;
	s24 =	sadd.s32 s0, s10;
	[smem:$0x7F8] =	sst s22  }
0x37: {  	s25 =	sadd.s32 $0x185480, s0;
	s8 =	simm.s32 $0xCF78;
	[smem:$0x7F9] =	sst s23  }
0x38: {  	s10 =	simm.s32 $0x3;
	s5 =	simm.s32 $0x680;
	[smem:$0x7FA] =	sst s24  }
0x39: {  	s6 =	ssub.s32 s6, s15;
	[smem:$0x7FB] =	sst s25;
	s26 =	sadd.s32 $0x185C80, s0  }
0x3a: {  	s0 =	sadd.s32 $0x186480, s0;
	s15 =	simm.s32 $0x400;
	s16 =	simm.s32 $0x480  }
0x3b: {  	s17 =	simm.s32 $0x500;
	s18 =	simm.s32 $0x580;
	s19 =	simm.s32 $0x600  }
.Ltmp0:
0x3c: {  	s20 =	simm.s32 $0x700;
	s21 =	simm.s32 $0x800;
	(pc) =	sbr.rel .LBB2_1-.Ltmp0, $4  }
0x3d: {  	s22 =	simm.s32 $0x880;
	s23 =	simm.s32 $0x900;
	s24 =	simm.s32 $0x980  }
0x3e: {  	s11 =	simm.s32 $0xA00;
	s25 =	simm.s32 $0xA80;
	[smem:$0x7FC] =	sst s26  }
0x3f: {  	s12 =	simm.s32 $0xB00;
	[smem:$0x7FD] =	sst s0;
	s28 =	smax.u32 s6, $0x1  }
0x40: {  	s0 =	simm.s32 $0x4F78;
	s6 =	simm.s32 $0x8F78;
	s26 =	simm.s32 $0xB80  }
.LBB2_3:
0x41: {  	s13 =	rddreg [dreg:$0x1d]  }
0x42: {  	[tilespmem:s2], [sflag:$0x4] =	stream.linear.gather [hbm4b:s13+s2], $0xBD8, $0x38;
	[tilespmem:$0x10F78] =	vst v63  }
0x43: {  	_ =	swait.ge [sflag:s29], $0xBD8  }
0x44: {  	[sflag:s29] =	ssyncset.done $0x0  }
0x45: {  	[sflag:s29] =	ssyncadd.s32 $0xFFFFF428  }
0x46: {  	[tilespmem:s31], [sflag:$0x2] =	stream.indirect.gather [hbm4b:s3+s30], $0x80, s2, s30, $0xb8;
	[tilespmem:$0x10F78] =	vst v63  }
0x47: {  	_ = 	snop  }
0x48: {  	[tilespmem:s0], [sflag:$0x2] =	stream.indirect.gather [hbm4b:s3+s30], $0x80, s30, s30, $0xb8;
	[tilespmem:$0x10F78] =	vst v63  }
0x49: {  	[bflag:$0x0] =	sbarrier.arrive $0xFFFF  }
0x4a: {  	_ =	swait.ge [sflag:s4], $0x4000  }
0x4b: {  	[sflag:s4] =	ssyncset.done $0x0  }
0x4c: {  	s14 =	rddreg [dreg:$0x1e];
	[sflag:s4] =	ssyncadd.s32 $0xFFFFC000  }
0x4d: {  	[hbm4b:s14+s2] =	stream.linear.scatter [tilespmem:s31], [sflag:$0x3], $0x4000, $0x38;
	[tilespmem:$0x10F78] =	vst v63  }
0x4e: {  	s14 =	simm.s32 $0x100  }
0x4f: {  	[tilespmem:s6], [sflag:$0x1] =	stream.indirect.gather [spmem:s1], $0x80, s14, s30, $0xb8;
	[tilespmem:$0x10F78] =	vst v63  }
0x50: {  	_ =	swait.ge [sflag:s4], $0x4000  }
0x51: {  	[sflag:s4] =	ssyncset.done $0x0  }
0x52: {  	s14 =	rddreg [dreg:$0x1f];
	[sflag:s4] =	ssyncadd.s32 $0xFFFFC000  }
0x53: {  	[hbm4b:s14+s2] =	stream.linear.scatter [tilespmem:s0], [sflag:$0x3], $0x4000, $0x38;
	[tilespmem:$0x10F78] =	vst v63  }
0x54: {  	s14 =	simm.s32 $0x180  }
0x55: {  	[tilespmem:s8], [sflag:$0x1] =	stream.indirect.gather [spmem:s1], $0x80, s14, s30, $0xb8;
	[tilespmem:$0x10F78] =	vst v63  }
0x56: {  	_ =	swait.ge [sflag:s9], $0x4000  }
0x57: {  	s14 =	sld [smem:$0x7E6]  }
0x58: {  	[sflag:s9] =	ssyncset.done $0x0  }
0x59: {  	[sflag:s9] =	ssyncadd.s32 $0xFFFFC000  }
0x5a: {  	[hbm4b:s14+s2] =	stream.linear.scatter [tilespmem:s6], [sflag:$0x3], $0x4000, $0x38;
	[tilespmem:$0x10F78] =	vst v63  }
0x5b: {  	_ =	swait.ge [sflag:s10], $0x4000  }
0x5c: {  	[sflag:s10] =	ssyncset.done $0x0  }
0x5d: {  	s14 =	simm.s32 $0x200;
	[sflag:s10] =	ssyncadd.s32 $0xFFFFC000  }
0x5e: {  	[tilespmem:s31], [sflag:$0x1] =	stream.indirect.gather [spmem:s1], $0x80, s14, s30, $0xb8;
	[tilespmem:$0x10F78] =	vst v63  }
0x5f: {  	_ =	swait.ge [sflag:s9], $0x4000  }
0x60: {  	s14 =	sld [smem:$0x7E7]  }
0x61: {  	[sflag:s9] =	ssyncset.done $0x0  }
0x62: {  	[sflag:s9] =	ssyncadd.s32 $0xFFFFC000  }
0x63: {  	[hbm4b:s14+s2] =	stream.linear.scatter [tilespmem:s8], [sflag:$0x3], $0x4000, $0x38;
	[tilespmem:$0x10F78] =	vst v63  }
0x64: {  	_ =	swait.ge [sflag:s10], $0x4000  }
0x65: {  	[sflag:s10] =	ssyncset.done $0x0  }
0x66: {  	s14 =	simm.s32 $0x280;
	[sflag:s10] =	ssyncadd.s32 $0xFFFFC000  }
0x67: {  	[tilespmem:s0], [sflag:$0x1] =	stream.indirect.gather [spmem:s1], $0x80, s14, s30, $0xb8;
	[tilespmem:$0x10F78] =	vst v63  }
0x68: {  	_ =	swait.ge [sflag:s9], $0x4000  }
0x69: {  	s14 =	sld [smem:$0x7E8]  }
0x6a: {  	[sflag:s9] =	ssyncset.done $0x0  }
0x6b: {  	[sflag:s9] =	ssyncadd.s32 $0xFFFFC000  }
0x6c: {  	[hbm4b:s14+s2] =	stream.linear.scatter [tilespmem:s31], [sflag:$0x3], $0x4000, $0x38;
	[tilespmem:$0x10F78] =	vst v63  }
0x6d: {  	_ =	swait.ge [sflag:s10], $0x4000  }
0x6e: {  	[sflag:s10] =	ssyncset.done $0x0  }
0x6f: {  	s14 =	simm.s32 $0x300;
	[sflag:s10] =	ssyncadd.s32 $0xFFFFC000  }
0x70: {  	[tilespmem:s6], [sflag:$0x1] =	stream.indirect.gather [spmem:s1], $0x80, s14, s30, $0xb8;
	[tilespmem:$0x10F78] =	vst v63  }
0x71: {  	_ =	swait.ge [sflag:s9], $0x4000  }
0x72: {  	s14 =	sld [smem:$0x7E9]  }
0x73: {  	[sflag:s9] =	ssyncset.done $0x0  }
0x74: {  	[sflag:s9] =	ssyncadd.s32 $0xFFFFC000  }
0x75: {  	[hbm4b:s14+s2] =	stream.linear.scatter [tilespmem:s0], [sflag:$0x3], $0x4000, $0x38;
	[tilespmem:$0x10F78] =	vst v63  }
0x76: {  	_ =	swait.ge [sflag:s10], $0x4000  }
0x77: {  	[sflag:s10] =	ssyncset.done $0x0  }
0x78: {  	s14 =	simm.s32 $0x380;
	[sflag:s10] =	ssyncadd.s32 $0xFFFFC000  }
0x79: {  	[tilespmem:s8], [sflag:$0x1] =	stream.indirect.gather [spmem:s1], $0x80, s14, s30, $0xb8;
	[tilespmem:$0x10F78] =	vst v63  }
0x7a: {  	_ =	swait.ge [sflag:s9], $0x4000  }
0x7b: {  	s14 =	sld [smem:$0x7EA]  }
0x7c: {  	[sflag:s9] =	ssyncset.done $0x0  }
0x7d: {  	[sflag:s9] =	ssyncadd.s32 $0xFFFFC000  }
0x7e: {  	[hbm4b:s14+s2] =	stream.linear.scatter [tilespmem:s6], [sflag:$0x3], $0x4000, $0x38;
	[tilespmem:$0x10F78] =	vst v63  }
0x7f: {  	_ =	swait.ge [sflag:s10], $0x4000  }
0x80: {  	[sflag:s10] =	ssyncset.done $0x0  }
0x81: {  	[sflag:s10] =	ssyncadd.s32 $0xFFFFC000  }
0x82: {  	[tilespmem:s31], [sflag:$0x1] =	stream.indirect.gather [spmem:s1], $0x80, s15, s30, $0xb8;
	[tilespmem:$0x10F78] =	vst v63  }
0x83: {  	_ =	swait.ge [sflag:s9], $0x4000  }
0x84: {  	s14 =	sld [smem:$0x7EB]  }
0x85: {  	[sflag:s9] =	ssyncset.done $0x0  }
0x86: {  	[sflag:s9] =	ssyncadd.s32 $0xFFFFC000  }
0x87: {  	[hbm4b:s14+s2] =	stream.linear.scatter [tilespmem:s8], [sflag:$0x3], $0x4000, $0x38;
	[tilespmem:$0x10F78] =	vst v63  }
0x88: {  	_ =	swait.ge [sflag:s10], $0x4000  }
0x89: {  	[sflag:s10] =	ssyncset.done $0x0  }
0x8a: {  	[sflag:s10] =	ssyncadd.s32 $0xFFFFC000  }
0x8b: {  	[tilespmem:s0], [sflag:$0x1] =	stream.indirect.gather [spmem:s1], $0x80, s16, s30, $0xb8;
	[tilespmem:$0x10F78] =	vst v63  }
0x8c: {  	_ =	swait.ge [sflag:s9], $0x4000  }
0x8d: {  	s14 =	sld [smem:$0x7EC]  }
0x8e: {  	[sflag:s9] =	ssyncset.done $0x0  }
0x8f: {  	[sflag:s9] =	ssyncadd.s32 $0xFFFFC000  }
0x90: {  	[hbm4b:s14+s2] =	stream.linear.scatter [tilespmem:s31], [sflag:$0x3], $0x4000, $0x38;
	[tilespmem:$0x10F78] =	vst v63  }
0x91: {  	_ =	swait.ge [sflag:s10], $0x4000  }
0x92: {  	[sflag:s10] =	ssyncset.done $0x0  }
0x93: {  	[sflag:s10] =	ssyncadd.s32 $0xFFFFC000  }
0x94: {  	[tilespmem:s6], [sflag:$0x1] =	stream.indirect.gather [spmem:s1], $0x80, s17, s30, $0xb8;
	[tilespmem:$0x10F78] =	vst v63  }
0x95: {  	_ =	swait.ge [sflag:s9], $0x4000  }
0x96: {  	s14 =	sld [smem:$0x7ED]  }
0x97: {  	[sflag:s9] =	ssyncset.done $0x0  }
0x98: {  	[sflag:s9] =	ssyncadd.s32 $0xFFFFC000  }
0x99: {  	[hbm4b:s14+s2] =	stream.linear.scatter [tilespmem:s0], [sflag:$0x3], $0x4000, $0x38;
	[tilespmem:$0x10F78] =	vst v63  }
0x9a: {  	_ =	swait.ge [sflag:s10], $0x4000  }
0x9b: {  	[sflag:s10] =	ssyncset.done $0x0  }
0x9c: {  	[sflag:s10] =	ssyncadd.s32 $0xFFFFC000  }
0x9d: {  	[tilespmem:s8], [sflag:$0x1] =	stream.indirect.gather [spmem:s1], $0x80, s18, s30, $0xb8;
	[tilespmem:$0x10F78] =	vst v63  }
0x9e: {  	_ =	swait.ge [sflag:s9], $0x4000  }
0x9f: {  	s14 =	sld [smem:$0x7EE]  }
0xa0: {  	[sflag:s9] =	ssyncset.done $0x0  }
0xa1: {  	[sflag:s9] =	ssyncadd.s32 $0xFFFFC000  }
0xa2: {  	[hbm4b:s14+s2] =	stream.linear.scatter [tilespmem:s6], [sflag:$0x3], $0x4000, $0x38;
	[tilespmem:$0x10F78] =	vst v63  }
0xa3: {  	_ =	swait.ge [sflag:s10], $0x4000  }
0xa4: {  	[sflag:s10] =	ssyncset.done $0x0  }
0xa5: {  	[sflag:s10] =	ssyncadd.s32 $0xFFFFC000  }
0xa6: {  	[tilespmem:s31], [sflag:$0x1] =	stream.indirect.gather [spmem:s1], $0x80, s19, s30, $0xb8;
	[tilespmem:$0x10F78] =	vst v63  }
0xa7: {  	_ =	swait.ge [sflag:s9], $0x4000  }
0xa8: {  	s14 =	sld [smem:$0x7EF]  }
0xa9: {  	[sflag:s9] =	ssyncset.done $0x0  }
0xaa: {  	[sflag:s9] =	ssyncadd.s32 $0xFFFFC000  }
0xab: {  	[hbm4b:s14+s2] =	stream.linear.scatter [tilespmem:s8], [sflag:$0x3], $0x4000, $0x38;
	[tilespmem:$0x10F78] =	vst v63  }
0xac: {  	_ =	swait.ge [sflag:s10], $0x4000  }
0xad: {  	[sflag:s10] =	ssyncset.done $0x0  }
0xae: {  	[sflag:s10] =	ssyncadd.s32 $0xFFFFC000  }
0xaf: {  	[tilespmem:s0], [sflag:$0x1] =	stream.indirect.gather [spmem:s1], $0x80, s5, s30, $0xb8;
	[tilespmem:$0x10F78] =	vst v63  }
0xb0: {  	_ =	swait.ge [sflag:s9], $0x4000  }
0xb1: {  	s14 =	sld [smem:$0x7F0]  }
0xb2: {  	[sflag:s9] =	ssyncset.done $0x0  }
0xb3: {  	[sflag:s9] =	ssyncadd.s32 $0xFFFFC000  }
0xb4: {  	[hbm4b:s14+s2] =	stream.linear.scatter [tilespmem:s31], [sflag:$0x3], $0x4000, $0x38;
	[tilespmem:$0x10F78] =	vst v63  }
0xb5: {  	_ =	swait.ge [sflag:s10], $0x4000  }
0xb6: {  	[sflag:s10] =	ssyncset.done $0x0  }
0xb7: {  	[sflag:s10] =	ssyncadd.s32 $0xFFFFC000  }
0xb8: {  	[tilespmem:s6], [sflag:$0x1] =	stream.indirect.gather [spmem:s1], $0x80, s20, s30, $0xb8;
	[tilespmem:$0x10F78] =	vst v63  }
0xb9: {  	_ =	swait.ge [sflag:s9], $0x4000  }
0xba: {  	s14 =	sld [smem:$0x7F1]  }
0xbb: {  	[sflag:s9] =	ssyncset.done $0x0  }
0xbc: {  	[sflag:s9] =	ssyncadd.s32 $0xFFFFC000  }
0xbd: {  	[hbm4b:s14+s2] =	stream.linear.scatter [tilespmem:s0], [sflag:$0x3], $0x4000, $0x38;
	[tilespmem:$0x10F78] =	vst v63  }
0xbe: {  	_ =	swait.ge [sflag:s10], $0x4000  }
0xbf: {  	[sflag:s10] =	ssyncset.done $0x0  }
0xc0: {  	[sflag:s10] =	ssyncadd.s32 $0xFFFFC000  }
0xc1: {  	[tilespmem:s8], [sflag:$0x1] =	stream.indirect.gather [spmem:s1], $0x80, s7, s30, $0xb8;
	[tilespmem:$0x10F78] =	vst v63  }
0xc2: {  	_ =	swait.ge [sflag:s9], $0x4000  }
0xc3: {  	s14 =	sld [smem:$0x7F2]  }
0xc4: {  	[sflag:s9] =	ssyncset.done $0x0  }
0xc5: {  	[sflag:s9] =	ssyncadd.s32 $0xFFFFC000  }
0xc6: {  	[hbm4b:s14+s2] =	stream.linear.scatter [tilespmem:s6], [sflag:$0x3], $0x4000, $0x38;
	[tilespmem:$0x10F78] =	vst v63  }
0xc7: {  	_ =	swait.ge [sflag:s10], $0x4000  }
0xc8: {  	[sflag:s10] =	ssyncset.done $0x0  }
0xc9: {  	[sflag:s10] =	ssyncadd.s32 $0xFFFFC000  }
0xca: {  	[tilespmem:s31], [sflag:$0x1] =	stream.indirect.gather [spmem:s1], $0x80, s21, s30, $0xb8;
	[tilespmem:$0x10F78] =	vst v63  }
0xcb: {  	_ =	swait.ge [sflag:s9], $0x4000  }
0xcc: {  	s14 =	sld [smem:$0x7F3]  }
0xcd: {  	[sflag:s9] =	ssyncset.done $0x0  }
0xce: {  	[sflag:s9] =	ssyncadd.s32 $0xFFFFC000  }
0xcf: {  	[hbm4b:s14+s2] =	stream.linear.scatter [tilespmem:s8], [sflag:$0x3], $0x4000, $0x38;
	[tilespmem:$0x10F78] =	vst v63  }
0xd0: {  	_ =	swait.ge [sflag:s10], $0x4000  }
0xd1: {  	[sflag:s10] =	ssyncset.done $0x0  }
0xd2: {  	[sflag:s10] =	ssyncadd.s32 $0xFFFFC000  }
0xd3: {  	[tilespmem:s0], [sflag:$0x1] =	stream.indirect.gather [spmem:s1], $0x80, s22, s30, $0xb8;
	[tilespmem:$0x10F78] =	vst v63  }
0xd4: {  	_ =	swait.ge [sflag:s9], $0x4000  }
0xd5: {  	s14 =	sld [smem:$0x7F4]  }
0xd6: {  	[sflag:s9] =	ssyncset.done $0x0  }
0xd7: {  	[sflag:s9] =	ssyncadd.s32 $0xFFFFC000  }
0xd8: {  	[hbm4b:s14+s2] =	stream.linear.scatter [tilespmem:s31], [sflag:$0x3], $0x4000, $0x38;
	[tilespmem:$0x10F78] =	vst v63  }
0xd9: {  	_ =	swait.ge [sflag:s10], $0x4000  }
0xda: {  	[sflag:s10] =	ssyncset.done $0x0  }
0xdb: {  	[sflag:s10] =	ssyncadd.s32 $0xFFFFC000  }
0xdc: {  	[tilespmem:s6], [sflag:$0x1] =	stream.indirect.gather [spmem:s1], $0x80, s23, s30, $0xb8;
	[tilespmem:$0x10F78] =	vst v63  }
0xdd: {  	_ =	swait.ge [sflag:s9], $0x4000  }
0xde: {  	s14 =	sld [smem:$0x7F6]  }
0xdf: {  	[sflag:s9] =	ssyncset.done $0x0  }
0xe0: {  	[sflag:s9] =	ssyncadd.s32 $0xFFFFC000  }
0xe1: {  	[hbm4b:s14+s2] =	stream.linear.scatter [tilespmem:s0], [sflag:$0x3], $0x4000, $0x38;
	[tilespmem:$0x10F78] =	vst v63  }
0xe2: {  	_ =	swait.ge [sflag:s10], $0x4000  }
0xe3: {  	[sflag:s10] =	ssyncset.done $0x0  }
0xe4: {  	[sflag:s10] =	ssyncadd.s32 $0xFFFFC000  }
0xe5: {  	[tilespmem:s8], [sflag:$0x1] =	stream.indirect.gather [spmem:s1], $0x80, s24, s30, $0xb8;
	[tilespmem:$0x10F78] =	vst v63  }
0xe6: {  	_ =	swait.ge [sflag:s9], $0x4000  }
0xe7: {  	s14 =	sld [smem:$0x7F7]  }
0xe8: {  	[sflag:s9] =	ssyncset.done $0x0  }
0xe9: {  	[sflag:s9] =	ssyncadd.s32 $0xFFFFC000  }
0xea: {  	[hbm4b:s14+s2] =	stream.linear.scatter [tilespmem:s6], [sflag:$0x3], $0x4000, $0x38;
	[tilespmem:$0x10F78] =	vst v63  }
0xeb: {  	_ =	swait.ge [sflag:s10], $0x4000  }
0xec: {  	[sflag:s10] =	ssyncset.done $0x0  }
0xed: {  	[sflag:s10] =	ssyncadd.s32 $0xFFFFC000  }
0xee: {  	[tilespmem:s31], [sflag:$0x1] =	stream.indirect.gather [spmem:s1], $0x80, s11, s30, $0xb8;
	[tilespmem:$0x10F78] =	vst v63  }
0xef: {  	_ =	swait.ge [sflag:s9], $0x4000  }
0xf0: {  	s14 =	sld [smem:$0x7F8]  }
0xf1: {  	[sflag:s9] =	ssyncset.done $0x0  }
0xf2: {  	[sflag:s9] =	ssyncadd.s32 $0xFFFFC000  }
0xf3: {  	[hbm4b:s14+s2] =	stream.linear.scatter [tilespmem:s8], [sflag:$0x3], $0x4000, $0x38;
	[tilespmem:$0x10F78] =	vst v63  }
0xf4: {  	_ =	swait.ge [sflag:s10], $0x4000  }
0xf5: {  	[sflag:s10] =	ssyncset.done $0x0  }
0xf6: {  	[sflag:s10] =	ssyncadd.s32 $0xFFFFC000  }
0xf7: {  	[tilespmem:s0], [sflag:$0x1] =	stream.indirect.gather [spmem:s1], $0x80, s25, s30, $0xb8;
	[tilespmem:$0x10F78] =	vst v63  }
0xf8: {  	_ =	swait.ge [sflag:s9], $0x4000  }
0xf9: {  	s14 =	sld [smem:$0x7F9]  }
0xfa: {  	[sflag:s9] =	ssyncset.done $0x0  }
0xfb: {  	[sflag:s9] =	ssyncadd.s32 $0xFFFFC000  }
0xfc: {  	[hbm4b:s14+s2] =	stream.linear.scatter [tilespmem:s31], [sflag:$0x3], $0x4000, $0x38;
	[tilespmem:$0x10F78] =	vst v63  }
0xfd: {  	_ =	swait.ge [sflag:s10], $0x4000  }
0xfe: {  	[sflag:s10] =	ssyncset.done $0x0  }
0xff: {  	[sflag:s10] =	ssyncadd.s32 $0xFFFFC000  }
0x100: {  	[tilespmem:s6], [sflag:$0x1] =	stream.indirect.gather [spmem:s1], $0x80, s12, s30, $0xb8;
	[tilespmem:$0x10F78] =	vst v63  }
0x101: {  	_ =	swait.ge [sflag:s9], $0x4000  }
0x102: {  	s14 =	sld [smem:$0x7FB]  }
0x103: {  	[sflag:s9] =	ssyncset.done $0x0  }
0x104: {  	[sflag:s9] =	ssyncadd.s32 $0xFFFFC000  }
0x105: {  	[hbm4b:s14+s2] =	stream.linear.scatter [tilespmem:s0], [sflag:$0x3], $0x4000, $0x38;
	[tilespmem:$0x10F78] =	vst v63  }
0x106: {  	_ =	swait.ge [sflag:s10], $0x4000  }
0x107: {  	[sflag:s10] =	ssyncset.done $0x0  }
0x108: {  	s14 =	simm.s32 $0x58;
	[sflag:s10] =	ssyncadd.s32 $0xFFFFC000  }
0x109: {  	[tilespmem:s8], [sflag:$0x1] =	stream.indirect.gather [spmem:s1], $0x80, s26, s14, $0xb8;
	[tilespmem:$0x10F78] =	vst v63  }
0x10a: {  	_ =	swait.ge [sflag:s9], $0x4000  }
0x10b: {  	s14 =	sld [smem:$0x7FC]  }
0x10c: {  	[sflag:s9] =	ssyncset.done $0x0  }
0x10d: {  	[sflag:s9] =	ssyncadd.s32 $0xFFFFC000  }
0x10e: {  	[hbm4b:s14+s2] =	stream.linear.scatter [tilespmem:s6], [sflag:$0x3], $0x4000, $0x38;
	[tilespmem:$0x10F78] =	vst v63  }
0x10f: {  	_ =	swait.ge [sflag:s10], $0x4000  }
0x110: {  	[sflag:s10] =	ssyncset.done $0x0  }
0x111: {  	[sflag:s10] =	ssyncadd.s32 $0xFFFFC000  }
0x112: {  	_ =	swait.ge [sflag:s9], $0x2C00  }
0x113: {  	s14 =	sld [smem:$0x7FD]  }
0x114: {  	[sflag:s9] =	ssyncset.done $0x0  }
0x115: {  	[sflag:s9] =	ssyncadd.s32 $0xFFFFD400  }
0x116: {  	[hbm4b:s14+s2] =	stream.linear.scatter [tilespmem:s8], [sflag:$0x3], $0x2C00, $0x38;
	[tilespmem:$0x10F78] =	vst v63  }
0x117: {  	_ =	swait.ge [sflag:s10], $0x4000  }
0x118: {  	[sflag:s10] =	ssyncset.done $0x0  }
0x119: {  	[sflag:s10] =	ssyncadd.s32 $0xFFFFC000  }
0x11a: {  	_ =	swait.ge [sflag:s10], $0x4000  }
0x11b: {  	[sflag:s10] =	ssyncset.done $0x0  }
0x11c: {  	[sflag:s10] =	ssyncadd.s32 $0xFFFFC000  }
0x11d: {  	_ =	swait.ge [sflag:s10], $0x2C00  }
0x11e: {  	[sflag:s10] =	ssyncset.done $0x0  }
0x11f: {  	[sflag:s10] =	ssyncadd.s32 $0xFFFFD400  }
.LBB2_4:
0x120: {  	s28 =	sadd.s32 $0xFFFFFFFF, s28  }
0x121: {  	p2 =	sne.s32 s28, $0x0  }
.Ltmp1:
0x122: {  	_ = 	snop;
	(pc) =	sbr.rel @!p2 .LBB2_5-.Ltmp1, $1  }
0x123: {  	_ =	sdelay $0x3  }
.LBB2_1:
0x124: {  	s13 =	sshrl.u32 @!p1 s1, $0x3;
	s14 =	simm.s32 @!p1 $0x1C04  }
0x125: {  	[spmem:s13], [sflag:s14] =	dma.local @!p1 [hbm:s3], $0x5F0  }
.Ltmp2:
0x126: {  	_ = 	snop;
	(pc) =	sbr.rel @p0 .LBB2_3-.Ltmp2, $4  }
0x127: {  	s13 =	simm.s32 @!p1 $0x4  }
0x128: {  	_ =	swait.ge @!p1 [sflag:s13], $0x5F0  }
0x129: {  	[sflag:s13] =	ssyncset.done @!p1 $0x0  }
0x12a: {  	[sflag:s13] =	ssyncadd.s32 @!p1 $0xFFFFFA10  }
0x12b: {  	s13 =	sld [smem:$0x7F5];
	_ =	sdelay $0x2  }
0x12c: {  	[tilespmem:s2], [sflag:$0x4] =	stream.linear.gather [hbm4b:s13+s2], $0xC38, $0x38;
	[tilespmem:$0x10F78] =	vst v63  }
0x12d: {  	_ =	swait.ge [sflag:s29], $0xC38  }
0x12e: {  	[sflag:s29] =	ssyncset.done $0x0  }
0x12f: {  	[sflag:s29] =	ssyncadd.s32 $0xFFFFF3C8  }
0x130: {  	[tilespmem:s31], [sflag:$0x2] =	stream.indirect.gather [hbm4b:s3+s30], $0x80, s2, s30, $0xb8;
	[tilespmem:$0x10F78] =	vst v63  }
0x131: {  	_ = 	snop  }
0x132: {  	[tilespmem:s0], [sflag:$0x2] =	stream.indirect.gather [hbm4b:s3+s30], $0x80, s30, s30, $0xb8;
	[tilespmem:$0x10F78] =	vst v63  }
0x133: {  	[bflag:$0x0] =	sbarrier.arrive $0xFFFF  }
0x134: {  	_ =	swait.ge [sflag:s4], $0x4000  }
0x135: {  	s14 =	sld [smem:$0x7FA]  }
0x136: {  	[sflag:s4] =	ssyncset.done $0x0  }
0x137: {  	[sflag:s4] =	ssyncadd.s32 $0xFFFFC000  }
0x138: {  	[hbm4b:s14+s2] =	stream.linear.scatter [tilespmem:s31], [sflag:$0x3], $0x4000, $0x38;
	[tilespmem:$0x10F78] =	vst v63  }
0x139: {  	s14 =	simm.s32 $0x100  }
0x13a: {  	[tilespmem:s6], [sflag:$0x1] =	stream.indirect.gather [spmem:s1], $0x80, s14, s30, $0xb8;
	[tilespmem:$0x10F78] =	vst v63  }
0x13b: {  	_ =	swait.ge [sflag:s4], $0x4000  }
0x13c: {  	[sflag:s4] =	ssyncset.done $0x0  }
0x13d: {  	s14 =	rddreg [dreg:$0x5];
	[sflag:s4] =	ssyncadd.s32 $0xFFFFC000  }
0x13e: {  	[hbm4b:s14+s2] =	stream.linear.scatter [tilespmem:s0], [sflag:$0x3], $0x4000, $0x38;
	[tilespmem:$0x10F78] =	vst v63  }
0x13f: {  	s14 =	simm.s32 $0x180  }
0x140: {  	[tilespmem:s8], [sflag:$0x1] =	stream.indirect.gather [spmem:s1], $0x80, s14, s30, $0xb8;
	[tilespmem:$0x10F78] =	vst v63  }
0x141: {  	_ =	swait.ge [sflag:s9], $0x4000  }
0x142: {  	[sflag:s9] =	ssyncset.done $0x0  }
0x143: {  	s14 =	rddreg [dreg:$0x6];
	[sflag:s9] =	ssyncadd.s32 $0xFFFFC000  }
0x144: {  	[hbm4b:s14+s2] =	stream.linear.scatter [tilespmem:s6], [sflag:$0x3], $0x4000, $0x38;
	[tilespmem:$0x10F78] =	vst v63  }
0x145: {  	_ =	swait.ge [sflag:s10], $0x4000  }
0x146: {  	[sflag:s10] =	ssyncset.done $0x0  }
0x147: {  	s14 =	simm.s32 $0x200;
	[sflag:s10] =	ssyncadd.s32 $0xFFFFC000  }
0x148: {  	[tilespmem:s31], [sflag:$0x1] =	stream.indirect.gather [spmem:s1], $0x80, s14, s30, $0xb8;
	[tilespmem:$0x10F78] =	vst v63  }
0x149: {  	_ =	swait.ge [sflag:s9], $0x4000  }
0x14a: {  	[sflag:s9] =	ssyncset.done $0x0  }
0x14b: {  	s14 =	rddreg [dreg:$0x7];
	[sflag:s9] =	ssyncadd.s32 $0xFFFFC000  }
0x14c: {  	[hbm4b:s14+s2] =	stream.linear.scatter [tilespmem:s8], [sflag:$0x3], $0x4000, $0x38;
	[tilespmem:$0x10F78] =	vst v63  }
0x14d: {  	_ =	swait.ge [sflag:s10], $0x4000  }
0x14e: {  	[sflag:s10] =	ssyncset.done $0x0  }
0x14f: {  	s14 =	simm.s32 $0x280;
	[sflag:s10] =	ssyncadd.s32 $0xFFFFC000  }
0x150: {  	[tilespmem:s0], [sflag:$0x1] =	stream.indirect.gather [spmem:s1], $0x80, s14, s30, $0xb8;
	[tilespmem:$0x10F78] =	vst v63  }
0x151: {  	_ =	swait.ge [sflag:s9], $0x4000  }
0x152: {  	[sflag:s9] =	ssyncset.done $0x0  }
0x153: {  	s14 =	rddreg [dreg:$0x8];
	[sflag:s9] =	ssyncadd.s32 $0xFFFFC000  }
0x154: {  	[hbm4b:s14+s2] =	stream.linear.scatter [tilespmem:s31], [sflag:$0x3], $0x4000, $0x38;
	[tilespmem:$0x10F78] =	vst v63  }
0x155: {  	_ =	swait.ge [sflag:s10], $0x4000  }
0x156: {  	[sflag:s10] =	ssyncset.done $0x0  }
0x157: {  	s14 =	simm.s32 $0x300;
	[sflag:s10] =	ssyncadd.s32 $0xFFFFC000  }
0x158: {  	[tilespmem:s6], [sflag:$0x1] =	stream.indirect.gather [spmem:s1], $0x80, s14, s30, $0xb8;
	[tilespmem:$0x10F78] =	vst v63  }
0x159: {  	_ =	swait.ge [sflag:s9], $0x4000  }
0x15a: {  	[sflag:s9] =	ssyncset.done $0x0  }
0x15b: {  	s14 =	rddreg [dreg:$0x9];
	[sflag:s9] =	ssyncadd.s32 $0xFFFFC000  }
0x15c: {  	[hbm4b:s14+s2] =	stream.linear.scatter [tilespmem:s0], [sflag:$0x3], $0x4000, $0x38;
	[tilespmem:$0x10F78] =	vst v63  }
0x15d: {  	_ =	swait.ge [sflag:s10], $0x4000  }
0x15e: {  	[sflag:s10] =	ssyncset.done $0x0  }
0x15f: {  	s14 =	simm.s32 $0x380;
	[sflag:s10] =	ssyncadd.s32 $0xFFFFC000  }
0x160: {  	[tilespmem:s8], [sflag:$0x1] =	stream.indirect.gather [spmem:s1], $0x80, s14, s30, $0xb8;
	[tilespmem:$0x10F78] =	vst v63  }
0x161: {  	_ =	swait.ge [sflag:s9], $0x4000  }
0x162: {  	[sflag:s9] =	ssyncset.done $0x0  }
0x163: {  	s14 =	rddreg [dreg:$0xa];
	[sflag:s9] =	ssyncadd.s32 $0xFFFFC000  }
0x164: {  	[hbm4b:s14+s2] =	stream.linear.scatter [tilespmem:s6], [sflag:$0x3], $0x4000, $0x38;
	[tilespmem:$0x10F78] =	vst v63  }
0x165: {  	_ =	swait.ge [sflag:s10], $0x4000  }
0x166: {  	[sflag:s10] =	ssyncset.done $0x0  }
0x167: {  	[sflag:s10] =	ssyncadd.s32 $0xFFFFC000  }
0x168: {  	[tilespmem:s31], [sflag:$0x1] =	stream.indirect.gather [spmem:s1], $0x80, s15, s30, $0xb8;
	[tilespmem:$0x10F78] =	vst v63  }
0x169: {  	_ =	swait.ge [sflag:s9], $0x4000  }
0x16a: {  	[sflag:s9] =	ssyncset.done $0x0  }
0x16b: {  	s14 =	rddreg [dreg:$0xb];
	[sflag:s9] =	ssyncadd.s32 $0xFFFFC000  }
0x16c: {  	[hbm4b:s14+s2] =	stream.linear.scatter [tilespmem:s8], [sflag:$0x3], $0x4000, $0x38;
	[tilespmem:$0x10F78] =	vst v63  }
0x16d: {  	_ =	swait.ge [sflag:s10], $0x4000  }
0x16e: {  	[sflag:s10] =	ssyncset.done $0x0  }
0x16f: {  	[sflag:s10] =	ssyncadd.s32 $0xFFFFC000  }
0x170: {  	[tilespmem:s0], [sflag:$0x1] =	stream.indirect.gather [spmem:s1], $0x80, s16, s30, $0xb8;
	[tilespmem:$0x10F78] =	vst v63  }
0x171: {  	_ =	swait.ge [sflag:s9], $0x4000  }
0x172: {  	[sflag:s9] =	ssyncset.done $0x0  }
0x173: {  	s14 =	rddreg [dreg:$0xc];
	[sflag:s9] =	ssyncadd.s32 $0xFFFFC000  }
0x174: {  	[hbm4b:s14+s2] =	stream.linear.scatter [tilespmem:s31], [sflag:$0x3], $0x4000, $0x38;
	[tilespmem:$0x10F78] =	vst v63  }
0x175: {  	_ =	swait.ge [sflag:s10], $0x4000  }
0x176: {  	[sflag:s10] =	ssyncset.done $0x0  }
0x177: {  	[sflag:s10] =	ssyncadd.s32 $0xFFFFC000  }
0x178: {  	[tilespmem:s6], [sflag:$0x1] =	stream.indirect.gather [spmem:s1], $0x80, s17, s30, $0xb8;
	[tilespmem:$0x10F78] =	vst v63  }
0x179: {  	_ =	swait.ge [sflag:s9], $0x4000  }
0x17a: {  	[sflag:s9] =	ssyncset.done $0x0  }
0x17b: {  	s14 =	rddreg [dreg:$0xd];
	[sflag:s9] =	ssyncadd.s32 $0xFFFFC000  }
0x17c: {  	[hbm4b:s14+s2] =	stream.linear.scatter [tilespmem:s0], [sflag:$0x3], $0x4000, $0x38;
	[tilespmem:$0x10F78] =	vst v63  }
0x17d: {  	_ =	swait.ge [sflag:s10], $0x4000  }
0x17e: {  	[sflag:s10] =	ssyncset.done $0x0  }
0x17f: {  	[sflag:s10] =	ssyncadd.s32 $0xFFFFC000  }
0x180: {  	[tilespmem:s8], [sflag:$0x1] =	stream.indirect.gather [spmem:s1], $0x80, s18, s30, $0xb8;
	[tilespmem:$0x10F78] =	vst v63  }
0x181: {  	_ =	swait.ge [sflag:s9], $0x4000  }
0x182: {  	[sflag:s9] =	ssyncset.done $0x0  }
0x183: {  	s14 =	rddreg [dreg:$0xe];
	[sflag:s9] =	ssyncadd.s32 $0xFFFFC000  }
0x184: {  	[hbm4b:s14+s2] =	stream.linear.scatter [tilespmem:s6], [sflag:$0x3], $0x4000, $0x38;
	[tilespmem:$0x10F78] =	vst v63  }
0x185: {  	_ =	swait.ge [sflag:s10], $0x4000  }
0x186: {  	[sflag:s10] =	ssyncset.done $0x0  }
0x187: {  	[sflag:s10] =	ssyncadd.s32 $0xFFFFC000  }
0x188: {  	[tilespmem:s31], [sflag:$0x1] =	stream.indirect.gather [spmem:s1], $0x80, s19, s30, $0xb8;
	[tilespmem:$0x10F78] =	vst v63  }
0x189: {  	_ =	swait.ge [sflag:s9], $0x4000  }
0x18a: {  	[sflag:s9] =	ssyncset.done $0x0  }
0x18b: {  	s14 =	rddreg [dreg:$0xf];
	[sflag:s9] =	ssyncadd.s32 $0xFFFFC000  }
0x18c: {  	[hbm4b:s14+s2] =	stream.linear.scatter [tilespmem:s8], [sflag:$0x3], $0x4000, $0x38;
	[tilespmem:$0x10F78] =	vst v63  }
0x18d: {  	_ =	swait.ge [sflag:s10], $0x4000  }
0x18e: {  	[sflag:s10] =	ssyncset.done $0x0  }
0x18f: {  	[sflag:s10] =	ssyncadd.s32 $0xFFFFC000  }
0x190: {  	[tilespmem:s0], [sflag:$0x1] =	stream.indirect.gather [spmem:s1], $0x80, s5, s30, $0xb8;
	[tilespmem:$0x10F78] =	vst v63  }
0x191: {  	_ =	swait.ge [sflag:s9], $0x4000  }
0x192: {  	[sflag:s9] =	ssyncset.done $0x0  }
0x193: {  	s14 =	rddreg [dreg:$0x10];
	[sflag:s9] =	ssyncadd.s32 $0xFFFFC000  }
0x194: {  	[hbm4b:s14+s2] =	stream.linear.scatter [tilespmem:s31], [sflag:$0x3], $0x4000, $0x38;
	[tilespmem:$0x10F78] =	vst v63  }
0x195: {  	_ =	swait.ge [sflag:s10], $0x4000  }
0x196: {  	[sflag:s10] =	ssyncset.done $0x0  }
0x197: {  	[sflag:s10] =	ssyncadd.s32 $0xFFFFC000  }
0x198: {  	[tilespmem:s6], [sflag:$0x1] =	stream.indirect.gather [spmem:s1], $0x80, s20, s30, $0xb8;
	[tilespmem:$0x10F78] =	vst v63  }
0x199: {  	_ =	swait.ge [sflag:s9], $0x4000  }
0x19a: {  	[sflag:s9] =	ssyncset.done $0x0  }
0x19b: {  	s14 =	rddreg [dreg:$0x11];
	[sflag:s9] =	ssyncadd.s32 $0xFFFFC000  }
0x19c: {  	[hbm4b:s14+s2] =	stream.linear.scatter [tilespmem:s0], [sflag:$0x3], $0x4000, $0x38;
	[tilespmem:$0x10F78] =	vst v63  }
0x19d: {  	_ =	swait.ge [sflag:s10], $0x4000  }
0x19e: {  	[sflag:s10] =	ssyncset.done $0x0  }
0x19f: {  	[sflag:s10] =	ssyncadd.s32 $0xFFFFC000  }
0x1a0: {  	[tilespmem:s8], [sflag:$0x1] =	stream.indirect.gather [spmem:s1], $0x80, s7, s30, $0xb8;
	[tilespmem:$0x10F78] =	vst v63  }
0x1a1: {  	_ =	swait.ge [sflag:s9], $0x4000  }
0x1a2: {  	[sflag:s9] =	ssyncset.done $0x0  }
0x1a3: {  	s14 =	rddreg [dreg:$0x12];
	[sflag:s9] =	ssyncadd.s32 $0xFFFFC000  }
0x1a4: {  	[hbm4b:s14+s2] =	stream.linear.scatter [tilespmem:s6], [sflag:$0x3], $0x4000, $0x38;
	[tilespmem:$0x10F78] =	vst v63  }
0x1a5: {  	_ =	swait.ge [sflag:s10], $0x4000  }
0x1a6: {  	[sflag:s10] =	ssyncset.done $0x0  }
0x1a7: {  	[sflag:s10] =	ssyncadd.s32 $0xFFFFC000  }
0x1a8: {  	[tilespmem:s31], [sflag:$0x1] =	stream.indirect.gather [spmem:s1], $0x80, s21, s30, $0xb8;
	[tilespmem:$0x10F78] =	vst v63  }
0x1a9: {  	_ =	swait.ge [sflag:s9], $0x4000  }
0x1aa: {  	[sflag:s9] =	ssyncset.done $0x0  }
0x1ab: {  	s14 =	rddreg [dreg:$0x13];
	[sflag:s9] =	ssyncadd.s32 $0xFFFFC000  }
0x1ac: {  	[hbm4b:s14+s2] =	stream.linear.scatter [tilespmem:s8], [sflag:$0x3], $0x4000, $0x38;
	[tilespmem:$0x10F78] =	vst v63  }
0x1ad: {  	_ =	swait.ge [sflag:s10], $0x4000  }
0x1ae: {  	[sflag:s10] =	ssyncset.done $0x0  }
0x1af: {  	[sflag:s10] =	ssyncadd.s32 $0xFFFFC000  }
0x1b0: {  	[tilespmem:s0], [sflag:$0x1] =	stream.indirect.gather [spmem:s1], $0x80, s22, s30, $0xb8;
	[tilespmem:$0x10F78] =	vst v63  }
0x1b1: {  	_ =	swait.ge [sflag:s9], $0x4000  }
0x1b2: {  	[sflag:s9] =	ssyncset.done $0x0  }
0x1b3: {  	s14 =	rddreg [dreg:$0x14];
	[sflag:s9] =	ssyncadd.s32 $0xFFFFC000  }
0x1b4: {  	[hbm4b:s14+s2] =	stream.linear.scatter [tilespmem:s31], [sflag:$0x3], $0x4000, $0x38;
	[tilespmem:$0x10F78] =	vst v63  }
0x1b5: {  	_ =	swait.ge [sflag:s10], $0x4000  }
0x1b6: {  	[sflag:s10] =	ssyncset.done $0x0  }
0x1b7: {  	[sflag:s10] =	ssyncadd.s32 $0xFFFFC000  }
0x1b8: {  	[tilespmem:s6], [sflag:$0x1] =	stream.indirect.gather [spmem:s1], $0x80, s23, s30, $0xb8;
	[tilespmem:$0x10F78] =	vst v63  }
0x1b9: {  	_ =	swait.ge [sflag:s9], $0x4000  }
0x1ba: {  	[sflag:s9] =	ssyncset.done $0x0  }
0x1bb: {  	s14 =	rddreg [dreg:$0x15];
	[sflag:s9] =	ssyncadd.s32 $0xFFFFC000  }
0x1bc: {  	[hbm4b:s14+s2] =	stream.linear.scatter [tilespmem:s0], [sflag:$0x3], $0x4000, $0x38;
	[tilespmem:$0x10F78] =	vst v63  }
0x1bd: {  	_ =	swait.ge [sflag:s10], $0x4000  }
0x1be: {  	[sflag:s10] =	ssyncset.done $0x0  }
0x1bf: {  	[sflag:s10] =	ssyncadd.s32 $0xFFFFC000  }
0x1c0: {  	[tilespmem:s8], [sflag:$0x1] =	stream.indirect.gather [spmem:s1], $0x80, s24, s30, $0xb8;
	[tilespmem:$0x10F78] =	vst v63  }
0x1c1: {  	_ =	swait.ge [sflag:s9], $0x4000  }
0x1c2: {  	[sflag:s9] =	ssyncset.done $0x0  }
0x1c3: {  	s14 =	rddreg [dreg:$0x16];
	[sflag:s9] =	ssyncadd.s32 $0xFFFFC000  }
0x1c4: {  	[hbm4b:s14+s2] =	stream.linear.scatter [tilespmem:s6], [sflag:$0x3], $0x4000, $0x38;
	[tilespmem:$0x10F78] =	vst v63  }
0x1c5: {  	_ =	swait.ge [sflag:s10], $0x4000  }
0x1c6: {  	[sflag:s10] =	ssyncset.done $0x0  }
0x1c7: {  	[sflag:s10] =	ssyncadd.s32 $0xFFFFC000  }
0x1c8: {  	[tilespmem:s31], [sflag:$0x1] =	stream.indirect.gather [spmem:s1], $0x80, s11, s30, $0xb8;
	[tilespmem:$0x10F78] =	vst v63  }
0x1c9: {  	_ =	swait.ge [sflag:s9], $0x4000  }
0x1ca: {  	[sflag:s9] =	ssyncset.done $0x0  }
0x1cb: {  	s14 =	rddreg [dreg:$0x17];
	[sflag:s9] =	ssyncadd.s32 $0xFFFFC000  }
0x1cc: {  	[hbm4b:s14+s2] =	stream.linear.scatter [tilespmem:s8], [sflag:$0x3], $0x4000, $0x38;
	[tilespmem:$0x10F78] =	vst v63  }
0x1cd: {  	_ =	swait.ge [sflag:s10], $0x4000  }
0x1ce: {  	[sflag:s10] =	ssyncset.done $0x0  }
0x1cf: {  	[sflag:s10] =	ssyncadd.s32 $0xFFFFC000  }
0x1d0: {  	[tilespmem:s0], [sflag:$0x1] =	stream.indirect.gather [spmem:s1], $0x80, s25, s30, $0xb8;
	[tilespmem:$0x10F78] =	vst v63  }
0x1d1: {  	_ =	swait.ge [sflag:s9], $0x4000  }
0x1d2: {  	[sflag:s9] =	ssyncset.done $0x0  }
0x1d3: {  	s14 =	rddreg [dreg:$0x18];
	[sflag:s9] =	ssyncadd.s32 $0xFFFFC000  }
0x1d4: {  	[hbm4b:s14+s2] =	stream.linear.scatter [tilespmem:s31], [sflag:$0x3], $0x4000, $0x38;
	[tilespmem:$0x10F78] =	vst v63  }
0x1d5: {  	_ =	swait.ge [sflag:s10], $0x4000  }
0x1d6: {  	[sflag:s10] =	ssyncset.done $0x0  }
0x1d7: {  	[sflag:s10] =	ssyncadd.s32 $0xFFFFC000  }
0x1d8: {  	[tilespmem:s6], [sflag:$0x1] =	stream.indirect.gather [spmem:s1], $0x80, s12, s30, $0xb8;
	[tilespmem:$0x10F78] =	vst v63  }
0x1d9: {  	_ =	swait.ge [sflag:s9], $0x4000  }
0x1da: {  	[sflag:s9] =	ssyncset.done $0x0  }
0x1db: {  	s14 =	rddreg [dreg:$0x19];
	[sflag:s9] =	ssyncadd.s32 $0xFFFFC000  }
0x1dc: {  	[hbm4b:s14+s2] =	stream.linear.scatter [tilespmem:s0], [sflag:$0x3], $0x4000, $0x38;
	[tilespmem:$0x10F78] =	vst v63  }
0x1dd: {  	_ =	swait.ge [sflag:s10], $0x4000  }
0x1de: {  	[sflag:s10] =	ssyncset.done $0x0  }
0x1df: {  	[sflag:s10] =	ssyncadd.s32 $0xFFFFC000  }
0x1e0: {  	[tilespmem:s8], [sflag:$0x1] =	stream.indirect.gather [spmem:s1], $0x80, s26, s30, $0xb8;
	[tilespmem:$0x10F78] =	vst v63  }
0x1e1: {  	_ =	swait.ge [sflag:s9], $0x4000  }
0x1e2: {  	[sflag:s9] =	ssyncset.done $0x0  }
0x1e3: {  	s14 =	rddreg [dreg:$0x1a];
	[sflag:s9] =	ssyncadd.s32 $0xFFFFC000  }
0x1e4: {  	[hbm4b:s14+s2] =	stream.linear.scatter [tilespmem:s6], [sflag:$0x3], $0x4000, $0x38;
	[tilespmem:$0x10F78] =	vst v63  }
0x1e5: {  	_ =	swait.ge [sflag:s10], $0x4000  }
0x1e6: {  	[sflag:s10] =	ssyncset.done $0x0  }
0x1e7: {  	s13 =	simm.s32 $0x38;
	s14 =	simm.s32 $0xC00;
	[sflag:s10] =	ssyncadd.s32 $0xFFFFC000  }
0x1e8: {  	[tilespmem:s31], [sflag:$0x1] =	stream.indirect.gather [spmem:s1], $0x80, s14, s13, $0xb8;
	[tilespmem:$0x10F78] =	vst v63  }
0x1e9: {  	_ =	swait.ge [sflag:s9], $0x4000  }
0x1ea: {  	[sflag:s9] =	ssyncset.done $0x0  }
0x1eb: {  	s14 =	rddreg [dreg:$0x1b];
	[sflag:s9] =	ssyncadd.s32 $0xFFFFC000  }
0x1ec: {  	[hbm4b:s14+s2] =	stream.linear.scatter [tilespmem:s8], [sflag:$0x3], $0x4000, $0x38;
	[tilespmem:$0x10F78] =	vst v63  }
0x1ed: {  	_ =	swait.ge [sflag:s10], $0x4000  }
0x1ee: {  	[sflag:s10] =	ssyncset.done $0x0  }
0x1ef: {  	[sflag:s10] =	ssyncadd.s32 $0xFFFFC000  }
0x1f0: {  	_ =	swait.ge [sflag:s9], $0x1C00  }
0x1f1: {  	[sflag:s9] =	ssyncset.done $0x0  }
0x1f2: {  	s14 =	rddreg [dreg:$0x1c];
	[sflag:s9] =	ssyncadd.s32 $0xFFFFE400  }
0x1f3: {  	[hbm4b:s14+s2] =	stream.linear.scatter [tilespmem:s31], [sflag:$0x3], $0x1C00, $0x38;
	[tilespmem:$0x10F78] =	vst v63  }
0x1f4: {  	_ =	swait.ge [sflag:s10], $0x4000  }
0x1f5: {  	[sflag:s10] =	ssyncset.done $0x0  }
0x1f6: {  	[sflag:s10] =	ssyncadd.s32 $0xFFFFC000  }
0x1f7: {  	_ =	swait.ge [sflag:s10], $0x4000  }
.Ltmp3:
0x1f8: {  	[sflag:s10] =	ssyncset.done $0x0;
	(pc) =	sbr.rel .LBB2_4-.Ltmp3, $4  }
0x1f9: {  	[sflag:s10] =	ssyncadd.s32 $0xFFFFC000  }
0x1fa: {  	_ =	swait.ge [sflag:s10], $0x1C00  }
0x1fb: {  	[sflag:s10] =	ssyncset.done $0x0  }
0x1fc: {  	[sflag:s10] =	ssyncadd.s32 $0xFFFFE400  }
.LBB2_5:
0x1fd: {  	_ =	sfence.sel $0x180000  }
0x1fe: {  	[bflag:$0x0] =	sbarrier.arrive $0xFFFF  }
0x1ff: {  	_ =	strace $0x90000047  }
0x200: {  	[bflag:$0x2] =	sbarrier.arrive $0xFFFF  }
0x201: {  	s0 =	rddreg [dreg:$0x4]  }
0x202: {  	s0 =	sadd.s32 @!p1 $0x100000, s0  }
0x203: {  	[sflag:s0] =	ssyncadd.tile.s32 @!p1 $0x1;
	_ =	shalt  }
.Lfunc_end2:
_tile_overlayer_lowered:
.L_overlay_start_2:
0x204: {  	(tag) =	ssettag $0x2  }
0x205: {  	s0 =	rddreg [dreg:$0x0];
	s2 =	stileid.u32  }
0x206: {  	s1 =	rddreg [dreg:$0x1];
	p0 =	sne.s32 s2, $0x0  }
0x207: {  	s3 =	rddreg [dreg:$0x2];
	[bflag:$0x3] =	sbarrier.arrive $0xFFFF;
	s2 =	simm.s32 @!p0 $0x1C04  }
0x208: {  	[timem:s3], [sflag:s2] =	dma.local @!p0 [hbm:s0], s1  }
0x209: {  	s0 =	simm.s32 @!p0 $0x4  }
0x20a: {  	_ =	swait.ge @!p0 [sflag:s0], s1  }
0x20b: {  	s1 =	ssub.s32 @!p0 $0x0, s1;
	[sflag:s0] =	ssyncset.done @!p0 $0x0  }
0x20c: {  	[sflag:s0] =	ssyncadd.s32 @!p0 s1  }
0x20d: {  	[bflag:$0x3] =	sbarrier.arrive $0xFFFF  }
0x20e: {  	_ =	shalt  }

</sc_bundles>
